<compile_context>
chip_gen: v7x
topology: tpu7x:2x2x1
jax: 0.10.2.dev20260603
libtpu: 0.0.44.dev20260713+nightly
codegen_flags: <defaults>
</compile_context>

<pallas_src>
import jax
import jax.numpy as jnp
from jax import lax
from jax.experimental import pallas as pl
from jax.experimental.pallas import tpu as pltpu
from jax.experimental.pallas import tpu_sc as plsc

N = 10000
E = 320000
D = 128
SIZE2 = 1024

NC = 2
NS = 16
NW = NC * NS
CHUNK = 128
CPT = 80
NCH_PAD = CPT * NW
E_PAD = NCH_PAD * CHUNK
N_P = 10240
TR = N_P // NS
DUMMY = N


def _mesh():
    return plsc.VectorSubcoreMesh(core_axis_name="c", subcore_axis_name="s",
                                  num_cores=NC, num_subcores=NS)


def _deg_body(col0_hbm, col1_hbm, ones_hbm, zeros_hbm, out_hbm,
              d_sp, cib, ones_v):
    c = lax.axis_index("c")
    s = lax.axis_index("s")
    w = c * NS + s
    sl = pl.ds(s * TR, TR)

    pltpu.sync_copy(ones_hbm, ones_v)
    for lyr, col_hbm in ((0, col0_hbm), (1, col1_hbm)):
        pltpu.sync_copy(zeros_hbm.at[sl], d_sp.at[sl])
        plsc.subcore_barrier()

        def super_body(S, carry):
            base = w * CPT + S * SCW
            pltpu.sync_copy(col_hbm.at[pl.ds(base, SCW)], cib)
            for jj in range(SCW):
                pltpu.sync_copy(ones_v, d_sp.at[cib.at[jj]], add=True)
            return carry

        lax.fori_loop(0, NSUPER, super_body, 0)
        plsc.subcore_barrier()
        pltpu.sync_copy(d_sp.at[sl], out_hbm.at[c, lyr, sl])
        plsc.subcore_barrier()


def _degrees(col0, col1, ones, zeros):
    f = pl.kernel(
        _deg_body,
        out_type=jax.ShapeDtypeStruct((NC, 2, N_P, D), jnp.float32),
        mesh=_mesh(),
        scratch_types=[
            pltpu.VMEM_SHARED((N_P, D), jnp.float32),
            pltpu.VMEM((SCW, CHUNK), jnp.int32),
            pltpu.VMEM((CHUNK, D), jnp.float32),
        ],
    )
    return f(col0, col1, ones, zeros)


SCW = 8
NSUPER = CPT // SCW


def _scat_body(hs_hbm, ridx_hbm, cidx_hbm, out_hbm,
               acc_sp, rib, cib, rows0, rows1, sem0, sem1):
    c = lax.axis_index("c")
    s = lax.axis_index("s")
    w = c * NS + s
    sl = pl.ds(s * TR, TR)

    pltpu.sync_copy(hs_hbm.at[sl], acc_sp.at[sl])
    plsc.subcore_barrier()

    def super_body(S, carry):
        base = w * CPT + S * SCW
        pltpu.sync_copy(ridx_hbm.at[pl.ds(base, SCW)], rib)
        pltpu.sync_copy(cidx_hbm.at[pl.ds(base, SCW)], cib)
        handles = [None, None]
        handles[0] = pltpu.async_copy(hs_hbm.at[rib.at[0]], rows0, sem0)
        for jj in range(SCW):
            cur = rows0 if jj % 2 == 0 else rows1
            if jj + 1 < SCW:
                nxt, nsem = (rows1, sem1) if jj % 2 == 0 else (rows0, sem0)
                handles[(jj + 1) % 2] = pltpu.async_copy(
                    hs_hbm.at[rib.at[jj + 1]], nxt, nsem)
            handles[jj % 2].wait()
            pltpu.sync_copy(cur, acc_sp.at[cib.at[jj]], add=True)
        return carry

    lax.fori_loop(0, NSUPER, super_body, 0)
    plsc.subcore_barrier()
    pltpu.sync_copy(acc_sp.at[sl], out_hbm.at[c, sl])


def _scatter(hs, ridx, cidx):
    f = pl.kernel(
        _scat_body,
        out_type=jax.ShapeDtypeStruct((NC, N_P, D), jnp.float32),
        mesh=_mesh(),
        scratch_types=[
            pltpu.VMEM_SHARED((N_P, D), jnp.float32),
            pltpu.VMEM((SCW, CHUNK), jnp.int32),
            pltpu.VMEM((SCW, CHUNK), jnp.int32),
            pltpu.VMEM((CHUNK, D), jnp.float32),
            pltpu.VMEM((CHUNK, D), jnp.float32),
            pltpu.SemaphoreType.DMA,
            pltpu.SemaphoreType.DMA,
        ],
    )
    return f(hs, ridx, cidx)


BN = 1000
GRID = N // BN


def _dinv_from(dc, layer):
    deg = dc[0, layer] + dc[1, layer] + 1.0
    return lax.rsqrt(deg)


def _mm_body(x_ref, w_ref, o_ref):
    o_ref[...] = jnp.dot(x_ref[...], w_ref[...],
                         preferred_element_type=jnp.float32)


def _mm(x, W1):
    return pl.pallas_call(
        _mm_body,
        grid=(GRID,),
        in_specs=[
            pl.BlockSpec((BN, D), lambda i: (i, 0)),
            pl.BlockSpec((D, D), lambda i: (0, 0)),
        ],
        out_specs=pl.BlockSpec((BN, D), lambda i: (i, 0)),
        out_shape=jax.ShapeDtypeStruct((N_P, D), jnp.float32),
    )(x, W1)


def _scale_body(xw_ref, dc_ref, o_ref):
    o_ref[...] = _dinv_from(dc_ref[...], 0) * xw_ref[...]


def _scale(xw, dc):
    return pl.pallas_call(
        _scale_body,
        grid=(GRID,),
        in_specs=[
            pl.BlockSpec((BN, D), lambda i: (i, 0)),
            pl.BlockSpec((NC, 2, BN, D), lambda i: (0, 0, i, 0)),
        ],
        out_specs=pl.BlockSpec((BN, D), lambda i: (i, 0)),
        out_shape=jax.ShapeDtypeStruct((N_P, D), jnp.float32),
    )(xw, dc)


def _mid_body(ap_ref, hs_ref, dc_ref, w_ref, b_ref, o_ref):
    dc = dc_ref[...]
    a = ap_ref[0] + ap_ref[1] - hs_ref[...]
    h1 = jnp.maximum(_dinv_from(dc, 0) * a + b_ref[...], 0.0)
    h2 = jnp.dot(h1, w_ref[...], preferred_element_type=jnp.float32)
    o_ref[...] = _dinv_from(dc, 1) * h2


def _mid(accp, hs1, dc, W2, b1r):
    return pl.pallas_call(
        _mid_body,
        grid=(GRID,),
        in_specs=[
            pl.BlockSpec((NC, BN, D), lambda i: (0, i, 0)),
            pl.BlockSpec((BN, D), lambda i: (i, 0)),
            pl.BlockSpec((NC, 2, BN, D), lambda i: (0, 0, i, 0)),
            pl.BlockSpec((D, D), lambda i: (0, 0)),
            pl.BlockSpec((1, D), lambda i: (0, 0)),
        ],
        out_specs=pl.BlockSpec((BN, D), lambda i: (i, 0)),
        out_shape=jax.ShapeDtypeStruct((N_P, D), jnp.float32),
    )(accp, hs1, dc, W2, b1r)


def _dec_body(ap_ref, hs_ref, dc_ref, b_ref, lz_ref, adj_ref):
    a = ap_ref[0] + ap_ref[1] - hs_ref[...]
    z = _dinv_from(dc_ref[...], 1) * a + b_ref[...]
    adj_ref[...] = lax.dot_general(z, z, (((1,), (1,)), ((), ())),
                                   preferred_element_type=jnp.float32)
    m = jnp.max(z, axis=-1, keepdims=True)
    ez = jnp.exp(z - m)
    lz_ref[...] = (z - m) - jnp.log(jnp.sum(ez, axis=-1, keepdims=True))


def _decoder(accp2, hs2, dc, b2r):
    return pl.pallas_call(
        _dec_body,
        grid=(1,),
        in_specs=[
            pl.BlockSpec((NC, SIZE2, D), lambda i: (0, 0, 0)),
            pl.BlockSpec((SIZE2, D), lambda i: (0, 0)),
            pl.BlockSpec((NC, 2, SIZE2, D), lambda i: (0, 0, 0, 0)),
            pl.BlockSpec((1, D), lambda i: (0, 0)),
        ],
        out_specs=[
            pl.BlockSpec((SIZE2, D), lambda i: (0, 0)),
            pl.BlockSpec((SIZE2, SIZE2), lambda i: (0, 0)),
        ],
        out_shape=[
            jax.ShapeDtypeStruct((SIZE2, D), jnp.float32),
            jax.ShapeDtypeStruct((SIZE2, SIZE2), jnp.float32),
        ],
    )(accp2, hs2, dc, b2r)


def _pad_idx(v, pad):
    return jnp.concatenate([v.astype(jnp.int32), pad]).reshape(NCH_PAD, CHUNK)


def kernel(x, edge_index0, edge_index1, W1, b1, W2, b2, size1_dst, size2_dst):
    pad_i = jnp.arange(E_PAD - E, dtype=jnp.int32)
    pad_r = pad_i % N
    pad_c = N + pad_i % (N_P - N)
    ridx0 = _pad_idx(edge_index0[0], pad_r)
    cidx0 = _pad_idx(edge_index0[1], pad_c)
    ridx1 = _pad_idx(edge_index1[0], pad_r)
    cidx1 = _pad_idx(edge_index1[1], pad_c)
    ones = jnp.ones((CHUNK, D), jnp.float32)
    zeros = jnp.zeros((N_P, D), jnp.float32)
    b1r = b1.reshape(1, D)
    b2r = b2.reshape(1, D)

    xw = _mm(x, W1)
    dc = _degrees(cidx0, cidx1, ones, zeros)
    hs1 = _scale(xw, dc)
    accp1 = _scatter(hs1, ridx0, cidx0)
    hs2 = _mid(accp1, hs1, dc, W2, b1r)
    accp2 = _scatter(hs2, ridx1, cidx1)
    lz, adj = _decoder(accp2, hs2, dc, b2r)
    return (lz, adj)

# --- scband reference (transcript-rebuilt; emitter-appended) ---
"""Pipeline reference for scband-net-42322607735216 (READ-ONLY COPY).

The authoritative reference and input builder live on the scoring server;
editing this copy changes nothing except your own understanding.
"""

import jax, jax.numpy as jnp
import numpy as np

N = 10000
E = 320000
D_IN = 128
D_HID = 128
D_OUT = 128
SIZE2 = 1024


def gcn_conv(x, edge_index, W, b):
    # PyG GCNConv: linear transform, add self-loops, symmetric normalization, scatter-add
    n = x.shape[0]
    h = x @ W
    sl = jnp.arange(n, dtype=edge_index.dtype)
    row = jnp.concatenate([edge_index[0], sl])
    col = jnp.concatenate([edge_index[1], sl])
    deg = jnp.zeros((n,), h.dtype).at[col].add(1.0)
    dinv = jax.lax.rsqrt(jnp.maximum(deg, 1e-12))
    norm = dinv[row] * dinv[col]
    out = jnp.zeros_like(h).at[col].add(norm[:, None] * h[row])
    return out + b


def setup_inputs(seed: int = 0) -> dict:
    key = jax.random.key(seed)
    ks = jax.random.split(key, 8)
    x = jax.random.normal(ks[0], (N, D_IN), dtype=jnp.float32)
    edge_index0 = jax.random.randint(ks[1], (2, E), 0, N, dtype=jnp.int32)
    edge_index1 = jax.random.randint(ks[2], (2, E), 0, N, dtype=jnp.int32)
    s1 = float(np.sqrt(2.0 / (D_IN + D_HID)))
    s2 = float(np.sqrt(2.0 / (D_HID + D_OUT)))
    W1 = jax.random.normal(ks[3], (D_IN, D_HID), dtype=jnp.float32) * s1
    b1 = jnp.zeros((D_HID,), dtype=jnp.float32)
    W2 = jax.random.normal(ks[4], (D_HID, D_OUT), dtype=jnp.float32) * s2
    b2 = jnp.zeros((D_OUT,), dtype=jnp.float32)
    return {"x": x, "edge_index0": edge_index0, "edge_index1": edge_index1,
            "W1": W1, "b1": b1, "W2": W2, "b2": b2,
            "size1_dst": N, "size2_dst": SIZE2}


def reference(x, edge_index0, edge_index1, W1, b1, W2, b2, size1_dst, size2_dst):
    # layer 0
    h = gcn_conv(x, edge_index0, W1, b1)
    h = jax.nn.relu(h)
    # dropout omitted (deterministic / eval mode)
    # layer 1
    h = gcn_conv(h, edge_index1, W2, b2)
    z = jax.lax.dynamic_slice_in_dim(h, size2_dst - SIZE2, SIZE2, axis=0)
    adj = z @ z.T  # InnerProductDecoder with identity activation
    return (jax.nn.log_softmax(z, axis=-1), adj)

if __name__ == "__main__":
    import jax
    _d = setup_inputs()
    print(jax.jit(kernel)(*tuple(_d.values())))

</pallas_src>

<mosaic_0001>
#map = affine_map<(d0, d1) -> (0, 0)>
#map1 = affine_map<(d0, d1) -> (0, 0, 0)>
module attributes {stable_mosaic.version = 14 : i64} {
  func.func @_scat_body(%arg0: i32, %arg1: i32, %arg2: memref<10240x128xf32, #tpu.memory_space<hbm>>, %arg3: memref<2560x128xi32, #tpu.memory_space<hbm>>, %arg4: memref<2560x128xi32, #tpu.memory_space<hbm>>, %arg5: memref<2x10240x128xf32, #tpu.memory_space<hbm>>, %arg6: memref<10240x128xf32, #tpu.memory_space<vmem_shared>>, %arg7: memref<8x128xi32, #tpu.memory_space<vmem>>, %arg8: memref<8x128xi32, #tpu.memory_space<vmem>>, %arg9: memref<128x128xf32, #tpu.memory_space<vmem>>, %arg10: memref<128x128xf32, #tpu.memory_space<vmem>>, %arg11: memref<!tpu.dma_semaphore, #tpu.memory_space<semaphore_mem>>, %arg12: memref<!tpu.dma_semaphore, #tpu.memory_space<semaphore_mem>>) attributes {dimension_semantics = [#tpu.dimension_semantics<core_parallel>, #tpu.dimension_semantics<subcore_parallel>], iteration_bounds = array<i64: 2, 16>, scalar_prefetch = 0 : i64, scratch_operands = 7 : i64, tpu.core_type = #tpu.core_type<sc_vector_subcore>, window_params = [{transform_indices = #map}, {transform_indices = #map}, {transform_indices = #map}, {transform_indices = #map1}]} {
    %mul3A = arith.constant 16 : i32
    %mul3A_0 = arith.muli %arg0, %mul3A : i32
    %add3A = arith.addi %mul3A_0, %arg1 : i32
    %mul3A_1 = arith.constant 640 : i32
    %mul3A_2 = arith.muli %arg1, %mul3A_1 : i32
    "tpu.region"() ({
      %run_scoped3A = tpu.sem_alloc : memref<!tpu.dma_semaphore, #tpu.memory_space<semaphore_mem>>
      %dma_start3A = arith.constant 0 : i32
      %dma_start3A_9 = tpu.memref_slice %arg6[%mul3A_2, %dma_start3A] : memref<10240x128xf32, #tpu.memory_space<vmem_shared>> -> memref<640x128xf32, #tpu.memory_space<vmem_shared>>
      %dma_start3A_10 = arith.constant 0 : i32
      %dma_start3A_11 = tpu.memref_slice %arg2[%mul3A_2, %dma_start3A_10] : memref<10240x128xf32, #tpu.memory_space<hbm>> -> memref<640x128xf32, #tpu.memory_space<hbm>>
      tpu.enqueue_dma source(%dma_start3A_11 : memref<640x128xf32, #tpu.memory_space<hbm>>) target(%dma_start3A_9 : memref<640x128xf32, #tpu.memory_space<vmem_shared>>) target_semaphore(%run_scoped3A : memref<!tpu.dma_semaphore, #tpu.memory_space<semaphore_mem>>)
      %dma_wait3A = arith.constant 0 : i32
      %dma_wait3A_12 = tpu.memref_slice %arg6[%mul3A_2, %dma_wait3A] : memref<10240x128xf32, #tpu.memory_space<vmem_shared>> -> memref<640x128xf32, #tpu.memory_space<vmem_shared>>
      %dma_wait3A_13 = arith.constant 0 : i32
      %dma_wait3A_14 = tpu.memref_slice %arg2[%mul3A_2, %dma_wait3A_13] : memref<10240x128xf32, #tpu.memory_space<hbm>> -> memref<640x128xf32, #tpu.memory_space<hbm>>
      tpu.wait_dma2 semaphore(%run_scoped3A : memref<!tpu.dma_semaphore, #tpu.memory_space<semaphore_mem>>) src(%dma_wait3A_14 : memref<640x128xf32, #tpu.memory_space<hbm>>) dst(%dma_wait3A_12 : memref<640x128xf32, #tpu.memory_space<vmem_shared>>)
      tpu.yield
    }) : () -> ()
    %barrier3A = arith.constant 0 : index
    tpu.barrier barrier_id(%barrier3A)
    %scan3A = arith.constant 0 : i32
    %scan3A_3 = arith.constant 0 : i32
    %scan3A_4 = arith.constant 10 : i32
    %scan3A_5 = arith.addi %scan3A_3, %scan3A_4 : i32
    %scan3A_6 = arith.constant 1 : i32
    scf.for %scan3A_9 = %scan3A_3 to %scan3A_5 step %scan3A_6  : i32 {
      %mul3A_10 = arith.constant 80 : i32
      %mul3A_11 = arith.muli %add3A, %mul3A_10 : i32
      %mul3A_12 = arith.constant 8 : i32
      %mul3A_13 = arith.muli %scan3A_9, %mul3A_12 : i32
      %add3A_14 = arith.addi %mul3A_11, %mul3A_13 : i32
      "tpu.region"() ({
        %run_scoped3A_132 = tpu.sem_alloc : memref<!tpu.dma_semaphore, #tpu.memory_space<semaphore_mem>>
        %dma_start3A_133 = arith.constant 0 : i32
        %dma_start3A_134 = tpu.memref_slice %arg3[%add3A_14, %dma_start3A_133] : memref<2560x128xi32, #tpu.memory_space<hbm>> -> memref<8x128xi32, #tpu.memory_space<hbm>>
        %dma_start3A_135 = arith.constant 0 : i32
        %dma_start3A_136 = tpu.memref_slice %arg3[%add3A_14, %dma_start3A_135] : memref<2560x128xi32, #tpu.memory_space<hbm>> -> memref<8x128xi32, #tpu.memory_space<hbm>>
        tpu.enqueue_dma source(%dma_start3A_136 : memref<8x128xi32, #tpu.memory_space<hbm>>) target(%arg7 : memref<8x128xi32, #tpu.memory_space<vmem>>) target_semaphore(%run_scoped3A_132 : memref<!tpu.dma_semaphore, #tpu.memory_space<semaphore_mem>>)
        %dma_wait3A_137 = arith.constant 0 : i32
        %dma_wait3A_138 = tpu.memref_slice %arg3[%add3A_14, %dma_wait3A_137] : memref<2560x128xi32, #tpu.memory_space<hbm>> -> memref<8x128xi32, #tpu.memory_space<hbm>>
        %dma_wait3A_139 = arith.constant 0 : i32
        %dma_wait3A_140 = tpu.memref_slice %arg3[%add3A_14, %dma_wait3A_139] : memref<2560x128xi32, #tpu.memory_space<hbm>> -> memref<8x128xi32, #tpu.memory_space<hbm>>
        tpu.wait_dma2 semaphore(%run_scoped3A_132 : memref<!tpu.dma_semaphore, #tpu.memory_space<semaphore_mem>>) src(%dma_wait3A_140 : memref<8x128xi32, #tpu.memory_space<hbm>>) dst(%arg7 : memref<8x128xi32, #tpu.memory_space<vmem>>)
        tpu.yield
      }) : () -> ()
      "tpu.region"() ({
        %run_scoped3A_132 = tpu.sem_alloc : memref<!tpu.dma_semaphore, #tpu.memory_space<semaphore_mem>>
        %dma_start3A_133 = arith.constant 0 : i32
        %dma_start3A_134 = tpu.memref_slice %arg4[%add3A_14, %dma_start3A_133] : memref<2560x128xi32, #tpu.memory_space<hbm>> -> memref<8x128xi32, #tpu.memory_space<hbm>>
        %dma_start3A_135 = arith.constant 0 : i32
        %dma_start3A_136 = tpu.memref_slice %arg4[%add3A_14, %dma_start3A_135] : memref<2560x128xi32, #tpu.memory_space<hbm>> -> memref<8x128xi32, #tpu.memory_space<hbm>>
        tpu.enqueue_dma source(%dma_start3A_136 : memref<8x128xi32, #tpu.memory_space<hbm>>) target(%arg8 : memref<8x128xi32, #tpu.memory_space<vmem>>) target_semaphore(%run_scoped3A_132 : memref<!tpu.dma_semaphore, #tpu.memory_space<semaphore_mem>>)
        %dma_wait3A_137 = arith.constant 0 : i32
        %dma_wait3A_138 = tpu.memref_slice %arg4[%add3A_14, %dma_wait3A_137] : memref<2560x128xi32, #tpu.memory_space<hbm>> -> memref<8x128xi32, #tpu.memory_space<hbm>>
        %dma_wait3A_139 = arith.constant 0 : i32
        %dma_wait3A_140 = tpu.memref_slice %arg4[%add3A_14, %dma_wait3A_139] : memref<2560x128xi32, #tpu.memory_space<hbm>> -> memref<8x128xi32, #tpu.memory_space<hbm>>
        tpu.wait_dma2 semaphore(%run_scoped3A_132 : memref<!tpu.dma_semaphore, #tpu.memory_space<semaphore_mem>>) src(%dma_wait3A_140 : memref<8x128xi32, #tpu.memory_space<hbm>>) dst(%arg8 : memref<8x128xi32, #tpu.memory_space<vmem>>)
        tpu.yield
      }) : () -> ()
      %dma_start3A = arith.constant 0 : i32
      %dma_start3A_15 = arith.constant 0 : i32
      %dma_start3A_16 = tpu.memref_slice %arg7[%dma_start3A, %dma_start3A_15] : memref<8x128xi32, #tpu.memory_space<vmem>> -> memref<1x128xi32, #tpu.memory_space<vmem>>
      %dma_start3A_17 = tpu.memref_squeeze %dma_start3A_16 : memref<1x128xi32, #tpu.memory_space<vmem>> -> memref<128xi32, #tpu.memory_space<vmem>>
      %dma_start3A_18 = arith.constant 0 : i32
      %dma_start3A_19 = arith.constant 0 : i32
      %dma_start3A_20 = tpu.memref_slice %arg2[%dma_start3A_18, %dma_start3A_19] : memref<10240x128xf32, #tpu.memory_space<hbm>> -> memref<10240x128xf32, #tpu.memory_space<hbm>>
      tpu.enqueue_indirect_dma source(%dma_start3A_20 : memref<10240x128xf32, #tpu.memory_space<hbm>>) target(%arg9 : memref<128x128xf32, #tpu.memory_space<vmem>>) offsets(%dma_start3A_17 : memref<128xi32, #tpu.memory_space<vmem>>) semaphore(%arg11 : memref<!tpu.dma_semaphore, #tpu.memory_space<semaphore_mem>>)
      %dma_start3A_21 = arith.constant 1 : i32
      %dma_start3A_22 = arith.constant 0 : i32
      %dma_start3A_23 = tpu.memref_slice %arg7[%dma_start3A_21, %dma_start3A_22] : memref<8x128xi32, #tpu.memory_space<vmem>> -> memref<1x128xi32, #tpu.memory_space<vmem>>
      %dma_start3A_24 = tpu.memref_squeeze %dma_start3A_23 : memref<1x128xi32, #tpu.memory_space<vmem>> -> memref<128xi32, #tpu.memory_space<vmem>>
      %dma_start3A_25 = arith.constant 0 : i32
      %dma_start3A_26 = arith.constant 0 : i32
      %dma_start3A_27 = tpu.memref_slice %arg2[%dma_start3A_25, %dma_start3A_26] : memref<10240x128xf32, #tpu.memory_space<hbm>> -> memref<10240x128xf32, #tpu.memory_space<hbm>>
      tpu.enqueue_indirect_dma source(%dma_start3A_27 : memref<10240x128xf32, #tpu.memory_space<hbm>>) target(%arg10 : memref<128x128xf32, #tpu.memory_space<vmem>>) offsets(%dma_start3A_24 : memref<128xi32, #tpu.memory_space<vmem>>) semaphore(%arg12 : memref<!tpu.dma_semaphore, #tpu.memory_space<semaphore_mem>>)
      %dma_wait3A = arith.constant 0 : i32
      %dma_wait3A_28 = arith.constant 0 : i32
      %dma_wait3A_29 = tpu.memref_slice %arg7[%dma_wait3A, %dma_wait3A_28] : memref<8x128xi32, #tpu.memory_space<vmem>> -> memref<1x128xi32, #tpu.memory_space<vmem>>
      %dma_wait3A_30 = tpu.memref_squeeze %dma_wait3A_29 : memref<1x128xi32, #tpu.memory_space<vmem>> -> memref<128xi32, #tpu.memory_space<vmem>>
      %dma_wait3A_31 = arith.constant 0 : i32
      %dma_wait3A_32 = arith.constant 0 : i32
      %dma_wait3A_33 = tpu.memref_slice %arg2[%dma_wait3A_31, %dma_wait3A_32] : memref<10240x128xf32, #tpu.memory_space<hbm>> -> memref<10240x128xf32, #tpu.memory_space<hbm>>
      tpu.wait_indirect_dma semaphore(%arg11 : memref<!tpu.dma_semaphore, #tpu.memory_space<semaphore_mem>>) src(%dma_wait3A_33 : memref<10240x128xf32, #tpu.memory_space<hbm>>) dst(%arg9 : memref<128x128xf32, #tpu.memory_space<vmem>>)
      %run_scoped3A = arith.constant 0 : i32
      "tpu.region"() ({
        %run_scoped3A_132 = tpu.sem_alloc : memref<!tpu.dma_semaphore, #tpu.memory_space<semaphore_mem>>
        %dma_start3A_133 = arith.constant 0 : i32
        %dma_start3A_134 = tpu.memref_slice %arg8[%run_scoped3A, %dma_start3A_133] : memref<8x128xi32, #tpu.memory_space<vmem>> -> memref<1x128xi32, #tpu.memory_space<vmem>>
        %dma_start3A_135 = tpu.memref_squeeze %dma_start3A_134 : memref<1x128xi32, #tpu.memory_space<vmem>> -> memref<128xi32, #tpu.memory_space<vmem>>
        %dma_start3A_136 = arith.constant 0 : i32
        %dma_start3A_137 = arith.constant 0 : i32
        %dma_start3A_138 = tpu.memref_slice %arg6[%dma_start3A_136, %dma_start3A_137] : memref<10240x128xf32, #tpu.memory_space<vmem_shared>> -> memref<10240x128xf32, #tpu.memory_space<vmem_shared>>
        tpu.enqueue_indirect_dma source(%arg9 : memref<128x128xf32, #tpu.memory_space<vmem>>) target(%dma_start3A_138 : memref<10240x128xf32, #tpu.memory_space<vmem_shared>>) offsets(%dma_start3A_135 : memref<128xi32, #tpu.memory_space<vmem>>) semaphore(%run_scoped3A_132 : memref<!tpu.dma_semaphore, #tpu.memory_space<semaphore_mem>>) {add = true}
        %dma_wait3A_139 = arith.constant 0 : i32
        %dma_wait3A_140 = tpu.memref_slice %arg8[%run_scoped3A, %dma_wait3A_139] : memref<8x128xi32, #tpu.memory_space<vmem>> -> memref<1x128xi32, #tpu.memory_space<vmem>>
        %dma_wait3A_141 = tpu.memref_squeeze %dma_wait3A_140 : memref<1x128xi32, #tpu.memory_space<vmem>> -> memref<128xi32, #tpu.memory_space<vmem>>
        %dma_wait3A_142 = arith.constant 0 : i32
        %dma_wait3A_143 = arith.constant 0 : i32
        %dma_wait3A_144 = tpu.memref_slice %arg6[%dma_wait3A_142, %dma_wait3A_143] : memref<10240x128xf32, #tpu.memory_space<vmem_shared>> -> memref<10240x128xf32, #tpu.memory_space<vmem_shared>>
        tpu.wait_indirect_dma semaphore(%run_scoped3A_132 : memref<!tpu.dma_semaphore, #tpu.memory_space<semaphore_mem>>) src(%arg9 : memref<128x128xf32, #tpu.memory_space<vmem>>) dst(%dma_wait3A_144 : memref<10240x128xf32, #tpu.memory_space<vmem_shared>>)
        tpu.yield
      }) : () -> ()
      %dma_start3A_34 = arith.constant 2 : i32
      %dma_start3A_35 = arith.constant 0 : i32
      %dma_start3A_36 = tpu.memref_slice %arg7[%dma_start3A_34, %dma_start3A_35] : memref<8x128xi32, #tpu.memory_space<vmem>> -> memref<1x128xi32, #tpu.memory_space<vmem>>
      %dma_start3A_37 = tpu.memref_squeeze %dma_start3A_36 : memref<1x128xi32, #tpu.memory_space<vmem>> -> memref<128xi32, #tpu.memory_space<vmem>>
      %dma_start3A_38 = arith.constant 0 : i32
      %dma_start3A_39 = arith.constant 0 : i32
      %dma_start3A_40 = tpu.memref_slice %arg2[%dma_start3A_38, %dma_start3A_39] : memref<10240x128xf32, #tpu.memory_space<hbm>> -> memref<10240x128xf32, #tpu.memory_space<hbm>>
      tpu.enqueue_indirect_dma source(%dma_start3A_40 : memref<10240x128xf32, #tpu.memory_space<hbm>>) target(%arg9 : memref<128x128xf32, #tpu.memory_space<vmem>>) offsets(%dma_start3A_37 : memref<128xi32, #tpu.memory_space<vmem>>) semaphore(%arg11 : memref<!tpu.dma_semaphore, #tpu.memory_space<semaphore_mem>>)
      %dma_wait3A_41 = arith.constant 1 : i32
      %dma_wait3A_42 = arith.constant 0 : i32
      %dma_wait3A_43 = tpu.memref_slice %arg7[%dma_wait3A_41, %dma_wait3A_42] : memref<8x128xi32, #tpu.memory_space<vmem>> -> memref<1x128xi32, #tpu.memory_space<vmem>>
      %dma_wait3A_44 = tpu.memref_squeeze %dma_wait3A_43 : memref<1x128xi32, #tpu.memory_space<vmem>> -> memref<128xi32, #tpu.memory_space<vmem>>
      %dma_wait3A_45 = arith.constant 0 : i32
      %dma_wait3A_46 = arith.constant 0 : i32
      %dma_wait3A_47 = tpu.memref_slice %arg2[%dma_wait3A_45, %dma_wait3A_46] : memref<10240x128xf32, #tpu.memory_space<hbm>> -> memref<10240x128xf32, #tpu.memory_space<hbm>>
      tpu.wait_indirect_dma semaphore(%arg12 : memref<!tpu.dma_semaphore, #tpu.memory_space<semaphore_mem>>) src(%dma_wait3A_47 : memref<10240x128xf32, #tpu.memory_space<hbm>>) dst(%arg10 : memref<128x128xf32, #tpu.memory_space<vmem>>)
      %run_scoped3A_48 = arith.constant 1 : i32
      "tpu.region"() ({
        %run_scoped3A_132 = tpu.sem_alloc : memref<!tpu.dma_semaphore, #tpu.memory_space<semaphore_mem>>
        %dma_start3A_133 = arith.constant 0 : i32
        %dma_start3A_134 = tpu.memref_slice %arg8[%run_scoped3A_48, %dma_start3A_133] : memref<8x128xi32, #tpu.memory_space<vmem>> -> memref<1x128xi32, #tpu.memory_space<vmem>>
        %dma_start3A_135 = tpu.memref_squeeze %dma_start3A_134 : memref<1x128xi32, #tpu.memory_space<vmem>> -> memref<128xi32, #tpu.memory_space<vmem>>
        %dma_start3A_136 = arith.constant 0 : i32
        %dma_start3A_137 = arith.constant 0 : i32
        %dma_start3A_138 = tpu.memref_slice %arg6[%dma_start3A_136, %dma_start3A_137] : memref<10240x128xf32, #tpu.memory_space<vmem_shared>> -> memref<10240x128xf32, #tpu.memory_space<vmem_shared>>
        tpu.enqueue_indirect_dma source(%arg10 : memref<128x128xf32, #tpu.memory_space<vmem>>) target(%dma_start3A_138 : memref<10240x128xf32, #tpu.memory_space<vmem_shared>>) offsets(%dma_start3A_135 : memref<128xi32, #tpu.memory_space<vmem>>) semaphore(%run_scoped3A_132 : memref<!tpu.dma_semaphore, #tpu.memory_space<semaphore_mem>>) {add = true}
        %dma_wait3A_139 = arith.constant 0 : i32
        %dma_wait3A_140 = tpu.memref_slice %arg8[%run_scoped3A_48, %dma_wait3A_139] : memref<8x128xi32, #tpu.memory_space<vmem>> -> memref<1x128xi32, #tpu.memory_space<vmem>>
        %dma_wait3A_141 = tpu.memref_squeeze %dma_wait3A_140 : memref<1x128xi32, #tpu.memory_space<vmem>> -> memref<128xi32, #tpu.memory_space<vmem>>
        %dma_wait3A_142 = arith.constant 0 : i32
        %dma_wait3A_143 = arith.constant 0 : i32
        %dma_wait3A_144 = tpu.memref_slice %arg6[%dma_wait3A_142, %dma_wait3A_143] : memref<10240x128xf32, #tpu.memory_space<vmem_shared>> -> memref<10240x128xf32, #tpu.memory_space<vmem_shared>>
        tpu.wait_indirect_dma semaphore(%run_scoped3A_132 : memref<!tpu.dma_semaphore, #tpu.memory_space<semaphore_mem>>) src(%arg10 : memref<128x128xf32, #tpu.memory_space<vmem>>) dst(%dma_wait3A_144 : memref<10240x128xf32, #tpu.memory_space<vmem_shared>>)
        tpu.yield
      }) : () -> ()
      %dma_start3A_49 = arith.constant 3 : i32
      %dma_start3A_50 = arith.constant 0 : i32
      %dma_start3A_51 = tpu.memref_slice %arg7[%dma_start3A_49, %dma_start3A_50] : memref<8x128xi32, #tpu.memory_space<vmem>> -> memref<1x128xi32, #tpu.memory_space<vmem>>
      %dma_start3A_52 = tpu.memref_squeeze %dma_start3A_51 : memref<1x128xi32, #tpu.memory_space<vmem>> -> memref<128xi32, #tpu.memory_space<vmem>>
      %dma_start3A_53 = arith.constant 0 : i32
      %dma_start3A_54 = arith.constant 0 : i32
      %dma_start3A_55 = tpu.memref_slice %arg2[%dma_start3A_53, %dma_start3A_54] : memref<10240x128xf32, #tpu.memory_space<hbm>> -> memref<10240x128xf32, #tpu.memory_space<hbm>>
      tpu.enqueue_indirect_dma source(%dma_start3A_55 : memref<10240x128xf32, #tpu.memory_space<hbm>>) target(%arg10 : memref<128x128xf32, #tpu.memory_space<vmem>>) offsets(%dma_start3A_52 : memref<128xi32, #tpu.memory_space<vmem>>) semaphore(%arg12 : memref<!tpu.dma_semaphore, #tpu.memory_space<semaphore_mem>>)
      %dma_wait3A_56 = arith.constant 2 : i32
      %dma_wait3A_57 = arith.constant 0 : i32
      %dma_wait3A_58 = tpu.memref_slice %arg7[%dma_wait3A_56, %dma_wait3A_57] : memref<8x128xi32, #tpu.memory_space<vmem>> -> memref<1x128xi32, #tpu.memory_space<vmem>>
      %dma_wait3A_59 = tpu.memref_squeeze %dma_wait3A_58 : memref<1x128xi32, #tpu.memory_space<vmem>> -> memref<128xi32, #tpu.memory_space<vmem>>
      %dma_wait3A_60 = arith.constant 0 : i32
      %dma_wait3A_61 = arith.constant 0 : i32
      %dma_wait3A_62 = tpu.memref_slice %arg2[%dma_wait3A_60, %dma_wait3A_61] : memref<10240x128xf32, #tpu.memory_space<hbm>> -> memref<10240x128xf32, #tpu.memory_space<hbm>>
      tpu.wait_indirect_dma semaphore(%arg11 : memref<!tpu.dma_semaphore, #tpu.memory_space<semaphore_mem>>) src(%dma_wait3A_62 : memref<10240x128xf32, #tpu.memory_space<hbm>>) dst(%arg9 : memref<128x128xf32, #tpu.memory_space<vmem>>)
      %run_scoped3A_63 = arith.constant 2 : i32
      "tpu.region"() ({
        %run_scoped3A_132 = tpu.sem_alloc : memref<!tpu.dma_semaphore, #tpu.memory_space<semaphore_mem>>
        %dma_start3A_133 = arith.constant 0 : i32
        %dma_start3A_134 = tpu.memref_slice %arg8[%run_scoped3A_63, %dma_start3A_133] : memref<8x128xi32, #tpu.memory_space<vmem>> -> memref<1x128xi32, #tpu.memory_space<vmem>>
        %dma_start3A_135 = tpu.memref_squeeze %dma_start3A_134 : memref<1x128xi32, #tpu.memory_space<vmem>> -> memref<128xi32, #tpu.memory_space<vmem>>
        %dma_start3A_136 = arith.constant 0 : i32
        %dma_start3A_137 = arith.constant 0 : i32
        %dma_start3A_138 = tpu.memref_slice %arg6[%dma_start3A_136, %dma_start3A_137] : memref<10240x128xf32, #tpu.memory_space<vmem_shared>> -> memref<10240x128xf32, #tpu.memory_space<vmem_shared>>
        tpu.enqueue_indirect_dma source(%arg9 : memref<128x128xf32, #tpu.memory_space<vmem>>) target(%dma_start3A_138 : memref<10240x128xf32, #tpu.memory_space<vmem_shared>>) offsets(%dma_start3A_135 : memref<128xi32, #tpu.memory_space<vmem>>) semaphore(%run_scoped3A_132 : memref<!tpu.dma_semaphore, #tpu.memory_space<semaphore_mem>>) {add = true}
        %dma_wait3A_139 = arith.constant 0 : i32
        %dma_wait3A_140 = tpu.memref_slice %arg8[%run_scoped3A_63, %dma_wait3A_139] : memref<8x128xi32, #tpu.memory_space<vmem>> -> memref<1x128xi32, #tpu.memory_space<vmem>>
        %dma_wait3A_141 = tpu.memref_squeeze %dma_wait3A_140 : memref<1x128xi32, #tpu.memory_space<vmem>> -> memref<128xi32, #tpu.memory_space<vmem>>
        %dma_wait3A_142 = arith.constant 0 : i32
        %dma_wait3A_143 = arith.constant 0 : i32
        %dma_wait3A_144 = tpu.memref_slice %arg6[%dma_wait3A_142, %dma_wait3A_143] : memref<10240x128xf32, #tpu.memory_space<vmem_shared>> -> memref<10240x128xf32, #tpu.memory_space<vmem_shared>>
        tpu.wait_indirect_dma semaphore(%run_scoped3A_132 : memref<!tpu.dma_semaphore, #tpu.memory_space<semaphore_mem>>) src(%arg9 : memref<128x128xf32, #tpu.memory_space<vmem>>) dst(%dma_wait3A_144 : memref<10240x128xf32, #tpu.memory_space<vmem_shared>>)
        tpu.yield
      }) : () -> ()
      %dma_start3A_64 = arith.constant 4 : i32
      %dma_start3A_65 = arith.constant 0 : i32
      %dma_start3A_66 = tpu.memref_slice %arg7[%dma_start3A_64, %dma_start3A_65] : memref<8x128xi32, #tpu.memory_space<vmem>> -> memref<1x128xi32, #tpu.memory_space<vmem>>
      %dma_start3A_67 = tpu.memref_squeeze %dma_start3A_66 : memref<1x128xi32, #tpu.memory_space<vmem>> -> memref<128xi32, #tpu.memory_space<vmem>>
      %dma_start3A_68 = arith.constant 0 : i32
      %dma_start3A_69 = arith.constant 0 : i32
      %dma_start3A_70 = tpu.memref_slice %arg2[%dma_start3A_68, %dma_start3A_69] : memref<10240x128xf32, #tpu.memory_space<hbm>> -> memref<10240x128xf32, #tpu.memory_space<hbm>>
      tpu.enqueue_indirect_dma source(%dma_start3A_70 : memref<10240x128xf32, #tpu.memory_space<hbm>>) target(%arg9 : memref<128x128xf32, #tpu.memory_space<vmem>>) offsets(%dma_start3A_67 : memref<128xi32, #tpu.memory_space<vmem>>) semaphore(%arg11 : memref<!tpu.dma_semaphore, #tpu.memory_space<semaphore_mem>>)
      %dma_wait3A_71 = arith.constant 3 : i32
      %dma_wait3A_72 = arith.constant 0 : i32
      %dma_wait3A_73 = tpu.memref_slice %arg7[%dma_wait3A_71, %dma_wait3A_72] : memref<8x128xi32, #tpu.memory_space<vmem>> -> memref<1x128xi32, #tpu.memory_space<vmem>>
      %dma_wait3A_74 = tpu.memref_squeeze %dma_wait3A_73 : memref<1x128xi32, #tpu.memory_space<vmem>> -> memref<128xi32, #tpu.memory_space<vmem>>
      %dma_wait3A_75 = arith.constant 0 : i32
      %dma_wait3A_76 = arith.constant 0 : i32
      %dma_wait3A_77 = tpu.memref_slice %arg2[%dma_wait3A_75, %dma_wait3A_76] : memref<10240x128xf32, #tpu.memory_space<hbm>> -> memref<10240x128xf32, #tpu.memory_space<hbm>>
      tpu.wait_indirect_dma semaphore(%arg12 : memref<!tpu.dma_semaphore, #tpu.memory_space<semaphore_mem>>) src(%dma_wait3A_77 : memref<10240x128xf32, #tpu.memory_space<hbm>>) dst(%arg10 : memref<128x128xf32, #tpu.memory_space<vmem>>)
      %run_scoped3A_78 = arith.constant 3 : i32
      "tpu.region"() ({
        %run_scoped3A_132 = tpu.sem_alloc : memref<!tpu.dma_semaphore, #tpu.memory_space<semaphore_mem>>
        %dma_start3A_133 = arith.constant 0 : i32
        %dma_start3A_134 = tpu.memref_slice %arg8[%run_scoped3A_78, %dma_start3A_133] : memref<8x128xi32, #tpu.memory_space<vmem>> -> memref<1x128xi32, #tpu.memory_space<vmem>>
        %dma_start3A_135 = tpu.memref_squeeze %dma_start3A_134 : memref<1x128xi32, #tpu.memory_space<vmem>> -> memref<128xi32, #tpu.memory_space<vmem>>
        %dma_start3A_136 = arith.constant 0 : i32
        %dma_start3A_137 = arith.constant 0 : i32
        %dma_start3A_138 = tpu.memref_slice %arg6[%dma_start3A_136, %dma_start3A_137] : memref<10240x128xf32, #tpu.memory_space<vmem_shared>> -> memref<10240x128xf32, #tpu.memory_space<vmem_shared>>
        tpu.enqueue_indirect_dma source(%arg10 : memref<128x128xf32, #tpu.memory_space<vmem>>) target(%dma_start3A_138 : memref<10240x128xf32, #tpu.memory_space<vmem_shared>>) offsets(%dma_start3A_135 : memref<128xi32, #tpu.memory_space<vmem>>) semaphore(%run_scoped3A_132 : memref<!tpu.dma_semaphore, #tpu.memory_space<semaphore_mem>>) {add = true}
        %dma_wait3A_139 = arith.constant 0 : i32
        %dma_wait3A_140 = tpu.memref_slice %arg8[%run_scoped3A_78, %dma_wait3A_139] : memref<8x128xi32, #tpu.memory_space<vmem>> -> memref<1x128xi32, #tpu.memory_space<vmem>>
        %dma_wait3A_141 = tpu.memref_squeeze %dma_wait3A_140 : memref<1x128xi32, #tpu.memory_space<vmem>> -> memref<128xi32, #tpu.memory_space<vmem>>
        %dma_wait3A_142 = arith.constant 0 : i32
        %dma_wait3A_143 = arith.constant 0 : i32
        %dma_wait3A_144 = tpu.memref_slice %arg6[%dma_wait3A_142, %dma_wait3A_143] : memref<10240x128xf32, #tpu.memory_space<vmem_shared>> -> memref<10240x128xf32, #tpu.memory_space<vmem_shared>>
        tpu.wait_indirect_dma semaphore(%run_scoped3A_132 : memref<!tpu.dma_semaphore, #tpu.memory_space<semaphore_mem>>) src(%arg10 : memref<128x128xf32, #tpu.memory_space<vmem>>) dst(%dma_wait3A_144 : memref<10240x128xf32, #tpu.memory_space<vmem_shared>>)
        tpu.yield
      }) : () -> ()
      %dma_start3A_79 = arith.constant 5 : i32
      %dma_start3A_80 = arith.constant 0 : i32
      %dma_start3A_81 = tpu.memref_slice %arg7[%dma_start3A_79, %dma_start3A_80] : memref<8x128xi32, #tpu.memory_space<vmem>> -> memref<1x128xi32, #tpu.memory_space<vmem>>
      %dma_start3A_82 = tpu.memref_squeeze %dma_start3A_81 : memref<1x128xi32, #tpu.memory_space<vmem>> -> memref<128xi32, #tpu.memory_space<vmem>>
      %dma_start3A_83 = arith.constant 0 : i32
      %dma_start3A_84 = arith.constant 0 : i32
      %dma_start3A_85 = tpu.memref_slice %arg2[%dma_start3A_83, %dma_start3A_84] : memref<10240x128xf32, #tpu.memory_space<hbm>> -> memref<10240x128xf32, #tpu.memory_space<hbm>>
      tpu.enqueue_indirect_dma source(%dma_start3A_85 : memref<10240x128xf32, #tpu.memory_space<hbm>>) target(%arg10 : memref<128x128xf32, #tpu.memory_space<vmem>>) offsets(%dma_start3A_82 : memref<128xi32, #tpu.memory_space<vmem>>) semaphore(%arg12 : memref<!tpu.dma_semaphore, #tpu.memory_space<semaphore_mem>>)
      %dma_wait3A_86 = arith.constant 4 : i32
      %dma_wait3A_87 = arith.constant 0 : i32
      %dma_wait3A_88 = tpu.memref_slice %arg7[%dma_wait3A_86, %dma_wait3A_87] : memref<8x128xi32, #tpu.memory_space<vmem>> -> memref<1x128xi32, #tpu.memory_space<vmem>>
      %dma_wait3A_89 = tpu.memref_squeeze %dma_wait3A_88 : memref<1x128xi32, #tpu.memory_space<vmem>> -> memref<128xi32, #tpu.memory_space<vmem>>
      %dma_wait3A_90 = arith.constant 0 : i32
      %dma_wait3A_91 = arith.constant 0 : i32
      %dma_wait3A_92 = tpu.memref_slice %arg2[%dma_wait3A_90, %dma_wait3A_91] : memref<10240x128xf32, #tpu.memory_space<hbm>> -> memref<10240x128xf32, #tpu.memory_space<hbm>>
      tpu.wait_indirect_dma semaphore(%arg11 : memref<!tpu.dma_semaphore, #tpu.memory_space<semaphore_mem>>) src(%dma_wait3A_92 : memref<10240x128xf32, #tpu.memory_space<hbm>>) dst(%arg9 : memref<128x128xf32, #tpu.memory_space<vmem>>)
      %run_scoped3A_93 = arith.constant 4 : i32
      "tpu.region"() ({
        %run_scoped3A_132 = tpu.sem_alloc : memref<!tpu.dma_semaphore, #tpu.memory_space<semaphore_mem>>
        %dma_start3A_133 = arith.constant 0 : i32
        %dma_start3A_134 = tpu.memref_slice %arg8[%run_scoped3A_93, %dma_start3A_133] : memref<8x128xi32, #tpu.memory_space<vmem>> -> memref<1x128xi32, #tpu.memory_space<vmem>>
        %dma_start3A_135 = tpu.memref_squeeze %dma_start3A_134 : memref<1x128xi32, #tpu.memory_space<vmem>> -> memref<128xi32, #tpu.memory_space<vmem>>
        %dma_start3A_136 = arith.constant 0 : i32
        %dma_start3A_137 = arith.constant 0 : i32
        %dma_start3A_138 = tpu.memref_slice %arg6[%dma_start3A_136, %dma_start3A_137] : memref<10240x128xf32, #tpu.memory_space<vmem_shared>> -> memref<10240x128xf32, #tpu.memory_space<vmem_shared>>
        tpu.enqueue_indirect_dma source(%arg9 : memref<128x128xf32, #tpu.memory_space<vmem>>) target(%dma_start3A_138 : memref<10240x128xf32, #tpu.memory_space<vmem_shared>>) offsets(%dma_start3A_135 : memref<128xi32, #tpu.memory_space<vmem>>) semaphore(%run_scoped3A_132 : memref<!tpu.dma_semaphore, #tpu.memory_space<semaphore_mem>>) {add = true}
        %dma_wait3A_139 = arith.constant 0 : i32
        %dma_wait3A_140 = tpu.memref_slice %arg8[%run_scoped3A_93, %dma_wait3A_139] : memref<8x128xi32, #tpu.memory_space<vmem>> -> memref<1x128xi32, #tpu.memory_space<vmem>>
        %dma_wait3A_141 = tpu.memref_squeeze %dma_wait3A_140 : memref<1x128xi32, #tpu.memory_space<vmem>> -> memref<128xi32, #tpu.memory_space<vmem>>
        %dma_wait3A_142 = arith.constant 0 : i32
        %dma_wait3A_143 = arith.constant 0 : i32
        %dma_wait3A_144 = tpu.memref_slice %arg6[%dma_wait3A_142, %dma_wait3A_143] : memref<10240x128xf32, #tpu.memory_space<vmem_shared>> -> memref<10240x128xf32, #tpu.memory_space<vmem_shared>>
        tpu.wait_indirect_dma semaphore(%run_scoped3A_132 : memref<!tpu.dma_semaphore, #tpu.memory_space<semaphore_mem>>) src(%arg9 : memref<128x128xf32, #tpu.memory_space<vmem>>) dst(%dma_wait3A_144 : memref<10240x128xf32, #tpu.memory_space<vmem_shared>>)
        tpu.yield
      }) : () -> ()
      %dma_start3A_94 = arith.constant 6 : i32
      %dma_start3A_95 = arith.constant 0 : i32
      %dma_start3A_96 = tpu.memref_slice %arg7[%dma_start3A_94, %dma_start3A_95] : memref<8x128xi32, #tpu.memory_space<vmem>> -> memref<1x128xi32, #tpu.memory_space<vmem>>
      %dma_start3A_97 = tpu.memref_squeeze %dma_start3A_96 : memref<1x128xi32, #tpu.memory_space<vmem>> -> memref<128xi32, #tpu.memory_space<vmem>>
      %dma_start3A_98 = arith.constant 0 : i32
      %dma_start3A_99 = arith.constant 0 : i32
      %dma_start3A_100 = tpu.memref_slice %arg2[%dma_start3A_98, %dma_start3A_99] : memref<10240x128xf32, #tpu.memory_space<hbm>> -> memref<10240x128xf32, #tpu.memory_space<hbm>>
      tpu.enqueue_indirect_dma source(%dma_start3A_100 : memref<10240x128xf32, #tpu.memory_space<hbm>>) target(%arg9 : memref<128x128xf32, #tpu.memory_space<vmem>>) offsets(%dma_start3A_97 : memref<128xi32, #tpu.memory_space<vmem>>) semaphore(%arg11 : memref<!tpu.dma_semaphore, #tpu.memory_space<semaphore_mem>>)
      %dma_wait3A_101 = arith.constant 5 : i32
      %dma_wait3A_102 = arith.constant 0 : i32
      %dma_wait3A_103 = tpu.memref_slice %arg7[%dma_wait3A_101, %dma_wait3A_102] : memref<8x128xi32, #tpu.memory_space<vmem>> -> memref<1x128xi32, #tpu.memory_space<vmem>>
      %dma_wait3A_104 = tpu.memref_squeeze %dma_wait3A_103 : memref<1x128xi32, #tpu.memory_space<vmem>> -> memref<128xi32, #tpu.memory_space<vmem>>
      %dma_wait3A_105 = arith.constant 0 : i32
      %dma_wait3A_106 = arith.constant 0 : i32
      %dma_wait3A_107 = tpu.memref_slice %arg2[%dma_wait3A_105, %dma_wait3A_106] : memref<10240x128xf32, #tpu.memory_space<hbm>> -> memref<10240x128xf32, #tpu.memory_space<hbm>>
      tpu.wait_indirect_dma semaphore(%arg12 : memref<!tpu.dma_semaphore, #tpu.memory_space<semaphore_mem>>) src(%dma_wait3A_107 : memref<10240x128xf32, #tpu.memory_space<hbm>>) dst(%arg10 : memref<128x128xf32, #tpu.memory_space<vmem>>)
      %run_scoped3A_108 = arith.constant 5 : i32
      "tpu.region"() ({
        %run_scoped3A_132 = tpu.sem_alloc : memref<!tpu.dma_semaphore, #tpu.memory_space<semaphore_mem>>
        %dma_start3A_133 = arith.constant 0 : i32
        %dma_start3A_134 = tpu.memref_slice %arg8[%run_scoped3A_108, %dma_start3A_133] : memref<8x128xi32, #tpu.memory_space<vmem>> -> memref<1x128xi32, #tpu.memory_space<vmem>>
        %dma_start3A_135 = tpu.memref_squeeze %dma_start3A_134 : memref<1x128xi32, #tpu.memory_space<vmem>> -> memref<128xi32, #tpu.memory_space<vmem>>
        %dma_start3A_136 = arith.constant 0 : i32
        %dma_start3A_137 = arith.constant 0 : i32
        %dma_start3A_138 = tpu.memref_slice %arg6[%dma_start3A_136, %dma_start3A_137] : memref<10240x128xf32, #tpu.memory_space<vmem_shared>> -> memref<10240x128xf32, #tpu.memory_space<vmem_shared>>
        tpu.enqueue_indirect_dma source(%arg10 : memref<128x128xf32, #tpu.memory_space<vmem>>) target(%dma_start3A_138 : memref<10240x128xf32, #tpu.memory_space<vmem_shared>>) offsets(%dma_start3A_135 : memref<128xi32, #tpu.memory_space<vmem>>) semaphore(%run_scoped3A_132 : memref<!tpu.dma_semaphore, #tpu.memory_space<semaphore_mem>>) {add = true}
        %dma_wait3A_139 = arith.constant 0 : i32
        %dma_wait3A_140 = tpu.memref_slice %arg8[%run_scoped3A_108, %dma_wait3A_139] : memref<8x128xi32, #tpu.memory_space<vmem>> -> memref<1x128xi32, #tpu.memory_space<vmem>>
        %dma_wait3A_141 = tpu.memref_squeeze %dma_wait3A_140 : memref<1x128xi32, #tpu.memory_space<vmem>> -> memref<128xi32, #tpu.memory_space<vmem>>
        %dma_wait3A_142 = arith.constant 0 : i32
        %dma_wait3A_143 = arith.constant 0 : i32
        %dma_wait3A_144 = tpu.memref_slice %arg6[%dma_wait3A_142, %dma_wait3A_143] : memref<10240x128xf32, #tpu.memory_space<vmem_shared>> -> memref<10240x128xf32, #tpu.memory_space<vmem_shared>>
        tpu.wait_indirect_dma semaphore(%run_scoped3A_132 : memref<!tpu.dma_semaphore, #tpu.memory_space<semaphore_mem>>) src(%arg10 : memref<128x128xf32, #tpu.memory_space<vmem>>) dst(%dma_wait3A_144 : memref<10240x128xf32, #tpu.memory_space<vmem_shared>>)
        tpu.yield
      }) : () -> ()
      %dma_start3A_109 = arith.constant 7 : i32
      %dma_start3A_110 = arith.constant 0 : i32
      %dma_start3A_111 = tpu.memref_slice %arg7[%dma_start3A_109, %dma_start3A_110] : memref<8x128xi32, #tpu.memory_space<vmem>> -> memref<1x128xi32, #tpu.memory_space<vmem>>
      %dma_start3A_112 = tpu.memref_squeeze %dma_start3A_111 : memref<1x128xi32, #tpu.memory_space<vmem>> -> memref<128xi32, #tpu.memory_space<vmem>>
      %dma_start3A_113 = arith.constant 0 : i32
      %dma_start3A_114 = arith.constant 0 : i32
      %dma_start3A_115 = tpu.memref_slice %arg2[%dma_start3A_113, %dma_start3A_114] : memref<10240x128xf32, #tpu.memory_space<hbm>> -> memref<10240x128xf32, #tpu.memory_space<hbm>>
      tpu.enqueue_indirect_dma source(%dma_start3A_115 : memref<10240x128xf32, #tpu.memory_space<hbm>>) target(%arg10 : memref<128x128xf32, #tpu.memory_space<vmem>>) offsets(%dma_start3A_112 : memref<128xi32, #tpu.memory_space<vmem>>) semaphore(%arg12 : memref<!tpu.dma_semaphore, #tpu.memory_space<semaphore_mem>>)
      %dma_wait3A_116 = arith.constant 6 : i32
      %dma_wait3A_117 = arith.constant 0 : i32
      %dma_wait3A_118 = tpu.memref_slice %arg7[%dma_wait3A_116, %dma_wait3A_117] : memref<8x128xi32, #tpu.memory_space<vmem>> -> memref<1x128xi32, #tpu.memory_space<vmem>>
      %dma_wait3A_119 = tpu.memref_squeeze %dma_wait3A_118 : memref<1x128xi32, #tpu.memory_space<vmem>> -> memref<128xi32, #tpu.memory_space<vmem>>
      %dma_wait3A_120 = arith.constant 0 : i32
      %dma_wait3A_121 = arith.constant 0 : i32
      %dma_wait3A_122 = tpu.memref_slice %arg2[%dma_wait3A_120, %dma_wait3A_121] : memref<10240x128xf32, #tpu.memory_space<hbm>> -> memref<10240x128xf32, #tpu.memory_space<hbm>>
      tpu.wait_indirect_dma semaphore(%arg11 : memref<!tpu.dma_semaphore, #tpu.memory_space<semaphore_mem>>) src(%dma_wait3A_122 : memref<10240x128xf32, #tpu.memory_space<hbm>>) dst(%arg9 : memref<128x128xf32, #tpu.memory_space<vmem>>)
      %run_scoped3A_123 = arith.constant 6 : i32
      "tpu.region"() ({
        %run_scoped3A_132 = tpu.sem_alloc : memref<!tpu.dma_semaphore, #tpu.memory_space<semaphore_mem>>
        %dma_start3A_133 = arith.constant 0 : i32
        %dma_start3A_134 = tpu.memref_slice %arg8[%run_scoped3A_123, %dma_start3A_133] : memref<8x128xi32, #tpu.memory_space<vmem>> -> memref<1x128xi32, #tpu.memory_space<vmem>>
        %dma_start3A_135 = tpu.memref_squeeze %dma_start3A_134 : memref<1x128xi32, #tpu.memory_space<vmem>> -> memref<128xi32, #tpu.memory_space<vmem>>
        %dma_start3A_136 = arith.constant 0 : i32
        %dma_start3A_137 = arith.constant 0 : i32
        %dma_start3A_138 = tpu.memref_slice %arg6[%dma_start3A_136, %dma_start3A_137] : memref<10240x128xf32, #tpu.memory_space<vmem_shared>> -> memref<10240x128xf32, #tpu.memory_space<vmem_shared>>
        tpu.enqueue_indirect_dma source(%arg9 : memref<128x128xf32, #tpu.memory_space<vmem>>) target(%dma_start3A_138 : memref<10240x128xf32, #tpu.memory_space<vmem_shared>>) offsets(%dma_start3A_135 : memref<128xi32, #tpu.memory_space<vmem>>) semaphore(%run_scoped3A_132 : memref<!tpu.dma_semaphore, #tpu.memory_space<semaphore_mem>>) {add = true}
        %dma_wait3A_139 = arith.constant 0 : i32
        %dma_wait3A_140 = tpu.memref_slice %arg8[%run_scoped3A_123, %dma_wait3A_139] : memref<8x128xi32, #tpu.memory_space<vmem>> -> memref<1x128xi32, #tpu.memory_space<vmem>>
        %dma_wait3A_141 = tpu.memref_squeeze %dma_wait3A_140 : memref<1x128xi32, #tpu.memory_space<vmem>> -> memref<128xi32, #tpu.memory_space<vmem>>
        %dma_wait3A_142 = arith.constant 0 : i32
        %dma_wait3A_143 = arith.constant 0 : i32
        %dma_wait3A_144 = tpu.memref_slice %arg6[%dma_wait3A_142, %dma_wait3A_143] : memref<10240x128xf32, #tpu.memory_space<vmem_shared>> -> memref<10240x128xf32, #tpu.memory_space<vmem_shared>>
        tpu.wait_indirect_dma semaphore(%run_scoped3A_132 : memref<!tpu.dma_semaphore, #tpu.memory_space<semaphore_mem>>) src(%arg9 : memref<128x128xf32, #tpu.memory_space<vmem>>) dst(%dma_wait3A_144 : memref<10240x128xf32, #tpu.memory_space<vmem_shared>>)
        tpu.yield
      }) : () -> ()
      %dma_wait3A_124 = arith.constant 7 : i32
      %dma_wait3A_125 = arith.constant 0 : i32
      %dma_wait3A_126 = tpu.memref_slice %arg7[%dma_wait3A_124, %dma_wait3A_125] : memref<8x128xi32, #tpu.memory_space<vmem>> -> memref<1x128xi32, #tpu.memory_space<vmem>>
      %dma_wait3A_127 = tpu.memref_squeeze %dma_wait3A_126 : memref<1x128xi32, #tpu.memory_space<vmem>> -> memref<128xi32, #tpu.memory_space<vmem>>
      %dma_wait3A_128 = arith.constant 0 : i32
      %dma_wait3A_129 = arith.constant 0 : i32
      %dma_wait3A_130 = tpu.memref_slice %arg2[%dma_wait3A_128, %dma_wait3A_129] : memref<10240x128xf32, #tpu.memory_space<hbm>> -> memref<10240x128xf32, #tpu.memory_space<hbm>>
      tpu.wait_indirect_dma semaphore(%arg12 : memref<!tpu.dma_semaphore, #tpu.memory_space<semaphore_mem>>) src(%dma_wait3A_130 : memref<10240x128xf32, #tpu.memory_space<hbm>>) dst(%arg10 : memref<128x128xf32, #tpu.memory_space<vmem>>)
      %run_scoped3A_131 = arith.constant 7 : i32
      "tpu.region"() ({
        %run_scoped3A_132 = tpu.sem_alloc : memref<!tpu.dma_semaphore, #tpu.memory_space<semaphore_mem>>
        %dma_start3A_133 = arith.constant 0 : i32
        %dma_start3A_134 = tpu.memref_slice %arg8[%run_scoped3A_131, %dma_start3A_133] : memref<8x128xi32, #tpu.memory_space<vmem>> -> memref<1x128xi32, #tpu.memory_space<vmem>>
        %dma_start3A_135 = tpu.memref_squeeze %dma_start3A_134 : memref<1x128xi32, #tpu.memory_space<vmem>> -> memref<128xi32, #tpu.memory_space<vmem>>
        %dma_start3A_136 = arith.constant 0 : i32
        %dma_start3A_137 = arith.constant 0 : i32
        %dma_start3A_138 = tpu.memref_slice %arg6[%dma_start3A_136, %dma_start3A_137] : memref<10240x128xf32, #tpu.memory_space<vmem_shared>> -> memref<10240x128xf32, #tpu.memory_space<vmem_shared>>
        tpu.enqueue_indirect_dma source(%arg10 : memref<128x128xf32, #tpu.memory_space<vmem>>) target(%dma_start3A_138 : memref<10240x128xf32, #tpu.memory_space<vmem_shared>>) offsets(%dma_start3A_135 : memref<128xi32, #tpu.memory_space<vmem>>) semaphore(%run_scoped3A_132 : memref<!tpu.dma_semaphore, #tpu.memory_space<semaphore_mem>>) {add = true}
        %dma_wait3A_139 = arith.constant 0 : i32
        %dma_wait3A_140 = tpu.memref_slice %arg8[%run_scoped3A_131, %dma_wait3A_139] : memref<8x128xi32, #tpu.memory_space<vmem>> -> memref<1x128xi32, #tpu.memory_space<vmem>>
        %dma_wait3A_141 = tpu.memref_squeeze %dma_wait3A_140 : memref<1x128xi32, #tpu.memory_space<vmem>> -> memref<128xi32, #tpu.memory_space<vmem>>
        %dma_wait3A_142 = arith.constant 0 : i32
        %dma_wait3A_143 = arith.constant 0 : i32
        %dma_wait3A_144 = tpu.memref_slice %arg6[%dma_wait3A_142, %dma_wait3A_143] : memref<10240x128xf32, #tpu.memory_space<vmem_shared>> -> memref<10240x128xf32, #tpu.memory_space<vmem_shared>>
        tpu.wait_indirect_dma semaphore(%run_scoped3A_132 : memref<!tpu.dma_semaphore, #tpu.memory_space<semaphore_mem>>) src(%arg10 : memref<128x128xf32, #tpu.memory_space<vmem>>) dst(%dma_wait3A_144 : memref<10240x128xf32, #tpu.memory_space<vmem_shared>>)
        tpu.yield
      }) : () -> ()
    }
    %scan3A_7 = arith.constant 10 : i32
    %barrier3A_8 = arith.constant 0 : index
    tpu.barrier barrier_id(%barrier3A_8)
    "tpu.region"() ({
      %run_scoped3A = tpu.sem_alloc : memref<!tpu.dma_semaphore, #tpu.memory_space<semaphore_mem>>
      %dma_start3A = arith.constant 0 : i32
      %dma_start3A_9 = tpu.memref_slice %arg5[%arg0, %mul3A_2, %dma_start3A] : memref<2x10240x128xf32, #tpu.memory_space<hbm>> -> memref<1x640x128xf32, #tpu.memory_space<hbm>>
      %dma_start3A_10 = tpu.memref_squeeze %dma_start3A_9 : memref<1x640x128xf32, #tpu.memory_space<hbm>> -> memref<640x128xf32, #tpu.memory_space<hbm>>
      %dma_start3A_11 = arith.constant 0 : i32
      %dma_start3A_12 = tpu.memref_slice %arg6[%mul3A_2, %dma_start3A_11] : memref<10240x128xf32, #tpu.memory_space<vmem_shared>> -> memref<640x128xf32, #tpu.memory_space<vmem_shared>>
      tpu.enqueue_dma source(%dma_start3A_12 : memref<640x128xf32, #tpu.memory_space<vmem_shared>>) target(%dma_start3A_10 : memref<640x128xf32, #tpu.memory_space<hbm>>) target_semaphore(%run_scoped3A : memref<!tpu.dma_semaphore, #tpu.memory_space<semaphore_mem>>)
      %dma_wait3A = arith.constant 0 : i32
      %dma_wait3A_13 = tpu.memref_slice %arg5[%arg0, %mul3A_2, %dma_wait3A] : memref<2x10240x128xf32, #tpu.memory_space<hbm>> -> memref<1x640x128xf32, #tpu.memory_space<hbm>>
      %dma_wait3A_14 = tpu.memref_squeeze %dma_wait3A_13 : memref<1x640x128xf32, #tpu.memory_space<hbm>> -> memref<640x128xf32, #tpu.memory_space<hbm>>
      %dma_wait3A_15 = arith.constant 0 : i32
      %dma_wait3A_16 = tpu.memref_slice %arg6[%mul3A_2, %dma_wait3A_15] : memref<10240x128xf32, #tpu.memory_space<vmem_shared>> -> memref<640x128xf32, #tpu.memory_space<vmem_shared>>
      tpu.wait_dma2 semaphore(%run_scoped3A : memref<!tpu.dma_semaphore, #tpu.memory_space<semaphore_mem>>) src(%dma_wait3A_16 : memref<640x128xf32, #tpu.memory_space<vmem_shared>>) dst(%dma_wait3A_14 : memref<640x128xf32, #tpu.memory_space<hbm>>)
      tpu.yield
    }) : () -> ()
    return
  }
}

#map = affine_map<(d0, d1) -> (0, 0)>
#map1 = affine_map<(d0, d1) -> (0, 0, 0, 0)>
module attributes {stable_mosaic.version = 14 : i64} {
  func.func @_deg_body(%arg0: i32, %arg1: i32, %arg2: memref<2560x128xi32, #tpu.memory_space<hbm>>, %arg3: memref<2560x128xi32, #tpu.memory_space<hbm>>, %arg4: memref<128x128xf32, #tpu.memory_space<hbm>>, %arg5: memref<10240x128xf32, #tpu.memory_space<hbm>>, %arg6: memref<2x2x10240x128xf32, #tpu.memory_space<hbm>>, %arg7: memref<10240x128xf32, #tpu.memory_space<vmem_shared>>, %arg8: memref<8x128xi32, #tpu.memory_space<vmem>>, %arg9: memref<128x128xf32, #tpu.memory_space<vmem>>) attributes {dimension_semantics = [#tpu.dimension_semantics<core_parallel>, #tpu.dimension_semantics<subcore_parallel>], iteration_bounds = array<i64: 2, 16>, scalar_prefetch = 0 : i64, scratch_operands = 3 : i64, tpu.core_type = #tpu.core_type<sc_vector_subcore>, window_params = [{transform_indices = #map}, {transform_indices = #map}, {transform_indices = #map}, {transform_indices = #map}, {transform_indices = #map1}]} {
    %mul3A = arith.constant 16 : i32
    %mul3A_0 = arith.muli %arg0, %mul3A : i32
    %add3A = arith.addi %mul3A_0, %arg1 : i32
    %mul3A_1 = arith.constant 640 : i32
    %mul3A_2 = arith.muli %arg1, %mul3A_1 : i32
    "tpu.region"() ({
      %run_scoped3A_20 = tpu.sem_alloc : memref<!tpu.dma_semaphore, #tpu.memory_space<semaphore_mem>>
      tpu.enqueue_dma source(%arg4 : memref<128x128xf32, #tpu.memory_space<hbm>>) target(%arg9 : memref<128x128xf32, #tpu.memory_space<vmem>>) target_semaphore(%run_scoped3A_20 : memref<!tpu.dma_semaphore, #tpu.memory_space<semaphore_mem>>)
      tpu.wait_dma2 semaphore(%run_scoped3A_20 : memref<!tpu.dma_semaphore, #tpu.memory_space<semaphore_mem>>) src(%arg4 : memref<128x128xf32, #tpu.memory_space<hbm>>) dst(%arg9 : memref<128x128xf32, #tpu.memory_space<vmem>>)
      tpu.yield
    }) : () -> ()
    "tpu.region"() ({
      %run_scoped3A_20 = tpu.sem_alloc : memref<!tpu.dma_semaphore, #tpu.memory_space<semaphore_mem>>
      %dma_start3A = arith.constant 0 : i32
      %dma_start3A_21 = tpu.memref_slice %arg7[%mul3A_2, %dma_start3A] : memref<10240x128xf32, #tpu.memory_space<vmem_shared>> -> memref<640x128xf32, #tpu.memory_space<vmem_shared>>
      %dma_start3A_22 = arith.constant 0 : i32
      %dma_start3A_23 = tpu.memref_slice %arg5[%mul3A_2, %dma_start3A_22] : memref<10240x128xf32, #tpu.memory_space<hbm>> -> memref<640x128xf32, #tpu.memory_space<hbm>>
      tpu.enqueue_dma source(%dma_start3A_23 : memref<640x128xf32, #tpu.memory_space<hbm>>) target(%dma_start3A_21 : memref<640x128xf32, #tpu.memory_space<vmem_shared>>) target_semaphore(%run_scoped3A_20 : memref<!tpu.dma_semaphore, #tpu.memory_space<semaphore_mem>>)
      %dma_wait3A = arith.constant 0 : i32
      %dma_wait3A_24 = tpu.memref_slice %arg7[%mul3A_2, %dma_wait3A] : memref<10240x128xf32, #tpu.memory_space<vmem_shared>> -> memref<640x128xf32, #tpu.memory_space<vmem_shared>>
      %dma_wait3A_25 = arith.constant 0 : i32
      %dma_wait3A_26 = tpu.memref_slice %arg5[%mul3A_2, %dma_wait3A_25] : memref<10240x128xf32, #tpu.memory_space<hbm>> -> memref<640x128xf32, #tpu.memory_space<hbm>>
      tpu.wait_dma2 semaphore(%run_scoped3A_20 : memref<!tpu.dma_semaphore, #tpu.memory_space<semaphore_mem>>) src(%dma_wait3A_26 : memref<640x128xf32, #tpu.memory_space<hbm>>) dst(%dma_wait3A_24 : memref<640x128xf32, #tpu.memory_space<vmem_shared>>)
      tpu.yield
    }) : () -> ()
    %barrier3A = arith.constant 0 : index
    tpu.barrier barrier_id(%barrier3A)
    %scan3A = arith.constant 0 : i32
    %scan3A_3 = arith.constant 0 : i32
    %scan3A_4 = arith.constant 10 : i32
    %scan3A_5 = arith.addi %scan3A_3, %scan3A_4 : i32
    %scan3A_6 = arith.constant 1 : i32
    scf.for %scan3A_20 = %scan3A_3 to %scan3A_5 step %scan3A_6  : i32 {
      %mul3A_21 = arith.constant 80 : i32
      %mul3A_22 = arith.muli %add3A, %mul3A_21 : i32
      %mul3A_23 = arith.constant 8 : i32
      %mul3A_24 = arith.muli %scan3A_20, %mul3A_23 : i32
      %add3A_25 = arith.addi %mul3A_22, %mul3A_24 : i32
      "tpu.region"() ({
        %run_scoped3A_34 = tpu.sem_alloc : memref<!tpu.dma_semaphore, #tpu.memory_space<semaphore_mem>>
        %dma_start3A = arith.constant 0 : i32
        %dma_start3A_35 = tpu.memref_slice %arg2[%add3A_25, %dma_start3A] : memref<2560x128xi32, #tpu.memory_space<hbm>> -> memref<8x128xi32, #tpu.memory_space<hbm>>
        %dma_start3A_36 = arith.constant 0 : i32
        %dma_start3A_37 = tpu.memref_slice %arg2[%add3A_25, %dma_start3A_36] : memref<2560x128xi32, #tpu.memory_space<hbm>> -> memref<8x128xi32, #tpu.memory_space<hbm>>
        tpu.enqueue_dma source(%dma_start3A_37 : memref<8x128xi32, #tpu.memory_space<hbm>>) target(%arg8 : memref<8x128xi32, #tpu.memory_space<vmem>>) target_semaphore(%run_scoped3A_34 : memref<!tpu.dma_semaphore, #tpu.memory_space<semaphore_mem>>)
        %dma_wait3A = arith.constant 0 : i32
        %dma_wait3A_38 = tpu.memref_slice %arg2[%add3A_25, %dma_wait3A] : memref<2560x128xi32, #tpu.memory_space<hbm>> -> memref<8x128xi32, #tpu.memory_space<hbm>>
        %dma_wait3A_39 = arith.constant 0 : i32
        %dma_wait3A_40 = tpu.memref_slice %arg2[%add3A_25, %dma_wait3A_39] : memref<2560x128xi32, #tpu.memory_space<hbm>> -> memref<8x128xi32, #tpu.memory_space<hbm>>
        tpu.wait_dma2 semaphore(%run_scoped3A_34 : memref<!tpu.dma_semaphore, #tpu.memory_space<semaphore_mem>>) src(%dma_wait3A_40 : memref<8x128xi32, #tpu.memory_space<hbm>>) dst(%arg8 : memref<8x128xi32, #tpu.memory_space<vmem>>)
        tpu.yield
      }) : () -> ()
      %run_scoped3A_26 = arith.constant 0 : i32
      "tpu.region"() ({
        %run_scoped3A_34 = tpu.sem_alloc : memref<!tpu.dma_semaphore, #tpu.memory_space<semaphore_mem>>
        %dma_start3A = arith.constant 0 : i32
        %dma_start3A_35 = tpu.memref_slice %arg8[%run_scoped3A_26, %dma_start3A] : memref<8x128xi32, #tpu.memory_space<vmem>> -> memref<1x128xi32, #tpu.memory_space<vmem>>
        %dma_start3A_36 = tpu.memref_squeeze %dma_start3A_35 : memref<1x128xi32, #tpu.memory_space<vmem>> -> memref<128xi32, #tpu.memory_space<vmem>>
        %dma_start3A_37 = arith.constant 0 : i32
        %dma_start3A_38 = arith.constant 0 : i32
        %dma_start3A_39 = tpu.memref_slice %arg7[%dma_start3A_37, %dma_start3A_38] : memref<10240x128xf32, #tpu.memory_space<vmem_shared>> -> memref<10240x128xf32, #tpu.memory_space<vmem_shared>>
        tpu.enqueue_indirect_dma source(%arg9 : memref<128x128xf32, #tpu.memory_space<vmem>>) target(%dma_start3A_39 : memref<10240x128xf32, #tpu.memory_space<vmem_shared>>) offsets(%dma_start3A_36 : memref<128xi32, #tpu.memory_space<vmem>>) semaphore(%run_scoped3A_34 : memref<!tpu.dma_semaphore, #tpu.memory_space<semaphore_mem>>) {add = true}
        %dma_wait3A = arith.constant 0 : i32
        %dma_wait3A_40 = tpu.memref_slice %arg8[%run_scoped3A_26, %dma_wait3A] : memref<8x128xi32, #tpu.memory_space<vmem>> -> memref<1x128xi32, #tpu.memory_space<vmem>>
        %dma_wait3A_41 = tpu.memref_squeeze %dma_wait3A_40 : memref<1x128xi32, #tpu.memory_space<vmem>> -> memref<128xi32, #tpu.memory_space<vmem>>
        %dma_wait3A_42 = arith.constant 0 : i32
        %dma_wait3A_43 = arith.constant 0 : i32
        %dma_wait3A_44 = tpu.memref_slice %arg7[%dma_wait3A_42, %dma_wait3A_43] : memref<10240x128xf32, #tpu.memory_space<vmem_shared>> -> memref<10240x128xf32, #tpu.memory_space<vmem_shared>>
        tpu.wait_indirect_dma semaphore(%run_scoped3A_34 : memref<!tpu.dma_semaphore, #tpu.memory_space<semaphore_mem>>) src(%arg9 : memref<128x128xf32, #tpu.memory_space<vmem>>) dst(%dma_wait3A_44 : memref<10240x128xf32, #tpu.memory_space<vmem_shared>>)
        tpu.yield
      }) : () -> ()
      %run_scoped3A_27 = arith.constant 1 : i32
      "tpu.region"() ({
        %run_scoped3A_34 = tpu.sem_alloc : memref<!tpu.dma_semaphore, #tpu.memory_space<semaphore_mem>>
        %dma_start3A = arith.constant 0 : i32
        %dma_start3A_35 = tpu.memref_slice %arg8[%run_scoped3A_27, %dma_start3A] : memref<8x128xi32, #tpu.memory_space<vmem>> -> memref<1x128xi32, #tpu.memory_space<vmem>>
        %dma_start3A_36 = tpu.memref_squeeze %dma_start3A_35 : memref<1x128xi32, #tpu.memory_space<vmem>> -> memref<128xi32, #tpu.memory_space<vmem>>
        %dma_start3A_37 = arith.constant 0 : i32
        %dma_start3A_38 = arith.constant 0 : i32
        %dma_start3A_39 = tpu.memref_slice %arg7[%dma_start3A_37, %dma_start3A_38] : memref<10240x128xf32, #tpu.memory_space<vmem_shared>> -> memref<10240x128xf32, #tpu.memory_space<vmem_shared>>
        tpu.enqueue_indirect_dma source(%arg9 : memref<128x128xf32, #tpu.memory_space<vmem>>) target(%dma_start3A_39 : memref<10240x128xf32, #tpu.memory_space<vmem_shared>>) offsets(%dma_start3A_36 : memref<128xi32, #tpu.memory_space<vmem>>) semaphore(%run_scoped3A_34 : memref<!tpu.dma_semaphore, #tpu.memory_space<semaphore_mem>>) {add = true}
        %dma_wait3A = arith.constant 0 : i32
        %dma_wait3A_40 = tpu.memref_slice %arg8[%run_scoped3A_27, %dma_wait3A] : memref<8x128xi32, #tpu.memory_space<vmem>> -> memref<1x128xi32, #tpu.memory_space<vmem>>
        %dma_wait3A_41 = tpu.memref_squeeze %dma_wait3A_40 : memref<1x128xi32, #tpu.memory_space<vmem>> -> memref<128xi32, #tpu.memory_space<vmem>>
        %dma_wait3A_42 = arith.constant 0 : i32
        %dma_wait3A_43 = arith.constant 0 : i32
        %dma_wait3A_44 = tpu.memref_slice %arg7[%dma_wait3A_42, %dma_wait3A_43] : memref<10240x128xf32, #tpu.memory_space<vmem_shared>> -> memref<10240x128xf32, #tpu.memory_space<vmem_shared>>
        tpu.wait_indirect_dma semaphore(%run_scoped3A_34 : memref<!tpu.dma_semaphore, #tpu.memory_space<semaphore_mem>>) src(%arg9 : memref<128x128xf32, #tpu.memory_space<vmem>>) dst(%dma_wait3A_44 : memref<10240x128xf32, #tpu.memory_space<vmem_shared>>)
        tpu.yield
      }) : () -> ()
      %run_scoped3A_28 = arith.constant 2 : i32
      "tpu.region"() ({
        %run_scoped3A_34 = tpu.sem_alloc : memref<!tpu.dma_semaphore, #tpu.memory_space<semaphore_mem>>
        %dma_start3A = arith.constant 0 : i32
        %dma_start3A_35 = tpu.memref_slice %arg8[%run_scoped3A_28, %dma_start3A] : memref<8x128xi32, #tpu.memory_space<vmem>> -> memref<1x128xi32, #tpu.memory_space<vmem>>
        %dma_start3A_36 = tpu.memref_squeeze %dma_start3A_35 : memref<1x128xi32, #tpu.memory_space<vmem>> -> memref<128xi32, #tpu.memory_space<vmem>>
        %dma_start3A_37 = arith.constant 0 : i32
        %dma_start3A_38 = arith.constant 0 : i32
        %dma_start3A_39 = tpu.memref_slice %arg7[%dma_start3A_37, %dma_start3A_38] : memref<10240x128xf32, #tpu.memory_space<vmem_shared>> -> memref<10240x128xf32, #tpu.memory_space<vmem_shared>>
        tpu.enqueue_indirect_dma source(%arg9 : memref<128x128xf32, #tpu.memory_space<vmem>>) target(%dma_start3A_39 : memref<10240x128xf32, #tpu.memory_space<vmem_shared>>) offsets(%dma_start3A_36 : memref<128xi32, #tpu.memory_space<vmem>>) semaphore(%run_scoped3A_34 : memref<!tpu.dma_semaphore, #tpu.memory_space<semaphore_mem>>) {add = true}
        %dma_wait3A = arith.constant 0 : i32
        %dma_wait3A_40 = tpu.memref_slice %arg8[%run_scoped3A_28, %dma_wait3A] : memref<8x128xi32, #tpu.memory_space<vmem>> -> memref<1x128xi32, #tpu.memory_space<vmem>>
        %dma_wait3A_41 = tpu.memref_squeeze %dma_wait3A_40 : memref<1x128xi32, #tpu.memory_space<vmem>> -> memref<128xi32, #tpu.memory_space<vmem>>
        %dma_wait3A_42 = arith.constant 0 : i32
        %dma_wait3A_43 = arith.constant 0 : i32
        %dma_wait3A_44 = tpu.memref_slice %arg7[%dma_wait3A_42, %dma_wait3A_43] : memref<10240x128xf32, #tpu.memory_space<vmem_shared>> -> memref<10240x128xf32, #tpu.memory_space<vmem_shared>>
        tpu.wait_indirect_dma semaphore(%run_scoped3A_34 : memref<!tpu.dma_semaphore, #tpu.memory_space<semaphore_mem>>) src(%arg9 : memref<128x128xf32, #tpu.memory_space<vmem>>) dst(%dma_wait3A_44 : memref<10240x128xf32, #tpu.memory_space<vmem_shared>>)
        tpu.yield
      }) : () -> ()
      %run_scoped3A_29 = arith.constant 3 : i32
      "tpu.region"() ({
        %run_scoped3A_34 = tpu.sem_alloc : memref<!tpu.dma_semaphore, #tpu.memory_space<semaphore_mem>>
        %dma_start3A = arith.constant 0 : i32
        %dma_start3A_35 = tpu.memref_slice %arg8[%run_scoped3A_29, %dma_start3A] : memref<8x128xi32, #tpu.memory_space<vmem>> -> memref<1x128xi32, #tpu.memory_space<vmem>>
        %dma_start3A_36 = tpu.memref_squeeze %dma_start3A_35 : memref<1x128xi32, #tpu.memory_space<vmem>> -> memref<128xi32, #tpu.memory_space<vmem>>
        %dma_start3A_37 = arith.constant 0 : i32
        %dma_start3A_38 = arith.constant 0 : i32
        %dma_start3A_39 = tpu.memref_slice %arg7[%dma_start3A_37, %dma_start3A_38] : memref<10240x128xf32, #tpu.memory_space<vmem_shared>> -> memref<10240x128xf32, #tpu.memory_space<vmem_shared>>
        tpu.enqueue_indirect_dma source(%arg9 : memref<128x128xf32, #tpu.memory_space<vmem>>) target(%dma_start3A_39 : memref<10240x128xf32, #tpu.memory_space<vmem_shared>>) offsets(%dma_start3A_36 : memref<128xi32, #tpu.memory_space<vmem>>) semaphore(%run_scoped3A_34 : memref<!tpu.dma_semaphore, #tpu.memory_space<semaphore_mem>>) {add = true}
        %dma_wait3A = arith.constant 0 : i32
        %dma_wait3A_40 = tpu.memref_slice %arg8[%run_scoped3A_29, %dma_wait3A] : memref<8x128xi32, #tpu.memory_space<vmem>> -> memref<1x128xi32, #tpu.memory_space<vmem>>
        %dma_wait3A_41 = tpu.memref_squeeze %dma_wait3A_40 : memref<1x128xi32, #tpu.memory_space<vmem>> -> memref<128xi32, #tpu.memory_space<vmem>>
        %dma_wait3A_42 = arith.constant 0 : i32
        %dma_wait3A_43 = arith.constant 0 : i32
        %dma_wait3A_44 = tpu.memref_slice %arg7[%dma_wait3A_42, %dma_wait3A_43] : memref<10240x128xf32, #tpu.memory_space<vmem_shared>> -> memref<10240x128xf32, #tpu.memory_space<vmem_shared>>
        tpu.wait_indirect_dma semaphore(%run_scoped3A_34 : memref<!tpu.dma_semaphore, #tpu.memory_space<semaphore_mem>>) src(%arg9 : memref<128x128xf32, #tpu.memory_space<vmem>>) dst(%dma_wait3A_44 : memref<10240x128xf32, #tpu.memory_space<vmem_shared>>)
        tpu.yield
      }) : () -> ()
      %run_scoped3A_30 = arith.constant 4 : i32
      "tpu.region"() ({
        %run_scoped3A_34 = tpu.sem_alloc : memref<!tpu.dma_semaphore, #tpu.memory_space<semaphore_mem>>
        %dma_start3A = arith.constant 0 : i32
        %dma_start3A_35 = tpu.memref_slice %arg8[%run_scoped3A_30, %dma_start3A] : memref<8x128xi32, #tpu.memory_space<vmem>> -> memref<1x128xi32, #tpu.memory_space<vmem>>
        %dma_start3A_36 = tpu.memref_squeeze %dma_start3A_35 : memref<1x128xi32, #tpu.memory_space<vmem>> -> memref<128xi32, #tpu.memory_space<vmem>>
        %dma_start3A_37 = arith.constant 0 : i32
        %dma_start3A_38 = arith.constant 0 : i32
        %dma_start3A_39 = tpu.memref_slice %arg7[%dma_start3A_37, %dma_start3A_38] : memref<10240x128xf32, #tpu.memory_space<vmem_shared>> -> memref<10240x128xf32, #tpu.memory_space<vmem_shared>>
        tpu.enqueue_indirect_dma source(%arg9 : memref<128x128xf32, #tpu.memory_space<vmem>>) target(%dma_start3A_39 : memref<10240x128xf32, #tpu.memory_space<vmem_shared>>) offsets(%dma_start3A_36 : memref<128xi32, #tpu.memory_space<vmem>>) semaphore(%run_scoped3A_34 : memref<!tpu.dma_semaphore, #tpu.memory_space<semaphore_mem>>) {add = true}
        %dma_wait3A = arith.constant 0 : i32
        %dma_wait3A_40 = tpu.memref_slice %arg8[%run_scoped3A_30, %dma_wait3A] : memref<8x128xi32, #tpu.memory_space<vmem>> -> memref<1x128xi32, #tpu.memory_space<vmem>>
        %dma_wait3A_41 = tpu.memref_squeeze %dma_wait3A_40 : memref<1x128xi32, #tpu.memory_space<vmem>> -> memref<128xi32, #tpu.memory_space<vmem>>
        %dma_wait3A_42 = arith.constant 0 : i32
        %dma_wait3A_43 = arith.constant 0 : i32
        %dma_wait3A_44 = tpu.memref_slice %arg7[%dma_wait3A_42, %dma_wait3A_43] : memref<10240x128xf32, #tpu.memory_space<vmem_shared>> -> memref<10240x128xf32, #tpu.memory_space<vmem_shared>>
        tpu.wait_indirect_dma semaphore(%run_scoped3A_34 : memref<!tpu.dma_semaphore, #tpu.memory_space<semaphore_mem>>) src(%arg9 : memref<128x128xf32, #tpu.memory_space<vmem>>) dst(%dma_wait3A_44 : memref<10240x128xf32, #tpu.memory_space<vmem_shared>>)
        tpu.yield
      }) : () -> ()
      %run_scoped3A_31 = arith.constant 5 : i32
      "tpu.region"() ({
        %run_scoped3A_34 = tpu.sem_alloc : memref<!tpu.dma_semaphore, #tpu.memory_space<semaphore_mem>>
        %dma_start3A = arith.constant 0 : i32
        %dma_start3A_35 = tpu.memref_slice %arg8[%run_scoped3A_31, %dma_start3A] : memref<8x128xi32, #tpu.memory_space<vmem>> -> memref<1x128xi32, #tpu.memory_space<vmem>>
        %dma_start3A_36 = tpu.memref_squeeze %dma_start3A_35 : memref<1x128xi32, #tpu.memory_space<vmem>> -> memref<128xi32, #tpu.memory_space<vmem>>
        %dma_start3A_37 = arith.constant 0 : i32
        %dma_start3A_38 = arith.constant 0 : i32
        %dma_start3A_39 = tpu.memref_slice %arg7[%dma_start3A_37, %dma_start3A_38] : memref<10240x128xf32, #tpu.memory_space<vmem_shared>> -> memref<10240x128xf32, #tpu.memory_space<vmem_shared>>
        tpu.enqueue_indirect_dma source(%arg9 : memref<128x128xf32, #tpu.memory_space<vmem>>) target(%dma_start3A_39 : memref<10240x128xf32, #tpu.memory_space<vmem_shared>>) offsets(%dma_start3A_36 : memref<128xi32, #tpu.memory_space<vmem>>) semaphore(%run_scoped3A_34 : memref<!tpu.dma_semaphore, #tpu.memory_space<semaphore_mem>>) {add = true}
        %dma_wait3A = arith.constant 0 : i32
        %dma_wait3A_40 = tpu.memref_slice %arg8[%run_scoped3A_31, %dma_wait3A] : memref<8x128xi32, #tpu.memory_space<vmem>> -> memref<1x128xi32, #tpu.memory_space<vmem>>
        %dma_wait3A_41 = tpu.memref_squeeze %dma_wait3A_40 : memref<1x128xi32, #tpu.memory_space<vmem>> -> memref<128xi32, #tpu.memory_space<vmem>>
        %dma_wait3A_42 = arith.constant 0 : i32
        %dma_wait3A_43 = arith.constant 0 : i32
        %dma_wait3A_44 = tpu.memref_slice %arg7[%dma_wait3A_42, %dma_wait3A_43] : memref<10240x128xf32, #tpu.memory_space<vmem_shared>> -> memref<10240x128xf32, #tpu.memory_space<vmem_shared>>
        tpu.wait_indirect_dma semaphore(%run_scoped3A_34 : memref<!tpu.dma_semaphore, #tpu.memory_space<semaphore_mem>>) src(%arg9 : memref<128x128xf32, #tpu.memory_space<vmem>>) dst(%dma_wait3A_44 : memref<10240x128xf32, #tpu.memory_space<vmem_shared>>)
        tpu.yield
      }) : () -> ()
      %run_scoped3A_32 = arith.constant 6 : i32
      "tpu.region"() ({
        %run_scoped3A_34 = tpu.sem_alloc : memref<!tpu.dma_semaphore, #tpu.memory_space<semaphore_mem>>
        %dma_start3A = arith.constant 0 : i32
        %dma_start3A_35 = tpu.memref_slice %arg8[%run_scoped3A_32, %dma_start3A] : memref<8x128xi32, #tpu.memory_space<vmem>> -> memref<1x128xi32, #tpu.memory_space<vmem>>
        %dma_start3A_36 = tpu.memref_squeeze %dma_start3A_35 : memref<1x128xi32, #tpu.memory_space<vmem>> -> memref<128xi32, #tpu.memory_space<vmem>>
        %dma_start3A_37 = arith.constant 0 : i32
        %dma_start3A_38 = arith.constant 0 : i32
        %dma_start3A_39 = tpu.memref_slice %arg7[%dma_start3A_37, %dma_start3A_38] : memref<10240x128xf32, #tpu.memory_space<vmem_shared>> -> memref<10240x128xf32, #tpu.memory_space<vmem_shared>>
        tpu.enqueue_indirect_dma source(%arg9 : memref<128x128xf32, #tpu.memory_space<vmem>>) target(%dma_start3A_39 : memref<10240x128xf32, #tpu.memory_space<vmem_shared>>) offsets(%dma_start3A_36 : memref<128xi32, #tpu.memory_space<vmem>>) semaphore(%run_scoped3A_34 : memref<!tpu.dma_semaphore, #tpu.memory_space<semaphore_mem>>) {add = true}
        %dma_wait3A = arith.constant 0 : i32
        %dma_wait3A_40 = tpu.memref_slice %arg8[%run_scoped3A_32, %dma_wait3A] : memref<8x128xi32, #tpu.memory_space<vmem>> -> memref<1x128xi32, #tpu.memory_space<vmem>>
        %dma_wait3A_41 = tpu.memref_squeeze %dma_wait3A_40 : memref<1x128xi32, #tpu.memory_space<vmem>> -> memref<128xi32, #tpu.memory_space<vmem>>
        %dma_wait3A_42 = arith.constant 0 : i32
        %dma_wait3A_43 = arith.constant 0 : i32
        %dma_wait3A_44 = tpu.memref_slice %arg7[%dma_wait3A_42, %dma_wait3A_43] : memref<10240x128xf32, #tpu.memory_space<vmem_shared>> -> memref<10240x128xf32, #tpu.memory_space<vmem_shared>>
        tpu.wait_indirect_dma semaphore(%run_scoped3A_34 : memref<!tpu.dma_semaphore, #tpu.memory_space<semaphore_mem>>) src(%arg9 : memref<128x128xf32, #tpu.memory_space<vmem>>) dst(%dma_wait3A_44 : memref<10240x128xf32, #tpu.memory_space<vmem_shared>>)
        tpu.yield
      }) : () -> ()
      %run_scoped3A_33 = arith.constant 7 : i32
      "tpu.region"() ({
        %run_scoped3A_34 = tpu.sem_alloc : memref<!tpu.dma_semaphore, #tpu.memory_space<semaphore_mem>>
        %dma_start3A = arith.constant 0 : i32
        %dma_start3A_35 = tpu.memref_slice %arg8[%run_scoped3A_33, %dma_start3A] : memref<8x128xi32, #tpu.memory_space<vmem>> -> memref<1x128xi32, #tpu.memory_space<vmem>>
        %dma_start3A_36 = tpu.memref_squeeze %dma_start3A_35 : memref<1x128xi32, #tpu.memory_space<vmem>> -> memref<128xi32, #tpu.memory_space<vmem>>
        %dma_start3A_37 = arith.constant 0 : i32
        %dma_start3A_38 = arith.constant 0 : i32
        %dma_start3A_39 = tpu.memref_slice %arg7[%dma_start3A_37, %dma_start3A_38] : memref<10240x128xf32, #tpu.memory_space<vmem_shared>> -> memref<10240x128xf32, #tpu.memory_space<vmem_shared>>
        tpu.enqueue_indirect_dma source(%arg9 : memref<128x128xf32, #tpu.memory_space<vmem>>) target(%dma_start3A_39 : memref<10240x128xf32, #tpu.memory_space<vmem_shared>>) offsets(%dma_start3A_36 : memref<128xi32, #tpu.memory_space<vmem>>) semaphore(%run_scoped3A_34 : memref<!tpu.dma_semaphore, #tpu.memory_space<semaphore_mem>>) {add = true}
        %dma_wait3A = arith.constant 0 : i32
        %dma_wait3A_40 = tpu.memref_slice %arg8[%run_scoped3A_33, %dma_wait3A] : memref<8x128xi32, #tpu.memory_space<vmem>> -> memref<1x128xi32, #tpu.memory_space<vmem>>
        %dma_wait3A_41 = tpu.memref_squeeze %dma_wait3A_40 : memref<1x128xi32, #tpu.memory_space<vmem>> -> memref<128xi32, #tpu.memory_space<vmem>>
        %dma_wait3A_42 = arith.constant 0 : i32
        %dma_wait3A_43 = arith.constant 0 : i32
        %dma_wait3A_44 = tpu.memref_slice %arg7[%dma_wait3A_42, %dma_wait3A_43] : memref<10240x128xf32, #tpu.memory_space<vmem_shared>> -> memref<10240x128xf32, #tpu.memory_space<vmem_shared>>
        tpu.wait_indirect_dma semaphore(%run_scoped3A_34 : memref<!tpu.dma_semaphore, #tpu.memory_space<semaphore_mem>>) src(%arg9 : memref<128x128xf32, #tpu.memory_space<vmem>>) dst(%dma_wait3A_44 : memref<10240x128xf32, #tpu.memory_space<vmem_shared>>)
        tpu.yield
      }) : () -> ()
    }
    %scan3A_7 = arith.constant 10 : i32
    %barrier3A_8 = arith.constant 0 : index
    tpu.barrier barrier_id(%barrier3A_8)
    %run_scoped3A = arith.constant 0 : i32
    "tpu.region"() ({
      %run_scoped3A_20 = tpu.sem_alloc : memref<!tpu.dma_semaphore, #tpu.memory_space<semaphore_mem>>
      %dma_start3A = arith.constant 0 : i32
      %dma_start3A_21 = tpu.memref_slice %arg6[%arg0, %run_scoped3A, %mul3A_2, %dma_start3A] : memref<2x2x10240x128xf32, #tpu.memory_space<hbm>> -> memref<1x1x640x128xf32, #tpu.memory_space<hbm>>
      %dma_start3A_22 = tpu.memref_squeeze %dma_start3A_21 : memref<1x1x640x128xf32, #tpu.memory_space<hbm>> -> memref<640x128xf32, #tpu.memory_space<hbm>>
      %dma_start3A_23 = arith.constant 0 : i32
      %dma_start3A_24 = tpu.memref_slice %arg7[%mul3A_2, %dma_start3A_23] : memref<10240x128xf32, #tpu.memory_space<vmem_shared>> -> memref<640x128xf32, #tpu.memory_space<vmem_shared>>
      tpu.enqueue_dma source(%dma_start3A_24 : memref<640x128xf32, #tpu.memory_space<vmem_shared>>) target(%dma_start3A_22 : memref<640x128xf32, #tpu.memory_space<hbm>>) target_semaphore(%run_scoped3A_20 : memref<!tpu.dma_semaphore, #tpu.memory_space<semaphore_mem>>)
      %dma_wait3A = arith.constant 0 : i32
      %dma_wait3A_25 = tpu.memref_slice %arg6[%arg0, %run_scoped3A, %mul3A_2, %dma_wait3A] : memref<2x2x10240x128xf32, #tpu.memory_space<hbm>> -> memref<1x1x640x128xf32, #tpu.memory_space<hbm>>
      %dma_wait3A_26 = tpu.memref_squeeze %dma_wait3A_25 : memref<1x1x640x128xf32, #tpu.memory_space<hbm>> -> memref<640x128xf32, #tpu.memory_space<hbm>>
      %dma_wait3A_27 = arith.constant 0 : i32
      %dma_wait3A_28 = tpu.memref_slice %arg7[%mul3A_2, %dma_wait3A_27] : memref<10240x128xf32, #tpu.memory_space<vmem_shared>> -> memref<640x128xf32, #tpu.memory_space<vmem_shared>>
      tpu.wait_dma2 semaphore(%run_scoped3A_20 : memref<!tpu.dma_semaphore, #tpu.memory_space<semaphore_mem>>) src(%dma_wait3A_28 : memref<640x128xf32, #tpu.memory_space<vmem_shared>>) dst(%dma_wait3A_26 : memref<640x128xf32, #tpu.memory_space<hbm>>)
      tpu.yield
    }) : () -> ()
    %barrier3A_9 = arith.constant 0 : index
    tpu.barrier barrier_id(%barrier3A_9)
    "tpu.region"() ({
      %run_scoped3A_20 = tpu.sem_alloc : memref<!tpu.dma_semaphore, #tpu.memory_space<semaphore_mem>>
      %dma_start3A = arith.constant 0 : i32
      %dma_start3A_21 = tpu.memref_slice %arg7[%mul3A_2, %dma_start3A] : memref<10240x128xf32, #tpu.memory_space<vmem_shared>> -> memref<640x128xf32, #tpu.memory_space<vmem_shared>>
      %dma_start3A_22 = arith.constant 0 : i32
      %dma_start3A_23 = tpu.memref_slice %arg5[%mul3A_2, %dma_start3A_22] : memref<10240x128xf32, #tpu.memory_space<hbm>> -> memref<640x128xf32, #tpu.memory_space<hbm>>
      tpu.enqueue_dma source(%dma_start3A_23 : memref<640x128xf32, #tpu.memory_space<hbm>>) target(%dma_start3A_21 : memref<640x128xf32, #tpu.memory_space<vmem_shared>>) target_semaphore(%run_scoped3A_20 : memref<!tpu.dma_semaphore, #tpu.memory_space<semaphore_mem>>)
      %dma_wait3A = arith.constant 0 : i32
      %dma_wait3A_24 = tpu.memref_slice %arg7[%mul3A_2, %dma_wait3A] : memref<10240x128xf32, #tpu.memory_space<vmem_shared>> -> memref<640x128xf32, #tpu.memory_space<vmem_shared>>
      %dma_wait3A_25 = arith.constant 0 : i32
      %dma_wait3A_26 = tpu.memref_slice %arg5[%mul3A_2, %dma_wait3A_25] : memref<10240x128xf32, #tpu.memory_space<hbm>> -> memref<640x128xf32, #tpu.memory_space<hbm>>
      tpu.wait_dma2 semaphore(%run_scoped3A_20 : memref<!tpu.dma_semaphore, #tpu.memory_space<semaphore_mem>>) src(%dma_wait3A_26 : memref<640x128xf32, #tpu.memory_space<hbm>>) dst(%dma_wait3A_24 : memref<640x128xf32, #tpu.memory_space<vmem_shared>>)
      tpu.yield
    }) : () -> ()
    %barrier3A_10 = arith.constant 0 : index
    tpu.barrier barrier_id(%barrier3A_10)
    %scan3A_11 = arith.constant 0 : i32
    %scan3A_12 = arith.constant 0 : i32
    %scan3A_13 = arith.constant 10 : i32
    %scan3A_14 = arith.addi %scan3A_12, %scan3A_13 : i32
    %scan3A_15 = arith.constant 1 : i32
    scf.for %scan3A_20 = %scan3A_12 to %scan3A_14 step %scan3A_15  : i32 {
      %mul3A_21 = arith.constant 80 : i32
      %mul3A_22 = arith.muli %add3A, %mul3A_21 : i32
      %mul3A_23 = arith.constant 8 : i32
      %mul3A_24 = arith.muli %scan3A_20, %mul3A_23 : i32
      %add3A_25 = arith.addi %mul3A_22, %mul3A_24 : i32
      "tpu.region"() ({
        %run_scoped3A_34 = tpu.sem_alloc : memref<!tpu.dma_semaphore, #tpu.memory_space<semaphore_mem>>
        %dma_start3A = arith.constant 0 : i32
        %dma_start3A_35 = tpu.memref_slice %arg3[%add3A_25, %dma_start3A] : memref<2560x128xi32, #tpu.memory_space<hbm>> -> memref<8x128xi32, #tpu.memory_space<hbm>>
        %dma_start3A_36 = arith.constant 0 : i32
        %dma_start3A_37 = tpu.memref_slice %arg3[%add3A_25, %dma_start3A_36] : memref<2560x128xi32, #tpu.memory_space<hbm>> -> memref<8x128xi32, #tpu.memory_space<hbm>>
        tpu.enqueue_dma source(%dma_start3A_37 : memref<8x128xi32, #tpu.memory_space<hbm>>) target(%arg8 : memref<8x128xi32, #tpu.memory_space<vmem>>) target_semaphore(%run_scoped3A_34 : memref<!tpu.dma_semaphore, #tpu.memory_space<semaphore_mem>>)
        %dma_wait3A = arith.constant 0 : i32
        %dma_wait3A_38 = tpu.memref_slice %arg3[%add3A_25, %dma_wait3A] : memref<2560x128xi32, #tpu.memory_space<hbm>> -> memref<8x128xi32, #tpu.memory_space<hbm>>
        %dma_wait3A_39 = arith.constant 0 : i32
        %dma_wait3A_40 = tpu.memref_slice %arg3[%add3A_25, %dma_wait3A_39] : memref<2560x128xi32, #tpu.memory_space<hbm>> -> memref<8x128xi32, #tpu.memory_space<hbm>>
        tpu.wait_dma2 semaphore(%run_scoped3A_34 : memref<!tpu.dma_semaphore, #tpu.memory_space<semaphore_mem>>) src(%dma_wait3A_40 : memref<8x128xi32, #tpu.memory_space<hbm>>) dst(%arg8 : memref<8x128xi32, #tpu.memory_space<vmem>>)
        tpu.yield
      }) : () -> ()
      %run_scoped3A_26 = arith.constant 0 : i32
      "tpu.region"() ({
        %run_scoped3A_34 = tpu.sem_alloc : memref<!tpu.dma_semaphore, #tpu.memory_space<semaphore_mem>>
        %dma_start3A = arith.constant 0 : i32
        %dma_start3A_35 = tpu.memref_slice %arg8[%run_scoped3A_26, %dma_start3A] : memref<8x128xi32, #tpu.memory_space<vmem>> -> memref<1x128xi32, #tpu.memory_space<vmem>>
        %dma_start3A_36 = tpu.memref_squeeze %dma_start3A_35 : memref<1x128xi32, #tpu.memory_space<vmem>> -> memref<128xi32, #tpu.memory_space<vmem>>
        %dma_start3A_37 = arith.constant 0 : i32
        %dma_start3A_38 = arith.constant 0 : i32
        %dma_start3A_39 = tpu.memref_slice %arg7[%dma_start3A_37, %dma_start3A_38] : memref<10240x128xf32, #tpu.memory_space<vmem_shared>> -> memref<10240x128xf32, #tpu.memory_space<vmem_shared>>
        tpu.enqueue_indirect_dma source(%arg9 : memref<128x128xf32, #tpu.memory_space<vmem>>) target(%dma_start3A_39 : memref<10240x128xf32, #tpu.memory_space<vmem_shared>>) offsets(%dma_start3A_36 : memref<128xi32, #tpu.memory_space<vmem>>) semaphore(%run_scoped3A_34 : memref<!tpu.dma_semaphore, #tpu.memory_space<semaphore_mem>>) {add = true}
        %dma_wait3A = arith.constant 0 : i32
        %dma_wait3A_40 = tpu.memref_slice %arg8[%run_scoped3A_26, %dma_wait3A] : memref<8x128xi32, #tpu.memory_space<vmem>> -> memref<1x128xi32, #tpu.memory_space<vmem>>
        %dma_wait3A_41 = tpu.memref_squeeze %dma_wait3A_40 : memref<1x128xi32, #tpu.memory_space<vmem>> -> memref<128xi32, #tpu.memory_space<vmem>>
        %dma_wait3A_42 = arith.constant 0 : i32
        %dma_wait3A_43 = arith.constant 0 : i32
        %dma_wait3A_44 = tpu.memref_slice %arg7[%dma_wait3A_42, %dma_wait3A_43] : memref<10240x128xf32, #tpu.memory_space<vmem_shared>> -> memref<10240x128xf32, #tpu.memory_space<vmem_shared>>
        tpu.wait_indirect_dma semaphore(%run_scoped3A_34 : memref<!tpu.dma_semaphore, #tpu.memory_space<semaphore_mem>>) src(%arg9 : memref<128x128xf32, #tpu.memory_space<vmem>>) dst(%dma_wait3A_44 : memref<10240x128xf32, #tpu.memory_space<vmem_shared>>)
        tpu.yield
      }) : () -> ()
      %run_scoped3A_27 = arith.constant 1 : i32
      "tpu.region"() ({
        %run_scoped3A_34 = tpu.sem_alloc : memref<!tpu.dma_semaphore, #tpu.memory_space<semaphore_mem>>
        %dma_start3A = arith.constant 0 : i32
        %dma_start3A_35 = tpu.memref_slice %arg8[%run_scoped3A_27, %dma_start3A] : memref<8x128xi32, #tpu.memory_space<vmem>> -> memref<1x128xi32, #tpu.memory_space<vmem>>
        %dma_start3A_36 = tpu.memref_squeeze %dma_start3A_35 : memref<1x128xi32, #tpu.memory_space<vmem>> -> memref<128xi32, #tpu.memory_space<vmem>>
        %dma_start3A_37 = arith.constant 0 : i32
        %dma_start3A_38 = arith.constant 0 : i32
        %dma_start3A_39 = tpu.memref_slice %arg7[%dma_start3A_37, %dma_start3A_38] : memref<10240x128xf32, #tpu.memory_space<vmem_shared>> -> memref<10240x128xf32, #tpu.memory_space<vmem_shared>>
        tpu.enqueue_indirect_dma source(%arg9 : memref<128x128xf32, #tpu.memory_space<vmem>>) target(%dma_start3A_39 : memref<10240x128xf32, #tpu.memory_space<vmem_shared>>) offsets(%dma_start3A_36 : memref<128xi32, #tpu.memory_space<vmem>>) semaphore(%run_scoped3A_34 : memref<!tpu.dma_semaphore, #tpu.memory_space<semaphore_mem>>) {add = true}
        %dma_wait3A = arith.constant 0 : i32
        %dma_wait3A_40 = tpu.memref_slice %arg8[%run_scoped3A_27, %dma_wait3A] : memref<8x128xi32, #tpu.memory_space<vmem>> -> memref<1x128xi32, #tpu.memory_space<vmem>>
        %dma_wait3A_41 = tpu.memref_squeeze %dma_wait3A_40 : memref<1x128xi32, #tpu.memory_space<vmem>> -> memref<128xi32, #tpu.memory_space<vmem>>
        %dma_wait3A_42 = arith.constant 0 : i32
        %dma_wait3A_43 = arith.constant 0 : i32
        %dma_wait3A_44 = tpu.memref_slice %arg7[%dma_wait3A_42, %dma_wait3A_43] : memref<10240x128xf32, #tpu.memory_space<vmem_shared>> -> memref<10240x128xf32, #tpu.memory_space<vmem_shared>>
        tpu.wait_indirect_dma semaphore(%run_scoped3A_34 : memref<!tpu.dma_semaphore, #tpu.memory_space<semaphore_mem>>) src(%arg9 : memref<128x128xf32, #tpu.memory_space<vmem>>) dst(%dma_wait3A_44 : memref<10240x128xf32, #tpu.memory_space<vmem_shared>>)
        tpu.yield
      }) : () -> ()
      %run_scoped3A_28 = arith.constant 2 : i32
      "tpu.region"() ({
        %run_scoped3A_34 = tpu.sem_alloc : memref<!tpu.dma_semaphore, #tpu.memory_space<semaphore_mem>>
        %dma_start3A = arith.constant 0 : i32
        %dma_start3A_35 = tpu.memref_slice %arg8[%run_scoped3A_28, %dma_start3A] : memref<8x128xi32, #tpu.memory_space<vmem>> -> memref<1x128xi32, #tpu.memory_space<vmem>>
        %dma_start3A_36 = tpu.memref_squeeze %dma_start3A_35 : memref<1x128xi32, #tpu.memory_space<vmem>> -> memref<128xi32, #tpu.memory_space<vmem>>
        %dma_start3A_37 = arith.constant 0 : i32
        %dma_start3A_38 = arith.constant 0 : i32
        %dma_start3A_39 = tpu.memref_slice %arg7[%dma_start3A_37, %dma_start3A_38] : memref<10240x128xf32, #tpu.memory_space<vmem_shared>> -> memref<10240x128xf32, #tpu.memory_space<vmem_shared>>
        tpu.enqueue_indirect_dma source(%arg9 : memref<128x128xf32, #tpu.memory_space<vmem>>) target(%dma_start3A_39 : memref<10240x128xf32, #tpu.memory_space<vmem_shared>>) offsets(%dma_start3A_36 : memref<128xi32, #tpu.memory_space<vmem>>) semaphore(%run_scoped3A_34 : memref<!tpu.dma_semaphore, #tpu.memory_space<semaphore_mem>>) {add = true}
        %dma_wait3A = arith.constant 0 : i32
        %dma_wait3A_40 = tpu.memref_slice %arg8[%run_scoped3A_28, %dma_wait3A] : memref<8x128xi32, #tpu.memory_space<vmem>> -> memref<1x128xi32, #tpu.memory_space<vmem>>
        %dma_wait3A_41 = tpu.memref_squeeze %dma_wait3A_40 : memref<1x128xi32, #tpu.memory_space<vmem>> -> memref<128xi32, #tpu.memory_space<vmem>>
        %dma_wait3A_42 = arith.constant 0 : i32
        %dma_wait3A_43 = arith.constant 0 : i32
        %dma_wait3A_44 = tpu.memref_slice %arg7[%dma_wait3A_42, %dma_wait3A_43] : memref<10240x128xf32, #tpu.memory_space<vmem_shared>> -> memref<10240x128xf32, #tpu.memory_space<vmem_shared>>
        tpu.wait_indirect_dma semaphore(%run_scoped3A_34 : memref<!tpu.dma_semaphore, #tpu.memory_space<semaphore_mem>>) src(%arg9 : memref<128x128xf32, #tpu.memory_space<vmem>>) dst(%dma_wait3A_44 : memref<10240x128xf32, #tpu.memory_space<vmem_shared>>)
        tpu.yield
      }) : () -> ()
      %run_scoped3A_29 = arith.constant 3 : i32
      "tpu.region"() ({
        %run_scoped3A_34 = tpu.sem_alloc : memref<!tpu.dma_semaphore, #tpu.memory_space<semaphore_mem>>
        %dma_start3A = arith.constant 0 : i32
        %dma_start3A_35 = tpu.memref_slice %arg8[%run_scoped3A_29, %dma_start3A] : memref<8x128xi32, #tpu.memory_space<vmem>> -> memref<1x128xi32, #tpu.memory_space<vmem>>
        %dma_start3A_36 = tpu.memref_squeeze %dma_start3A_35 : memref<1x128xi32, #tpu.memory_space<vmem>> -> memref<128xi32, #tpu.memory_space<vmem>>
        %dma_start3A_37 = arith.constant 0 : i32
        %dma_start3A_38 = arith.constant 0 : i32
        %dma_start3A_39 = tpu.memref_slice %arg7[%dma_start3A_37, %dma_start3A_38] : memref<10240x128xf32, #tpu.memory_space<vmem_shared>> -> memref<10240x128xf32, #tpu.memory_space<vmem_shared>>
        tpu.enqueue_indirect_dma source(%arg9 : memref<128x128xf32, #tpu.memory_space<vmem>>) target(%dma_start3A_39 : memref<10240x128xf32, #tpu.memory_space<vmem_shared>>) offsets(%dma_start3A_36 : memref<128xi32, #tpu.memory_space<vmem>>) semaphore(%run_scoped3A_34 : memref<!tpu.dma_semaphore, #tpu.memory_space<semaphore_mem>>) {add = true}
        %dma_wait3A = arith.constant 0 : i32
        %dma_wait3A_40 = tpu.memref_slice %arg8[%run_scoped3A_29, %dma_wait3A] : memref<8x128xi32, #tpu.memory_space<vmem>> -> memref<1x128xi32, #tpu.memory_space<vmem>>
        %dma_wait3A_41 = tpu.memref_squeeze %dma_wait3A_40 : memref<1x128xi32, #tpu.memory_space<vmem>> -> memref<128xi32, #tpu.memory_space<vmem>>
        %dma_wait3A_42 = arith.constant 0 : i32
        %dma_wait3A_43 = arith.constant 0 : i32
        %dma_wait3A_44 = tpu.memref_slice %arg7[%dma_wait3A_42, %dma_wait3A_43] : memref<10240x128xf32, #tpu.memory_space<vmem_shared>> -> memref<10240x128xf32, #tpu.memory_space<vmem_shared>>
        tpu.wait_indirect_dma semaphore(%run_scoped3A_34 : memref<!tpu.dma_semaphore, #tpu.memory_space<semaphore_mem>>) src(%arg9 : memref<128x128xf32, #tpu.memory_space<vmem>>) dst(%dma_wait3A_44 : memref<10240x128xf32, #tpu.memory_space<vmem_shared>>)
        tpu.yield
      }) : () -> ()
      %run_scoped3A_30 = arith.constant 4 : i32
      "tpu.region"() ({
        %run_scoped3A_34 = tpu.sem_alloc : memref<!tpu.dma_semaphore, #tpu.memory_space<semaphore_mem>>
        %dma_start3A = arith.constant 0 : i32
        %dma_start3A_35 = tpu.memref_slice %arg8[%run_scoped3A_30, %dma_start3A] : memref<8x128xi32, #tpu.memory_space<vmem>> -> memref<1x128xi32, #tpu.memory_space<vmem>>
        %dma_start3A_36 = tpu.memref_squeeze %dma_start3A_35 : memref<1x128xi32, #tpu.memory_space<vmem>> -> memref<128xi32, #tpu.memory_space<vmem>>
        %dma_start3A_37 = arith.constant 0 : i32
        %dma_start3A_38 = arith.constant 0 : i32
        %dma_start3A_39 = tpu.memref_slice %arg7[%dma_start3A_37, %dma_start3A_38] : memref<10240x128xf32, #tpu.memory_space<vmem_shared>> -> memref<10240x128xf32, #tpu.memory_space<vmem_shared>>
        tpu.enqueue_indirect_dma source(%arg9 : memref<128x128xf32, #tpu.memory_space<vmem>>) target(%dma_start3A_39 : memref<10240x128xf32, #tpu.memory_space<vmem_shared>>) offsets(%dma_start3A_36 : memref<128xi32, #tpu.memory_space<vmem>>) semaphore(%run_scoped3A_34 : memref<!tpu.dma_semaphore, #tpu.memory_space<semaphore_mem>>) {add = true}
        %dma_wait3A = arith.constant 0 : i32
        %dma_wait3A_40 = tpu.memref_slice %arg8[%run_scoped3A_30, %dma_wait3A] : memref<8x128xi32, #tpu.memory_space<vmem>> -> memref<1x128xi32, #tpu.memory_space<vmem>>
        %dma_wait3A_41 = tpu.memref_squeeze %dma_wait3A_40 : memref<1x128xi32, #tpu.memory_space<vmem>> -> memref<128xi32, #tpu.memory_space<vmem>>
        %dma_wait3A_42 = arith.constant 0 : i32
        %dma_wait3A_43 = arith.constant 0 : i32
        %dma_wait3A_44 = tpu.memref_slice %arg7[%dma_wait3A_42, %dma_wait3A_43] : memref<10240x128xf32, #tpu.memory_space<vmem_shared>> -> memref<10240x128xf32, #tpu.memory_space<vmem_shared>>
        tpu.wait_indirect_dma semaphore(%run_scoped3A_34 : memref<!tpu.dma_semaphore, #tpu.memory_space<semaphore_mem>>) src(%arg9 : memref<128x128xf32, #tpu.memory_space<vmem>>) dst(%dma_wait3A_44 : memref<10240x128xf32, #tpu.memory_space<vmem_shared>>)
        tpu.yield
      }) : () -> ()
      %run_scoped3A_31 = arith.constant 5 : i32
      "tpu.region"() ({
        %run_scoped3A_34 = tpu.sem_alloc : memref<!tpu.dma_semaphore, #tpu.memory_space<semaphore_mem>>
        %dma_start3A = arith.constant 0 : i32
        %dma_start3A_35 = tpu.memref_slice %arg8[%run_scoped3A_31, %dma_start3A] : memref<8x128xi32, #tpu.memory_space<vmem>> -> memref<1x128xi32, #tpu.memory_space<vmem>>
        %dma_start3A_36 = tpu.memref_squeeze %dma_start3A_35 : memref<1x128xi32, #tpu.memory_space<vmem>> -> memref<128xi32, #tpu.memory_space<vmem>>
        %dma_start3A_37 = arith.constant 0 : i32
        %dma_start3A_38 = arith.constant 0 : i32
        %dma_start3A_39 = tpu.memref_slice %arg7[%dma_start3A_37, %dma_start3A_38] : memref<10240x128xf32, #tpu.memory_space<vmem_shared>> -> memref<10240x128xf32, #tpu.memory_space<vmem_shared>>
        tpu.enqueue_indirect_dma source(%arg9 : memref<128x128xf32, #tpu.memory_space<vmem>>) target(%dma_start3A_39 : memref<10240x128xf32, #tpu.memory_space<vmem_shared>>) offsets(%dma_start3A_36 : memref<128xi32, #tpu.memory_space<vmem>>) semaphore(%run_scoped3A_34 : memref<!tpu.dma_semaphore, #tpu.memory_space<semaphore_mem>>) {add = true}
        %dma_wait3A = arith.constant 0 : i32
        %dma_wait3A_40 = tpu.memref_slice %arg8[%run_scoped3A_31, %dma_wait3A] : memref<8x128xi32, #tpu.memory_space<vmem>> -> memref<1x128xi32, #tpu.memory_space<vmem>>
        %dma_wait3A_41 = tpu.memref_squeeze %dma_wait3A_40 : memref<1x128xi32, #tpu.memory_space<vmem>> -> memref<128xi32, #tpu.memory_space<vmem>>
        %dma_wait3A_42 = arith.constant 0 : i32
        %dma_wait3A_43 = arith.constant 0 : i32
        %dma_wait3A_44 = tpu.memref_slice %arg7[%dma_wait3A_42, %dma_wait3A_43] : memref<10240x128xf32, #tpu.memory_space<vmem_shared>> -> memref<10240x128xf32, #tpu.memory_space<vmem_shared>>
        tpu.wait_indirect_dma semaphore(%run_scoped3A_34 : memref<!tpu.dma_semaphore, #tpu.memory_space<semaphore_mem>>) src(%arg9 : memref<128x128xf32, #tpu.memory_space<vmem>>) dst(%dma_wait3A_44 : memref<10240x128xf32, #tpu.memory_space<vmem_shared>>)
        tpu.yield
      }) : () -> ()
      %run_scoped3A_32 = arith.constant 6 : i32
      "tpu.region"() ({
        %run_scoped3A_34 = tpu.sem_alloc : memref<!tpu.dma_semaphore, #tpu.memory_space<semaphore_mem>>
        %dma_start3A = arith.constant 0 : i32
        %dma_start3A_35 = tpu.memref_slice %arg8[%run_scoped3A_32, %dma_start3A] : memref<8x128xi32, #tpu.memory_space<vmem>> -> memref<1x128xi32, #tpu.memory_space<vmem>>
        %dma_start3A_36 = tpu.memref_squeeze %dma_start3A_35 : memref<1x128xi32, #tpu.memory_space<vmem>> -> memref<128xi32, #tpu.memory_space<vmem>>
        %dma_start3A_37 = arith.constant 0 : i32
        %dma_start3A_38 = arith.constant 0 : i32
        %dma_start3A_39 = tpu.memref_slice %arg7[%dma_start3A_37, %dma_start3A_38] : memref<10240x128xf32, #tpu.memory_space<vmem_shared>> -> memref<10240x128xf32, #tpu.memory_space<vmem_shared>>
        tpu.enqueue_indirect_dma source(%arg9 : memref<128x128xf32, #tpu.memory_space<vmem>>) target(%dma_start3A_39 : memref<10240x128xf32, #tpu.memory_space<vmem_shared>>) offsets(%dma_start3A_36 : memref<128xi32, #tpu.memory_space<vmem>>) semaphore(%run_scoped3A_34 : memref<!tpu.dma_semaphore, #tpu.memory_space<semaphore_mem>>) {add = true}
        %dma_wait3A = arith.constant 0 : i32
        %dma_wait3A_40 = tpu.memref_slice %arg8[%run_scoped3A_32, %dma_wait3A] : memref<8x128xi32, #tpu.memory_space<vmem>> -> memref<1x128xi32, #tpu.memory_space<vmem>>
        %dma_wait3A_41 = tpu.memref_squeeze %dma_wait3A_40 : memref<1x128xi32, #tpu.memory_space<vmem>> -> memref<128xi32, #tpu.memory_space<vmem>>
        %dma_wait3A_42 = arith.constant 0 : i32
        %dma_wait3A_43 = arith.constant 0 : i32
        %dma_wait3A_44 = tpu.memref_slice %arg7[%dma_wait3A_42, %dma_wait3A_43] : memref<10240x128xf32, #tpu.memory_space<vmem_shared>> -> memref<10240x128xf32, #tpu.memory_space<vmem_shared>>
        tpu.wait_indirect_dma semaphore(%run_scoped3A_34 : memref<!tpu.dma_semaphore, #tpu.memory_space<semaphore_mem>>) src(%arg9 : memref<128x128xf32, #tpu.memory_space<vmem>>) dst(%dma_wait3A_44 : memref<10240x128xf32, #tpu.memory_space<vmem_shared>>)
        tpu.yield
      }) : () -> ()
      %run_scoped3A_33 = arith.constant 7 : i32
      "tpu.region"() ({
        %run_scoped3A_34 = tpu.sem_alloc : memref<!tpu.dma_semaphore, #tpu.memory_space<semaphore_mem>>
        %dma_start3A = arith.constant 0 : i32
        %dma_start3A_35 = tpu.memref_slice %arg8[%run_scoped3A_33, %dma_start3A] : memref<8x128xi32, #tpu.memory_space<vmem>> -> memref<1x128xi32, #tpu.memory_space<vmem>>
        %dma_start3A_36 = tpu.memref_squeeze %dma_start3A_35 : memref<1x128xi32, #tpu.memory_space<vmem>> -> memref<128xi32, #tpu.memory_space<vmem>>
        %dma_start3A_37 = arith.constant 0 : i32
        %dma_start3A_38 = arith.constant 0 : i32
        %dma_start3A_39 = tpu.memref_slice %arg7[%dma_start3A_37, %dma_start3A_38] : memref<10240x128xf32, #tpu.memory_space<vmem_shared>> -> memref<10240x128xf32, #tpu.memory_space<vmem_shared>>
        tpu.enqueue_indirect_dma source(%arg9 : memref<128x128xf32, #tpu.memory_space<vmem>>) target(%dma_start3A_39 : memref<10240x128xf32, #tpu.memory_space<vmem_shared>>) offsets(%dma_start3A_36 : memref<128xi32, #tpu.memory_space<vmem>>) semaphore(%run_scoped3A_34 : memref<!tpu.dma_semaphore, #tpu.memory_space<semaphore_mem>>) {add = true}
        %dma_wait3A = arith.constant 0 : i32
        %dma_wait3A_40 = tpu.memref_slice %arg8[%run_scoped3A_33, %dma_wait3A] : memref<8x128xi32, #tpu.memory_space<vmem>> -> memref<1x128xi32, #tpu.memory_space<vmem>>
        %dma_wait3A_41 = tpu.memref_squeeze %dma_wait3A_40 : memref<1x128xi32, #tpu.memory_space<vmem>> -> memref<128xi32, #tpu.memory_space<vmem>>
        %dma_wait3A_42 = arith.constant 0 : i32
        %dma_wait3A_43 = arith.constant 0 : i32
        %dma_wait3A_44 = tpu.memref_slice %arg7[%dma_wait3A_42, %dma_wait3A_43] : memref<10240x128xf32, #tpu.memory_space<vmem_shared>> -> memref<10240x128xf32, #tpu.memory_space<vmem_shared>>
        tpu.wait_indirect_dma semaphore(%run_scoped3A_34 : memref<!tpu.dma_semaphore, #tpu.memory_space<semaphore_mem>>) src(%arg9 : memref<128x128xf32, #tpu.memory_space<vmem>>) dst(%dma_wait3A_44 : memref<10240x128xf32, #tpu.memory_space<vmem_shared>>)
        tpu.yield
      }) : () -> ()
    }
    %scan3A_16 = arith.constant 10 : i32
    %barrier3A_17 = arith.constant 0 : index
    tpu.barrier barrier_id(%barrier3A_17)
    %run_scoped3A_18 = arith.constant 1 : i32
    "tpu.region"() ({
      %run_scoped3A_20 = tpu.sem_alloc : memref<!tpu.dma_semaphore, #tpu.memory_space<semaphore_mem>>
      %dma_start3A = arith.constant 0 : i32
      %dma_start3A_21 = tpu.memref_slice %arg6[%arg0, %run_scoped3A_18, %mul3A_2, %dma_start3A] : memref<2x2x10240x128xf32, #tpu.memory_space<hbm>> -> memref<1x1x640x128xf32, #tpu.memory_space<hbm>>
      %dma_start3A_22 = tpu.memref_squeeze %dma_start3A_21 : memref<1x1x640x128xf32, #tpu.memory_space<hbm>> -> memref<640x128xf32, #tpu.memory_space<hbm>>
      %dma_start3A_23 = arith.constant 0 : i32
      %dma_start3A_24 = tpu.memref_slice %arg7[%mul3A_2, %dma_start3A_23] : memref<10240x128xf32, #tpu.memory_space<vmem_shared>> -> memref<640x128xf32, #tpu.memory_space<vmem_shared>>
      tpu.enqueue_dma source(%dma_start3A_24 : memref<640x128xf32, #tpu.memory_space<vmem_shared>>) target(%dma_start3A_22 : memref<640x128xf32, #tpu.memory_space<hbm>>) target_semaphore(%run_scoped3A_20 : memref<!tpu.dma_semaphore, #tpu.memory_space<semaphore_mem>>)
      %dma_wait3A = arith.constant 0 : i32
      %dma_wait3A_25 = tpu.memref_slice %arg6[%arg0, %run_scoped3A_18, %mul3A_2, %dma_wait3A] : memref<2x2x10240x128xf32, #tpu.memory_space<hbm>> -> memref<1x1x640x128xf32, #tpu.memory_space<hbm>>
      %dma_wait3A_26 = tpu.memref_squeeze %dma_wait3A_25 : memref<1x1x640x128xf32, #tpu.memory_space<hbm>> -> memref<640x128xf32, #tpu.memory_space<hbm>>
      %dma_wait3A_27 = arith.constant 0 : i32
      %dma_wait3A_28 = tpu.memref_slice %arg7[%mul3A_2, %dma_wait3A_27] : memref<10240x128xf32, #tpu.memory_space<vmem_shared>> -> memref<640x128xf32, #tpu.memory_space<vmem_shared>>
      tpu.wait_dma2 semaphore(%run_scoped3A_20 : memref<!tpu.dma_semaphore, #tpu.memory_space<semaphore_mem>>) src(%dma_wait3A_28 : memref<640x128xf32, #tpu.memory_space<vmem_shared>>) dst(%dma_wait3A_26 : memref<640x128xf32, #tpu.memory_space<hbm>>)
      tpu.yield
    }) : () -> ()
    %barrier3A_19 = arith.constant 0 : index
    tpu.barrier barrier_id(%barrier3A_19)
    return
  }
}

#map = affine_map<(d0, d1) -> (0, 0)>
#map1 = affine_map<(d0, d1) -> (0, 0, 0)>
module attributes {stable_mosaic.version = 14 : i64} {
  func.func @_scat_body(%arg0: i32, %arg1: i32, %arg2: memref<10240x128xf32, #tpu.memory_space<hbm>>, %arg3: memref<2560x128xi32, #tpu.memory_space<hbm>>, %arg4: memref<2560x128xi32, #tpu.memory_space<hbm>>, %arg5: memref<2x10240x128xf32, #tpu.memory_space<hbm>>, %arg6: memref<10240x128xf32, #tpu.memory_space<vmem_shared>>, %arg7: memref<8x128xi32, #tpu.memory_space<vmem>>, %arg8: memref<8x128xi32, #tpu.memory_space<vmem>>, %arg9: memref<128x128xf32, #tpu.memory_space<vmem>>, %arg10: memref<128x128xf32, #tpu.memory_space<vmem>>, %arg11: memref<!tpu.dma_semaphore, #tpu.memory_space<semaphore_mem>>, %arg12: memref<!tpu.dma_semaphore, #tpu.memory_space<semaphore_mem>>) attributes {dimension_semantics = [#tpu.dimension_semantics<core_parallel>, #tpu.dimension_semantics<subcore_parallel>], iteration_bounds = array<i64: 2, 16>, scalar_prefetch = 0 : i64, scratch_operands = 7 : i64, tpu.core_type = #tpu.core_type<sc_vector_subcore>, window_params = [{transform_indices = #map}, {transform_indices = #map}, {transform_indices = #map}, {transform_indices = #map1}]} {
    %mul3A = arith.constant 16 : i32
    %mul3A_0 = arith.muli %arg0, %mul3A : i32
    %add3A = arith.addi %mul3A_0, %arg1 : i32
    %mul3A_1 = arith.constant 640 : i32
    %mul3A_2 = arith.muli %arg1, %mul3A_1 : i32
    "tpu.region"() ({
      %run_scoped3A = tpu.sem_alloc : memref<!tpu.dma_semaphore, #tpu.memory_space<semaphore_mem>>
      %dma_start3A = arith.constant 0 : i32
      %dma_start3A_9 = tpu.memref_slice %arg6[%mul3A_2, %dma_start3A] : memref<10240x128xf32, #tpu.memory_space<vmem_shared>> -> memref<640x128xf32, #tpu.memory_space<vmem_shared>>
      %dma_start3A_10 = arith.constant 0 : i32
      %dma_start3A_11 = tpu.memref_slice %arg2[%mul3A_2, %dma_start3A_10] : memref<10240x128xf32, #tpu.memory_space<hbm>> -> memref<640x128xf32, #tpu.memory_space<hbm>>
      tpu.enqueue_dma source(%dma_start3A_11 : memref<640x128xf32, #tpu.memory_space<hbm>>) target(%dma_start3A_9 : memref<640x128xf32, #tpu.memory_space<vmem_shared>>) target_semaphore(%run_scoped3A : memref<!tpu.dma_semaphore, #tpu.memory_space<semaphore_mem>>)
      %dma_wait3A = arith.constant 0 : i32
      %dma_wait3A_12 = tpu.memref_slice %arg6[%mul3A_2, %dma_wait3A] : memref<10240x128xf32, #tpu.memory_space<vmem_shared>> -> memref<640x128xf32, #tpu.memory_space<vmem_shared>>
      %dma_wait3A_13 = arith.constant 0 : i32
      %dma_wait3A_14 = tpu.memref_slice %arg2[%mul3A_2, %dma_wait3A_13] : memref<10240x128xf32, #tpu.memory_space<hbm>> -> memref<640x128xf32, #tpu.memory_space<hbm>>
      tpu.wait_dma2 semaphore(%run_scoped3A : memref<!tpu.dma_semaphore, #tpu.memory_space<semaphore_mem>>) src(%dma_wait3A_14 : memref<640x128xf32, #tpu.memory_space<hbm>>) dst(%dma_wait3A_12 : memref<640x128xf32, #tpu.memory_space<vmem_shared>>)
      tpu.yield
    }) : () -> ()
    %barrier3A = arith.constant 0 : index
    tpu.barrier barrier_id(%barrier3A)
    %scan3A = arith.constant 0 : i32
    %scan3A_3 = arith.constant 0 : i32
    %scan3A_4 = arith.constant 10 : i32
    %scan3A_5 = arith.addi %scan3A_3, %scan3A_4 : i32
    %scan3A_6 = arith.constant 1 : i32
    scf.for %scan3A_9 = %scan3A_3 to %scan3A_5 step %scan3A_6  : i32 {
      %mul3A_10 = arith.constant 80 : i32
      %mul3A_11 = arith.muli %add3A, %mul3A_10 : i32
      %mul3A_12 = arith.constant 8 : i32
      %mul3A_13 = arith.muli %scan3A_9, %mul3A_12 : i32
      %add3A_14 = arith.addi %mul3A_11, %mul3A_13 : i32
      "tpu.region"() ({
        %run_scoped3A_132 = tpu.sem_alloc : memref<!tpu.dma_semaphore, #tpu.memory_space<semaphore_mem>>
        %dma_start3A_133 = arith.constant 0 : i32
        %dma_start3A_134 = tpu.memref_slice %arg3[%add3A_14, %dma_start3A_133] : memref<2560x128xi32, #tpu.memory_space<hbm>> -> memref<8x128xi32, #tpu.memory_space<hbm>>
        %dma_start3A_135 = arith.constant 0 : i32
        %dma_start3A_136 = tpu.memref_slice %arg3[%add3A_14, %dma_start3A_135] : memref<2560x128xi32, #tpu.memory_space<hbm>> -> memref<8x128xi32, #tpu.memory_space<hbm>>
        tpu.enqueue_dma source(%dma_start3A_136 : memref<8x128xi32, #tpu.memory_space<hbm>>) target(%arg7 : memref<8x128xi32, #tpu.memory_space<vmem>>) target_semaphore(%run_scoped3A_132 : memref<!tpu.dma_semaphore, #tpu.memory_space<semaphore_mem>>)
        %dma_wait3A_137 = arith.constant 0 : i32
        %dma_wait3A_138 = tpu.memref_slice %arg3[%add3A_14, %dma_wait3A_137] : memref<2560x128xi32, #tpu.memory_space<hbm>> -> memref<8x128xi32, #tpu.memory_space<hbm>>
        %dma_wait3A_139 = arith.constant 0 : i32
        %dma_wait3A_140 = tpu.memref_slice %arg3[%add3A_14, %dma_wait3A_139] : memref<2560x128xi32, #tpu.memory_space<hbm>> -> memref<8x128xi32, #tpu.memory_space<hbm>>
        tpu.wait_dma2 semaphore(%run_scoped3A_132 : memref<!tpu.dma_semaphore, #tpu.memory_space<semaphore_mem>>) src(%dma_wait3A_140 : memref<8x128xi32, #tpu.memory_space<hbm>>) dst(%arg7 : memref<8x128xi32, #tpu.memory_space<vmem>>)
        tpu.yield
      }) : () -> ()
      "tpu.region"() ({
        %run_scoped3A_132 = tpu.sem_alloc : memref<!tpu.dma_semaphore, #tpu.memory_space<semaphore_mem>>
        %dma_start3A_133 = arith.constant 0 : i32
        %dma_start3A_134 = tpu.memref_slice %arg4[%add3A_14, %dma_start3A_133] : memref<2560x128xi32, #tpu.memory_space<hbm>> -> memref<8x128xi32, #tpu.memory_space<hbm>>
        %dma_start3A_135 = arith.constant 0 : i32
        %dma_start3A_136 = tpu.memref_slice %arg4[%add3A_14, %dma_start3A_135] : memref<2560x128xi32, #tpu.memory_space<hbm>> -> memref<8x128xi32, #tpu.memory_space<hbm>>
        tpu.enqueue_dma source(%dma_start3A_136 : memref<8x128xi32, #tpu.memory_space<hbm>>) target(%arg8 : memref<8x128xi32, #tpu.memory_space<vmem>>) target_semaphore(%run_scoped3A_132 : memref<!tpu.dma_semaphore, #tpu.memory_space<semaphore_mem>>)
        %dma_wait3A_137 = arith.constant 0 : i32
        %dma_wait3A_138 = tpu.memref_slice %arg4[%add3A_14, %dma_wait3A_137] : memref<2560x128xi32, #tpu.memory_space<hbm>> -> memref<8x128xi32, #tpu.memory_space<hbm>>
        %dma_wait3A_139 = arith.constant 0 : i32
        %dma_wait3A_140 = tpu.memref_slice %arg4[%add3A_14, %dma_wait3A_139] : memref<2560x128xi32, #tpu.memory_space<hbm>> -> memref<8x128xi32, #tpu.memory_space<hbm>>
        tpu.wait_dma2 semaphore(%run_scoped3A_132 : memref<!tpu.dma_semaphore, #tpu.memory_space<semaphore_mem>>) src(%dma_wait3A_140 : memref<8x128xi32, #tpu.memory_space<hbm>>) dst(%arg8 : memref<8x128xi32, #tpu.memory_space<vmem>>)
        tpu.yield
      }) : () -> ()
      %dma_start3A = arith.constant 0 : i32
      %dma_start3A_15 = arith.constant 0 : i32
      %dma_start3A_16 = tpu.memref_slice %arg7[%dma_start3A, %dma_start3A_15] : memref<8x128xi32, #tpu.memory_space<vmem>> -> memref<1x128xi32, #tpu.memory_space<vmem>>
      %dma_start3A_17 = tpu.memref_squeeze %dma_start3A_16 : memref<1x128xi32, #tpu.memory_space<vmem>> -> memref<128xi32, #tpu.memory_space<vmem>>
      %dma_start3A_18 = arith.constant 0 : i32
      %dma_start3A_19 = arith.constant 0 : i32
      %dma_start3A_20 = tpu.memref_slice %arg2[%dma_start3A_18, %dma_start3A_19] : memref<10240x128xf32, #tpu.memory_space<hbm>> -> memref<10240x128xf32, #tpu.memory_space<hbm>>
      tpu.enqueue_indirect_dma source(%dma_start3A_20 : memref<10240x128xf32, #tpu.memory_space<hbm>>) target(%arg9 : memref<128x128xf32, #tpu.memory_space<vmem>>) offsets(%dma_start3A_17 : memref<128xi32, #tpu.memory_space<vmem>>) semaphore(%arg11 : memref<!tpu.dma_semaphore, #tpu.memory_space<semaphore_mem>>)
      %dma_start3A_21 = arith.constant 1 : i32
      %dma_start3A_22 = arith.constant 0 : i32
      %dma_start3A_23 = tpu.memref_slice %arg7[%dma_start3A_21, %dma_start3A_22] : memref<8x128xi32, #tpu.memory_space<vmem>> -> memref<1x128xi32, #tpu.memory_space<vmem>>
      %dma_start3A_24 = tpu.memref_squeeze %dma_start3A_23 : memref<1x128xi32, #tpu.memory_space<vmem>> -> memref<128xi32, #tpu.memory_space<vmem>>
      %dma_start3A_25 = arith.constant 0 : i32
      %dma_start3A_26 = arith.constant 0 : i32
      %dma_start3A_27 = tpu.memref_slice %arg2[%dma_start3A_25, %dma_start3A_26] : memref<10240x128xf32, #tpu.memory_space<hbm>> -> memref<10240x128xf32, #tpu.memory_space<hbm>>
      tpu.enqueue_indirect_dma source(%dma_start3A_27 : memref<10240x128xf32, #tpu.memory_space<hbm>>) target(%arg10 : memref<128x128xf32, #tpu.memory_space<vmem>>) offsets(%dma_start3A_24 : memref<128xi32, #tpu.memory_space<vmem>>) semaphore(%arg12 : memref<!tpu.dma_semaphore, #tpu.memory_space<semaphore_mem>>)
      %dma_wait3A = arith.constant 0 : i32
      %dma_wait3A_28 = arith.constant 0 : i32
      %dma_wait3A_29 = tpu.memref_slice %arg7[%dma_wait3A, %dma_wait3A_28] : memref<8x128xi32, #tpu.memory_space<vmem>> -> memref<1x128xi32, #tpu.memory_space<vmem>>
      %dma_wait3A_30 = tpu.memref_squeeze %dma_wait3A_29 : memref<1x128xi32, #tpu.memory_space<vmem>> -> memref<128xi32, #tpu.memory_space<vmem>>
      %dma_wait3A_31 = arith.constant 0 : i32
      %dma_wait3A_32 = arith.constant 0 : i32
      %dma_wait3A_33 = tpu.memref_slice %arg2[%dma_wait3A_31, %dma_wait3A_32] : memref<10240x128xf32, #tpu.memory_space<hbm>> -> memref<10240x128xf32, #tpu.memory_space<hbm>>
      tpu.wait_indirect_dma semaphore(%arg11 : memref<!tpu.dma_semaphore, #tpu.memory_space<semaphore_mem>>) src(%dma_wait3A_33 : memref<10240x128xf32, #tpu.memory_space<hbm>>) dst(%arg9 : memref<128x128xf32, #tpu.memory_space<vmem>>)
      %run_scoped3A = arith.constant 0 : i32
      "tpu.region"() ({
        %run_scoped3A_132 = tpu.sem_alloc : memref<!tpu.dma_semaphore, #tpu.memory_space<semaphore_mem>>
        %dma_start3A_133 = arith.constant 0 : i32
        %dma_start3A_134 = tpu.memref_slice %arg8[%run_scoped3A, %dma_start3A_133] : memref<8x128xi32, #tpu.memory_space<vmem>> -> memref<1x128xi32, #tpu.memory_space<vmem>>
        %dma_start3A_135 = tpu.memref_squeeze %dma_start3A_134 : memref<1x128xi32, #tpu.memory_space<vmem>> -> memref<128xi32, #tpu.memory_space<vmem>>
        %dma_start3A_136 = arith.constant 0 : i32
        %dma_start3A_137 = arith.constant 0 : i32
        %dma_start3A_138 = tpu.memref_slice %arg6[%dma_start3A_136, %dma_start3A_137] : memref<10240x128xf32, #tpu.memory_space<vmem_shared>> -> memref<10240x128xf32, #tpu.memory_space<vmem_shared>>
        tpu.enqueue_indirect_dma source(%arg9 : memref<128x128xf32, #tpu.memory_space<vmem>>) target(%dma_start3A_138 : memref<10240x128xf32, #tpu.memory_space<vmem_shared>>) offsets(%dma_start3A_135 : memref<128xi32, #tpu.memory_space<vmem>>) semaphore(%run_scoped3A_132 : memref<!tpu.dma_semaphore, #tpu.memory_space<semaphore_mem>>) {add = true}
        %dma_wait3A_139 = arith.constant 0 : i32
        %dma_wait3A_140 = tpu.memref_slice %arg8[%run_scoped3A, %dma_wait3A_139] : memref<8x128xi32, #tpu.memory_space<vmem>> -> memref<1x128xi32, #tpu.memory_space<vmem>>
        %dma_wait3A_141 = tpu.memref_squeeze %dma_wait3A_140 : memref<1x128xi32, #tpu.memory_space<vmem>> -> memref<128xi32, #tpu.memory_space<vmem>>
        %dma_wait3A_142 = arith.constant 0 : i32
        %dma_wait3A_143 = arith.constant 0 : i32
        %dma_wait3A_144 = tpu.memref_slice %arg6[%dma_wait3A_142, %dma_wait3A_143] : memref<10240x128xf32, #tpu.memory_space<vmem_shared>> -> memref<10240x128xf32, #tpu.memory_space<vmem_shared>>
        tpu.wait_indirect_dma semaphore(%run_scoped3A_132 : memref<!tpu.dma_semaphore, #tpu.memory_space<semaphore_mem>>) src(%arg9 : memref<128x128xf32, #tpu.memory_space<vmem>>) dst(%dma_wait3A_144 : memref<10240x128xf32, #tpu.memory_space<vmem_shared>>)
        tpu.yield
      }) : () -> ()
      %dma_start3A_34 = arith.constant 2 : i32
      %dma_start3A_35 = arith.constant 0 : i32
      %dma_start3A_36 = tpu.memref_slice %arg7[%dma_start3A_34, %dma_start3A_35] : memref<8x128xi32, #tpu.memory_space<vmem>> -> memref<1x128xi32, #tpu.memory_space<vmem>>
      %dma_start3A_37 = tpu.memref_squeeze %dma_start3A_36 : memref<1x128xi32, #tpu.memory_space<vmem>> -> memref<128xi32, #tpu.memory_space<vmem>>
      %dma_start3A_38 = arith.constant 0 : i32
      %dma_start3A_39 = arith.constant 0 : i32
      %dma_start3A_40 = tpu.memref_slice %arg2[%dma_start3A_38, %dma_start3A_39] : memref<10240x128xf32, #tpu.memory_space<hbm>> -> memref<10240x128xf32, #tpu.memory_space<hbm>>
      tpu.enqueue_indirect_dma source(%dma_start3A_40 : memref<10240x128xf32, #tpu.memory_space<hbm>>) target(%arg9 : memref<128x128xf32, #tpu.memory_space<vmem>>) offsets(%dma_start3A_37 : memref<128xi32, #tpu.memory_space<vmem>>) semaphore(%arg11 : memref<!tpu.dma_semaphore, #tpu.memory_space<semaphore_mem>>)
      %dma_wait3A_41 = arith.constant 1 : i32
      %dma_wait3A_42 = arith.constant 0 : i32
      %dma_wait3A_43 = tpu.memref_slice %arg7[%dma_wait3A_41, %dma_wait3A_42] : memref<8x128xi32, #tpu.memory_space<vmem>> -> memref<1x128xi32, #tpu.memory_space<vmem>>
      %dma_wait3A_44 = tpu.memref_squeeze %dma_wait3A_43 : memref<1x128xi32, #tpu.memory_space<vmem>> -> memref<128xi32, #tpu.memory_space<vmem>>
      %dma_wait3A_45 = arith.constant 0 : i32
      %dma_wait3A_46 = arith.constant 0 : i32
      %dma_wait3A_47 = tpu.memref_slice %arg2[%dma_wait3A_45, %dma_wait3A_46] : memref<10240x128xf32, #tpu.memory_space<hbm>> -> memref<10240x128xf32, #tpu.memory_space<hbm>>
      tpu.wait_indirect_dma semaphore(%arg12 : memref<!tpu.dma_semaphore, #tpu.memory_space<semaphore_mem>>) src(%dma_wait3A_47 : memref<10240x128xf32, #tpu.memory_space<hbm>>) dst(%arg10 : memref<128x128xf32, #tpu.memory_space<vmem>>)
      %run_scoped3A_48 = arith.constant 1 : i32
      "tpu.region"() ({
        %run_scoped3A_132 = tpu.sem_alloc : memref<!tpu.dma_semaphore, #tpu.memory_space<semaphore_mem>>
        %dma_start3A_133 = arith.constant 0 : i32
        %dma_start3A_134 = tpu.memref_slice %arg8[%run_scoped3A_48, %dma_start3A_133] : memref<8x128xi32, #tpu.memory_space<vmem>> -> memref<1x128xi32, #tpu.memory_space<vmem>>
        %dma_start3A_135 = tpu.memref_squeeze %dma_start3A_134 : memref<1x128xi32, #tpu.memory_space<vmem>> -> memref<128xi32, #tpu.memory_space<vmem>>
        %dma_start3A_136 = arith.constant 0 : i32
        %dma_start3A_137 = arith.constant 0 : i32
        %dma_start3A_138 = tpu.memref_slice %arg6[%dma_start3A_136, %dma_start3A_137] : memref<10240x128xf32, #tpu.memory_space<vmem_shared>> -> memref<10240x128xf32, #tpu.memory_space<vmem_shared>>
        tpu.enqueue_indirect_dma source(%arg10 : memref<128x128xf32, #tpu.memory_space<vmem>>) target(%dma_start3A_138 : memref<10240x128xf32, #tpu.memory_space<vmem_shared>>) offsets(%dma_start3A_135 : memref<128xi32, #tpu.memory_space<vmem>>) semaphore(%run_scoped3A_132 : memref<!tpu.dma_semaphore, #tpu.memory_space<semaphore_mem>>) {add = true}
        %dma_wait3A_139 = arith.constant 0 : i32
        %dma_wait3A_140 = tpu.memref_slice %arg8[%run_scoped3A_48, %dma_wait3A_139] : memref<8x128xi32, #tpu.memory_space<vmem>> -> memref<1x128xi32, #tpu.memory_space<vmem>>
        %dma_wait3A_141 = tpu.memref_squeeze %dma_wait3A_140 : memref<1x128xi32, #tpu.memory_space<vmem>> -> memref<128xi32, #tpu.memory_space<vmem>>
        %dma_wait3A_142 = arith.constant 0 : i32
        %dma_wait3A_143 = arith.constant 0 : i32
        %dma_wait3A_144 = tpu.memref_slice %arg6[%dma_wait3A_142, %dma_wait3A_143] : memref<10240x128xf32, #tpu.memory_space<vmem_shared>> -> memref<10240x128xf32, #tpu.memory_space<vmem_shared>>
        tpu.wait_indirect_dma semaphore(%run_scoped3A_132 : memref<!tpu.dma_semaphore, #tpu.memory_space<semaphore_mem>>) src(%arg10 : memref<128x128xf32, #tpu.memory_space<vmem>>) dst(%dma_wait3A_144 : memref<10240x128xf32, #tpu.memory_space<vmem_shared>>)
        tpu.yield
      }) : () -> ()
      %dma_start3A_49 = arith.constant 3 : i32
      %dma_start3A_50 = arith.constant 0 : i32
      %dma_start3A_51 = tpu.memref_slice %arg7[%dma_start3A_49, %dma_start3A_50] : memref<8x128xi32, #tpu.memory_space<vmem>> -> memref<1x128xi32, #tpu.memory_space<vmem>>
      %dma_start3A_52 = tpu.memref_squeeze %dma_start3A_51 : memref<1x128xi32, #tpu.memory_space<vmem>> -> memref<128xi32, #tpu.memory_space<vmem>>
      %dma_start3A_53 = arith.constant 0 : i32
      %dma_start3A_54 = arith.constant 0 : i32
      %dma_start3A_55 = tpu.memref_slice %arg2[%dma_start3A_53, %dma_start3A_54] : memref<10240x128xf32, #tpu.memory_space<hbm>> -> memref<10240x128xf32, #tpu.memory_space<hbm>>
      tpu.enqueue_indirect_dma source(%dma_start3A_55 : memref<10240x128xf32, #tpu.memory_space<hbm>>) target(%arg10 : memref<128x128xf32, #tpu.memory_space<vmem>>) offsets(%dma_start3A_52 : memref<128xi32, #tpu.memory_space<vmem>>) semaphore(%arg12 : memref<!tpu.dma_semaphore, #tpu.memory_space<semaphore_mem>>)
      %dma_wait3A_56 = arith.constant 2 : i32
      %dma_wait3A_57 = arith.constant 0 : i32
      %dma_wait3A_58 = tpu.memref_slice %arg7[%dma_wait3A_56, %dma_wait3A_57] : memref<8x128xi32, #tpu.memory_space<vmem>> -> memref<1x128xi32, #tpu.memory_space<vmem>>
      %dma_wait3A_59 = tpu.memref_squeeze %dma_wait3A_58 : memref<1x128xi32, #tpu.memory_space<vmem>> -> memref<128xi32, #tpu.memory_space<vmem>>
      %dma_wait3A_60 = arith.constant 0 : i32
      %dma_wait3A_61 = arith.constant 0 : i32
      %dma_wait3A_62 = tpu.memref_slice %arg2[%dma_wait3A_60, %dma_wait3A_61] : memref<10240x128xf32, #tpu.memory_space<hbm>> -> memref<10240x128xf32, #tpu.memory_space<hbm>>
      tpu.wait_indirect_dma semaphore(%arg11 : memref<!tpu.dma_semaphore, #tpu.memory_space<semaphore_mem>>) src(%dma_wait3A_62 : memref<10240x128xf32, #tpu.memory_space<hbm>>) dst(%arg9 : memref<128x128xf32, #tpu.memory_space<vmem>>)
      %run_scoped3A_63 = arith.constant 2 : i32
      "tpu.region"() ({
        %run_scoped3A_132 = tpu.sem_alloc : memref<!tpu.dma_semaphore, #tpu.memory_space<semaphore_mem>>
        %dma_start3A_133 = arith.constant 0 : i32
        %dma_start3A_134 = tpu.memref_slice %arg8[%run_scoped3A_63, %dma_start3A_133] : memref<8x128xi32, #tpu.memory_space<vmem>> -> memref<1x128xi32, #tpu.memory_space<vmem>>
        %dma_start3A_135 = tpu.memref_squeeze %dma_start3A_134 : memref<1x128xi32, #tpu.memory_space<vmem>> -> memref<128xi32, #tpu.memory_space<vmem>>
        %dma_start3A_136 = arith.constant 0 : i32
        %dma_start3A_137 = arith.constant 0 : i32
        %dma_start3A_138 = tpu.memref_slice %arg6[%dma_start3A_136, %dma_start3A_137] : memref<10240x128xf32, #tpu.memory_space<vmem_shared>> -> memref<10240x128xf32, #tpu.memory_space<vmem_shared>>
        tpu.enqueue_indirect_dma source(%arg9 : memref<128x128xf32, #tpu.memory_space<vmem>>) target(%dma_start3A_138 : memref<10240x128xf32, #tpu.memory_space<vmem_shared>>) offsets(%dma_start3A_135 : memref<128xi32, #tpu.memory_space<vmem>>) semaphore(%run_scoped3A_132 : memref<!tpu.dma_semaphore, #tpu.memory_space<semaphore_mem>>) {add = true}
        %dma_wait3A_139 = arith.constant 0 : i32
        %dma_wait3A_140 = tpu.memref_slice %arg8[%run_scoped3A_63, %dma_wait3A_139] : memref<8x128xi32, #tpu.memory_space<vmem>> -> memref<1x128xi32, #tpu.memory_space<vmem>>
        %dma_wait3A_141 = tpu.memref_squeeze %dma_wait3A_140 : memref<1x128xi32, #tpu.memory_space<vmem>> -> memref<128xi32, #tpu.memory_space<vmem>>
        %dma_wait3A_142 = arith.constant 0 : i32
        %dma_wait3A_143 = arith.constant 0 : i32
        %dma_wait3A_144 = tpu.memref_slice %arg6[%dma_wait3A_142, %dma_wait3A_143] : memref<10240x128xf32, #tpu.memory_space<vmem_shared>> -> memref<10240x128xf32, #tpu.memory_space<vmem_shared>>
        tpu.wait_indirect_dma semaphore(%run_scoped3A_132 : memref<!tpu.dma_semaphore, #tpu.memory_space<semaphore_mem>>) src(%arg9 : memref<128x128xf32, #tpu.memory_space<vmem>>) dst(%dma_wait3A_144 : memref<10240x128xf32, #tpu.memory_space<vmem_shared>>)
        tpu.yield
      }) : () -> ()
      %dma_start3A_64 = arith.constant 4 : i32
      %dma_start3A_65 = arith.constant 0 : i32
      %dma_start3A_66 = tpu.memref_slice %arg7[%dma_start3A_64, %dma_start3A_65] : memref<8x128xi32, #tpu.memory_space<vmem>> -> memref<1x128xi32, #tpu.memory_space<vmem>>
      %dma_start3A_67 = tpu.memref_squeeze %dma_start3A_66 : memref<1x128xi32, #tpu.memory_space<vmem>> -> memref<128xi32, #tpu.memory_space<vmem>>
      %dma_start3A_68 = arith.constant 0 : i32
      %dma_start3A_69 = arith.constant 0 : i32
      %dma_start3A_70 = tpu.memref_slice %arg2[%dma_start3A_68, %dma_start3A_69] : memref<10240x128xf32, #tpu.memory_space<hbm>> -> memref<10240x128xf32, #tpu.memory_space<hbm>>
      tpu.enqueue_indirect_dma source(%dma_start3A_70 : memref<10240x128xf32, #tpu.memory_space<hbm>>) target(%arg9 : memref<128x128xf32, #tpu.memory_space<vmem>>) offsets(%dma_start3A_67 : memref<128xi32, #tpu.memory_space<vmem>>) semaphore(%arg11 : memref<!tpu.dma_semaphore, #tpu.memory_space<semaphore_mem>>)
      %dma_wait3A_71 = arith.constant 3 : i32
      %dma_wait3A_72 = arith.constant 0 : i32
      %dma_wait3A_73 = tpu.memref_slice %arg7[%dma_wait3A_71, %dma_wait3A_72] : memref<8x128xi32, #tpu.memory_space<vmem>> -> memref<1x128xi32, #tpu.memory_space<vmem>>
      %dma_wait3A_74 = tpu.memref_squeeze %dma_wait3A_73 : memref<1x128xi32, #tpu.memory_space<vmem>> -> memref<128xi32, #tpu.memory_space<vmem>>
      %dma_wait3A_75 = arith.constant 0 : i32
      %dma_wait3A_76 = arith.constant 0 : i32
      %dma_wait3A_77 = tpu.memref_slice %arg2[%dma_wait3A_75, %dma_wait3A_76] : memref<10240x128xf32, #tpu.memory_space<hbm>> -> memref<10240x128xf32, #tpu.memory_space<hbm>>
      tpu.wait_indirect_dma semaphore(%arg12 : memref<!tpu.dma_semaphore, #tpu.memory_space<semaphore_mem>>) src(%dma_wait3A_77 : memref<10240x128xf32, #tpu.memory_space<hbm>>) dst(%arg10 : memref<128x128xf32, #tpu.memory_space<vmem>>)
      %run_scoped3A_78 = arith.constant 3 : i32
      "tpu.region"() ({
        %run_scoped3A_132 = tpu.sem_alloc : memref<!tpu.dma_semaphore, #tpu.memory_space<semaphore_mem>>
        %dma_start3A_133 = arith.constant 0 : i32
        %dma_start3A_134 = tpu.memref_slice %arg8[%run_scoped3A_78, %dma_start3A_133] : memref<8x128xi32, #tpu.memory_space<vmem>> -> memref<1x128xi32, #tpu.memory_space<vmem>>
        %dma_start3A_135 = tpu.memref_squeeze %dma_start3A_134 : memref<1x128xi32, #tpu.memory_space<vmem>> -> memref<128xi32, #tpu.memory_space<vmem>>
        %dma_start3A_136 = arith.constant 0 : i32
        %dma_start3A_137 = arith.constant 0 : i32
        %dma_start3A_138 = tpu.memref_slice %arg6[%dma_start3A_136, %dma_start3A_137] : memref<10240x128xf32, #tpu.memory_space<vmem_shared>> -> memref<10240x128xf32, #tpu.memory_space<vmem_shared>>
        tpu.enqueue_indirect_dma source(%arg10 : memref<128x128xf32, #tpu.memory_space<vmem>>) target(%dma_start3A_138 : memref<10240x128xf32, #tpu.memory_space<vmem_shared>>) offsets(%dma_start3A_135 : memref<128xi32, #tpu.memory_space<vmem>>) semaphore(%run_scoped3A_132 : memref<!tpu.dma_semaphore, #tpu.memory_space<semaphore_mem>>) {add = true}
        %dma_wait3A_139 = arith.constant 0 : i32
        %dma_wait3A_140 = tpu.memref_slice %arg8[%run_scoped3A_78, %dma_wait3A_139] : memref<8x128xi32, #tpu.memory_space<vmem>> -> memref<1x128xi32, #tpu.memory_space<vmem>>
        %dma_wait3A_141 = tpu.memref_squeeze %dma_wait3A_140 : memref<1x128xi32, #tpu.memory_space<vmem>> -> memref<128xi32, #tpu.memory_space<vmem>>
        %dma_wait3A_142 = arith.constant 0 : i32
        %dma_wait3A_143 = arith.constant 0 : i32
        %dma_wait3A_144 = tpu.memref_slice %arg6[%dma_wait3A_142, %dma_wait3A_143] : memref<10240x128xf32, #tpu.memory_space<vmem_shared>> -> memref<10240x128xf32, #tpu.memory_space<vmem_shared>>
        tpu.wait_indirect_dma semaphore(%run_scoped3A_132 : memref<!tpu.dma_semaphore, #tpu.memory_space<semaphore_mem>>) src(%arg10 : memref<128x128xf32, #tpu.memory_space<vmem>>) dst(%dma_wait3A_144 : memref<10240x128xf32, #tpu.memory_space<vmem_shared>>)
        tpu.yield
      }) : () -> ()
      %dma_start3A_79 = arith.constant 5 : i32
      %dma_start3A_80 = arith.constant 0 : i32
      %dma_start3A_81 = tpu.memref_slice %arg7[%dma_start3A_79, %dma_start3A_80] : memref<8x128xi32, #tpu.memory_space<vmem>> -> memref<1x128xi32, #tpu.memory_space<vmem>>
      %dma_start3A_82 = tpu.memref_squeeze %dma_start3A_81 : memref<1x128xi32, #tpu.memory_space<vmem>> -> memref<128xi32, #tpu.memory_space<vmem>>
      %dma_start3A_83 = arith.constant 0 : i32
      %dma_start3A_84 = arith.constant 0 : i32
      %dma_start3A_85 = tpu.memref_slice %arg2[%dma_start3A_83, %dma_start3A_84] : memref<10240x128xf32, #tpu.memory_space<hbm>> -> memref<10240x128xf32, #tpu.memory_space<hbm>>
      tpu.enqueue_indirect_dma source(%dma_start3A_85 : memref<10240x128xf32, #tpu.memory_space<hbm>>) target(%arg10 : memref<128x128xf32, #tpu.memory_space<vmem>>) offsets(%dma_start3A_82 : memref<128xi32, #tpu.memory_space<vmem>>) semaphore(%arg12 : memref<!tpu.dma_semaphore, #tpu.memory_space<semaphore_mem>>)
      %dma_wait3A_86 = arith.constant 4 : i32
      %dma_wait3A_87 = arith.constant 0 : i32
      %dma_wait3A_88 = tpu.memref_slice %arg7[%dma_wait3A_86, %dma_wait3A_87] : memref<8x128xi32, #tpu.memory_space<vmem>> -> memref<1x128xi32, #tpu.memory_space<vmem>>
      %dma_wait3A_89 = tpu.memref_squeeze %dma_wait3A_88 : memref<1x128xi32, #tpu.memory_space<vmem>> -> memref<128xi32, #tpu.memory_space<vmem>>
      %dma_wait3A_90 = arith.constant 0 : i32
      %dma_wait3A_91 = arith.constant 0 : i32
      %dma_wait3A_92 = tpu.memref_slice %arg2[%dma_wait3A_90, %dma_wait3A_91] : memref<10240x128xf32, #tpu.memory_space<hbm>> -> memref<10240x128xf32, #tpu.memory_space<hbm>>
      tpu.wait_indirect_dma semaphore(%arg11 : memref<!tpu.dma_semaphore, #tpu.memory_space<semaphore_mem>>) src(%dma_wait3A_92 : memref<10240x128xf32, #tpu.memory_space<hbm>>) dst(%arg9 : memref<128x128xf32, #tpu.memory_space<vmem>>)
      %run_scoped3A_93 = arith.constant 4 : i32
      "tpu.region"() ({
        %run_scoped3A_132 = tpu.sem_alloc : memref<!tpu.dma_semaphore, #tpu.memory_space<semaphore_mem>>
        %dma_start3A_133 = arith.constant 0 : i32
        %dma_start3A_134 = tpu.memref_slice %arg8[%run_scoped3A_93, %dma_start3A_133] : memref<8x128xi32, #tpu.memory_space<vmem>> -> memref<1x128xi32, #tpu.memory_space<vmem>>
        %dma_start3A_135 = tpu.memref_squeeze %dma_start3A_134 : memref<1x128xi32, #tpu.memory_space<vmem>> -> memref<128xi32, #tpu.memory_space<vmem>>
        %dma_start3A_136 = arith.constant 0 : i32
        %dma_start3A_137 = arith.constant 0 : i32
        %dma_start3A_138 = tpu.memref_slice %arg6[%dma_start3A_136, %dma_start3A_137] : memref<10240x128xf32, #tpu.memory_space<vmem_shared>> -> memref<10240x128xf32, #tpu.memory_space<vmem_shared>>
        tpu.enqueue_indirect_dma source(%arg9 : memref<128x128xf32, #tpu.memory_space<vmem>>) target(%dma_start3A_138 : memref<10240x128xf32, #tpu.memory_space<vmem_shared>>) offsets(%dma_start3A_135 : memref<128xi32, #tpu.memory_space<vmem>>) semaphore(%run_scoped3A_132 : memref<!tpu.dma_semaphore, #tpu.memory_space<semaphore_mem>>) {add = true}
        %dma_wait3A_139 = arith.constant 0 : i32
        %dma_wait3A_140 = tpu.memref_slice %arg8[%run_scoped3A_93, %dma_wait3A_139] : memref<8x128xi32, #tpu.memory_space<vmem>> -> memref<1x128xi32, #tpu.memory_space<vmem>>
        %dma_wait3A_141 = tpu.memref_squeeze %dma_wait3A_140 : memref<1x128xi32, #tpu.memory_space<vmem>> -> memref<128xi32, #tpu.memory_space<vmem>>
        %dma_wait3A_142 = arith.constant 0 : i32
        %dma_wait3A_143 = arith.constant 0 : i32
        %dma_wait3A_144 = tpu.memref_slice %arg6[%dma_wait3A_142, %dma_wait3A_143] : memref<10240x128xf32, #tpu.memory_space<vmem_shared>> -> memref<10240x128xf32, #tpu.memory_space<vmem_shared>>
        tpu.wait_indirect_dma semaphore(%run_scoped3A_132 : memref<!tpu.dma_semaphore, #tpu.memory_space<semaphore_mem>>) src(%arg9 : memref<128x128xf32, #tpu.memory_space<vmem>>) dst(%dma_wait3A_144 : memref<10240x128xf32, #tpu.memory_space<vmem_shared>>)
        tpu.yield
      }) : () -> ()
      %dma_start3A_94 = arith.constant 6 : i32
      %dma_start3A_95 = arith.constant 0 : i32
      %dma_start3A_96 = tpu.memref_slice %arg7[%dma_start3A_94, %dma_start3A_95] : memref<8x128xi32, #tpu.memory_space<vmem>> -> memref<1x128xi32, #tpu.memory_space<vmem>>
      %dma_start3A_97 = tpu.memref_squeeze %dma_start3A_96 : memref<1x128xi32, #tpu.memory_space<vmem>> -> memref<128xi32, #tpu.memory_space<vmem>>
      %dma_start3A_98 = arith.constant 0 : i32
      %dma_start3A_99 = arith.constant 0 : i32
      %dma_start3A_100 = tpu.memref_slice %arg2[%dma_start3A_98, %dma_start3A_99] : memref<10240x128xf32, #tpu.memory_space<hbm>> -> memref<10240x128xf32, #tpu.memory_space<hbm>>
      tpu.enqueue_indirect_dma source(%dma_start3A_100 : memref<10240x128xf32, #tpu.memory_space<hbm>>) target(%arg9 : memref<128x128xf32, #tpu.memory_space<vmem>>) offsets(%dma_start3A_97 : memref<128xi32, #tpu.memory_space<vmem>>) semaphore(%arg11 : memref<!tpu.dma_semaphore, #tpu.memory_space<semaphore_mem>>)
      %dma_wait3A_101 = arith.constant 5 : i32
      %dma_wait3A_102 = arith.constant 0 : i32
      %dma_wait3A_103 = tpu.memref_slice %arg7[%dma_wait3A_101, %dma_wait3A_102] : memref<8x128xi32, #tpu.memory_space<vmem>> -> memref<1x128xi32, #tpu.memory_space<vmem>>
      %dma_wait3A_104 = tpu.memref_squeeze %dma_wait3A_103 : memref<1x128xi32, #tpu.memory_space<vmem>> -> memref<128xi32, #tpu.memory_space<vmem>>
      %dma_wait3A_105 = arith.constant 0 : i32
      %dma_wait3A_106 = arith.constant 0 : i32
      %dma_wait3A_107 = tpu.memref_slice %arg2[%dma_wait3A_105, %dma_wait3A_106] : memref<10240x128xf32, #tpu.memory_space<hbm>> -> memref<10240x128xf32, #tpu.memory_space<hbm>>
      tpu.wait_indirect_dma semaphore(%arg12 : memref<!tpu.dma_semaphore, #tpu.memory_space<semaphore_mem>>) src(%dma_wait3A_107 : memref<10240x128xf32, #tpu.memory_space<hbm>>) dst(%arg10 : memref<128x128xf32, #tpu.memory_space<vmem>>)
      %run_scoped3A_108 = arith.constant 5 : i32
      "tpu.region"() ({
        %run_scoped3A_132 = tpu.sem_alloc : memref<!tpu.dma_semaphore, #tpu.memory_space<semaphore_mem>>
        %dma_start3A_133 = arith.constant 0 : i32
        %dma_start3A_134 = tpu.memref_slice %arg8[%run_scoped3A_108, %dma_start3A_133] : memref<8x128xi32, #tpu.memory_space<vmem>> -> memref<1x128xi32, #tpu.memory_space<vmem>>
        %dma_start3A_135 = tpu.memref_squeeze %dma_start3A_134 : memref<1x128xi32, #tpu.memory_space<vmem>> -> memref<128xi32, #tpu.memory_space<vmem>>
        %dma_start3A_136 = arith.constant 0 : i32
        %dma_start3A_137 = arith.constant 0 : i32
        %dma_start3A_138 = tpu.memref_slice %arg6[%dma_start3A_136, %dma_start3A_137] : memref<10240x128xf32, #tpu.memory_space<vmem_shared>> -> memref<10240x128xf32, #tpu.memory_space<vmem_shared>>
        tpu.enqueue_indirect_dma source(%arg10 : memref<128x128xf32, #tpu.memory_space<vmem>>) target(%dma_start3A_138 : memref<10240x128xf32, #tpu.memory_space<vmem_shared>>) offsets(%dma_start3A_135 : memref<128xi32, #tpu.memory_space<vmem>>) semaphore(%run_scoped3A_132 : memref<!tpu.dma_semaphore, #tpu.memory_space<semaphore_mem>>) {add = true}
        %dma_wait3A_139 = arith.constant 0 : i32
        %dma_wait3A_140 = tpu.memref_slice %arg8[%run_scoped3A_108, %dma_wait3A_139] : memref<8x128xi32, #tpu.memory_space<vmem>> -> memref<1x128xi32, #tpu.memory_space<vmem>>
        %dma_wait3A_141 = tpu.memref_squeeze %dma_wait3A_140 : memref<1x128xi32, #tpu.memory_space<vmem>> -> memref<128xi32, #tpu.memory_space<vmem>>
        %dma_wait3A_142 = arith.constant 0 : i32
        %dma_wait3A_143 = arith.constant 0 : i32
        %dma_wait3A_144 = tpu.memref_slice %arg6[%dma_wait3A_142, %dma_wait3A_143] : memref<10240x128xf32, #tpu.memory_space<vmem_shared>> -> memref<10240x128xf32, #tpu.memory_space<vmem_shared>>
        tpu.wait_indirect_dma semaphore(%run_scoped3A_132 : memref<!tpu.dma_semaphore, #tpu.memory_space<semaphore_mem>>) src(%arg10 : memref<128x128xf32, #tpu.memory_space<vmem>>) dst(%dma_wait3A_144 : memref<10240x128xf32, #tpu.memory_space<vmem_shared>>)
        tpu.yield
      }) : () -> ()
      %dma_start3A_109 = arith.constant 7 : i32
      %dma_start3A_110 = arith.constant 0 : i32
      %dma_start3A_111 = tpu.memref_slice %arg7[%dma_start3A_109, %dma_start3A_110] : memref<8x128xi32, #tpu.memory_space<vmem>> -> memref<1x128xi32, #tpu.memory_space<vmem>>
      %dma_start3A_112 = tpu.memref_squeeze %dma_start3A_111 : memref<1x128xi32, #tpu.memory_space<vmem>> -> memref<128xi32, #tpu.memory_space<vmem>>
      %dma_start3A_113 = arith.constant 0 : i32
      %dma_start3A_114 = arith.constant 0 : i32
      %dma_start3A_115 = tpu.memref_slice %arg2[%dma_start3A_113, %dma_start3A_114] : memref<10240x128xf32, #tpu.memory_space<hbm>> -> memref<10240x128xf32, #tpu.memory_space<hbm>>
      tpu.enqueue_indirect_dma source(%dma_start3A_115 : memref<10240x128xf32, #tpu.memory_space<hbm>>) target(%arg10 : memref<128x128xf32, #tpu.memory_space<vmem>>) offsets(%dma_start3A_112 : memref<128xi32, #tpu.memory_space<vmem>>) semaphore(%arg12 : memref<!tpu.dma_semaphore, #tpu.memory_space<semaphore_mem>>)
      %dma_wait3A_116 = arith.constant 6 : i32
      %dma_wait3A_117 = arith.constant 0 : i32
      %dma_wait3A_118 = tpu.memref_slice %arg7[%dma_wait3A_116, %dma_wait3A_117] : memref<8x128xi32, #tpu.memory_space<vmem>> -> memref<1x128xi32, #tpu.memory_space<vmem>>
      %dma_wait3A_119 = tpu.memref_squeeze %dma_wait3A_118 : memref<1x128xi32, #tpu.memory_space<vmem>> -> memref<128xi32, #tpu.memory_space<vmem>>
      %dma_wait3A_120 = arith.constant 0 : i32
      %dma_wait3A_121 = arith.constant 0 : i32
      %dma_wait3A_122 = tpu.memref_slice %arg2[%dma_wait3A_120, %dma_wait3A_121] : memref<10240x128xf32, #tpu.memory_space<hbm>> -> memref<10240x128xf32, #tpu.memory_space<hbm>>
      tpu.wait_indirect_dma semaphore(%arg11 : memref<!tpu.dma_semaphore, #tpu.memory_space<semaphore_mem>>) src(%dma_wait3A_122 : memref<10240x128xf32, #tpu.memory_space<hbm>>) dst(%arg9 : memref<128x128xf32, #tpu.memory_space<vmem>>)
      %run_scoped3A_123 = arith.constant 6 : i32
      "tpu.region"() ({
        %run_scoped3A_132 = tpu.sem_alloc : memref<!tpu.dma_semaphore, #tpu.memory_space<semaphore_mem>>
        %dma_start3A_133 = arith.constant 0 : i32
        %dma_start3A_134 = tpu.memref_slice %arg8[%run_scoped3A_123, %dma_start3A_133] : memref<8x128xi32, #tpu.memory_space<vmem>> -> memref<1x128xi32, #tpu.memory_space<vmem>>
        %dma_start3A_135 = tpu.memref_squeeze %dma_start3A_134 : memref<1x128xi32, #tpu.memory_space<vmem>> -> memref<128xi32, #tpu.memory_space<vmem>>
        %dma_start3A_136 = arith.constant 0 : i32
        %dma_start3A_137 = arith.constant 0 : i32
        %dma_start3A_138 = tpu.memref_slice %arg6[%dma_start3A_136, %dma_start3A_137] : memref<10240x128xf32, #tpu.memory_space<vmem_shared>> -> memref<10240x128xf32, #tpu.memory_space<vmem_shared>>
        tpu.enqueue_indirect_dma source(%arg9 : memref<128x128xf32, #tpu.memory_space<vmem>>) target(%dma_start3A_138 : memref<10240x128xf32, #tpu.memory_space<vmem_shared>>) offsets(%dma_start3A_135 : memref<128xi32, #tpu.memory_space<vmem>>) semaphore(%run_scoped3A_132 : memref<!tpu.dma_semaphore, #tpu.memory_space<semaphore_mem>>) {add = true}
        %dma_wait3A_139 = arith.constant 0 : i32
        %dma_wait3A_140 = tpu.memref_slice %arg8[%run_scoped3A_123, %dma_wait3A_139] : memref<8x128xi32, #tpu.memory_space<vmem>> -> memref<1x128xi32, #tpu.memory_space<vmem>>
        %dma_wait3A_141 = tpu.memref_squeeze %dma_wait3A_140 : memref<1x128xi32, #tpu.memory_space<vmem>> -> memref<128xi32, #tpu.memory_space<vmem>>
        %dma_wait3A_142 = arith.constant 0 : i32
        %dma_wait3A_143 = arith.constant 0 : i32
        %dma_wait3A_144 = tpu.memref_slice %arg6[%dma_wait3A_142, %dma_wait3A_143] : memref<10240x128xf32, #tpu.memory_space<vmem_shared>> -> memref<10240x128xf32, #tpu.memory_space<vmem_shared>>
        tpu.wait_indirect_dma semaphore(%run_scoped3A_132 : memref<!tpu.dma_semaphore, #tpu.memory_space<semaphore_mem>>) src(%arg9 : memref<128x128xf32, #tpu.memory_space<vmem>>) dst(%dma_wait3A_144 : memref<10240x128xf32, #tpu.memory_space<vmem_shared>>)
        tpu.yield
      }) : () -> ()
      %dma_wait3A_124 = arith.constant 7 : i32
      %dma_wait3A_125 = arith.constant 0 : i32
      %dma_wait3A_126 = tpu.memref_slice %arg7[%dma_wait3A_124, %dma_wait3A_125] : memref<8x128xi32, #tpu.memory_space<vmem>> -> memref<1x128xi32, #tpu.memory_space<vmem>>
      %dma_wait3A_127 = tpu.memref_squeeze %dma_wait3A_126 : memref<1x128xi32, #tpu.memory_space<vmem>> -> memref<128xi32, #tpu.memory_space<vmem>>
      %dma_wait3A_128 = arith.constant 0 : i32
      %dma_wait3A_129 = arith.constant 0 : i32
      %dma_wait3A_130 = tpu.memref_slice %arg2[%dma_wait3A_128, %dma_wait3A_129] : memref<10240x128xf32, #tpu.memory_space<hbm>> -> memref<10240x128xf32, #tpu.memory_space<hbm>>
      tpu.wait_indirect_dma semaphore(%arg12 : memref<!tpu.dma_semaphore, #tpu.memory_space<semaphore_mem>>) src(%dma_wait3A_130 : memref<10240x128xf32, #tpu.memory_space<hbm>>) dst(%arg10 : memref<128x128xf32, #tpu.memory_space<vmem>>)
      %run_scoped3A_131 = arith.constant 7 : i32
      "tpu.region"() ({
        %run_scoped3A_132 = tpu.sem_alloc : memref<!tpu.dma_semaphore, #tpu.memory_space<semaphore_mem>>
        %dma_start3A_133 = arith.constant 0 : i32
        %dma_start3A_134 = tpu.memref_slice %arg8[%run_scoped3A_131, %dma_start3A_133] : memref<8x128xi32, #tpu.memory_space<vmem>> -> memref<1x128xi32, #tpu.memory_space<vmem>>
        %dma_start3A_135 = tpu.memref_squeeze %dma_start3A_134 : memref<1x128xi32, #tpu.memory_space<vmem>> -> memref<128xi32, #tpu.memory_space<vmem>>
        %dma_start3A_136 = arith.constant 0 : i32
        %dma_start3A_137 = arith.constant 0 : i32
        %dma_start3A_138 = tpu.memref_slice %arg6[%dma_start3A_136, %dma_start3A_137] : memref<10240x128xf32, #tpu.memory_space<vmem_shared>> -> memref<10240x128xf32, #tpu.memory_space<vmem_shared>>
        tpu.enqueue_indirect_dma source(%arg10 : memref<128x128xf32, #tpu.memory_space<vmem>>) target(%dma_start3A_138 : memref<10240x128xf32, #tpu.memory_space<vmem_shared>>) offsets(%dma_start3A_135 : memref<128xi32, #tpu.memory_space<vmem>>) semaphore(%run_scoped3A_132 : memref<!tpu.dma_semaphore, #tpu.memory_space<semaphore_mem>>) {add = true}
        %dma_wait3A_139 = arith.constant 0 : i32
        %dma_wait3A_140 = tpu.memref_slice %arg8[%run_scoped3A_131, %dma_wait3A_139] : memref<8x128xi32, #tpu.memory_space<vmem>> -> memref<1x128xi32, #tpu.memory_space<vmem>>
        %dma_wait3A_141 = tpu.memref_squeeze %dma_wait3A_140 : memref<1x128xi32, #tpu.memory_space<vmem>> -> memref<128xi32, #tpu.memory_space<vmem>>
        %dma_wait3A_142 = arith.constant 0 : i32
        %dma_wait3A_143 = arith.constant 0 : i32
        %dma_wait3A_144 = tpu.memref_slice %arg6[%dma_wait3A_142, %dma_wait3A_143] : memref<10240x128xf32, #tpu.memory_space<vmem_shared>> -> memref<10240x128xf32, #tpu.memory_space<vmem_shared>>
        tpu.wait_indirect_dma semaphore(%run_scoped3A_132 : memref<!tpu.dma_semaphore, #tpu.memory_space<semaphore_mem>>) src(%arg10 : memref<128x128xf32, #tpu.memory_space<vmem>>) dst(%dma_wait3A_144 : memref<10240x128xf32, #tpu.memory_space<vmem_shared>>)
        tpu.yield
      }) : () -> ()
    }
    %scan3A_7 = arith.constant 10 : i32
    %barrier3A_8 = arith.constant 0 : index
    tpu.barrier barrier_id(%barrier3A_8)
    "tpu.region"() ({
      %run_scoped3A = tpu.sem_alloc : memref<!tpu.dma_semaphore, #tpu.memory_space<semaphore_mem>>
      %dma_start3A = arith.constant 0 : i32
      %dma_start3A_9 = tpu.memref_slice %arg5[%arg0, %mul3A_2, %dma_start3A] : memref<2x10240x128xf32, #tpu.memory_space<hbm>> -> memref<1x640x128xf32, #tpu.memory_space<hbm>>
      %dma_start3A_10 = tpu.memref_squeeze %dma_start3A_9 : memref<1x640x128xf32, #tpu.memory_space<hbm>> -> memref<640x128xf32, #tpu.memory_space<hbm>>
      %dma_start3A_11 = arith.constant 0 : i32
      %dma_start3A_12 = tpu.memref_slice %arg6[%mul3A_2, %dma_start3A_11] : memref<10240x128xf32, #tpu.memory_space<vmem_shared>> -> memref<640x128xf32, #tpu.memory_space<vmem_shared>>
      tpu.enqueue_dma source(%dma_start3A_12 : memref<640x128xf32, #tpu.memory_space<vmem_shared>>) target(%dma_start3A_10 : memref<640x128xf32, #tpu.memory_space<hbm>>) target_semaphore(%run_scoped3A : memref<!tpu.dma_semaphore, #tpu.memory_space<semaphore_mem>>)
      %dma_wait3A = arith.constant 0 : i32
      %dma_wait3A_13 = tpu.memref_slice %arg5[%arg0, %mul3A_2, %dma_wait3A] : memref<2x10240x128xf32, #tpu.memory_space<hbm>> -> memref<1x640x128xf32, #tpu.memory_space<hbm>>
      %dma_wait3A_14 = tpu.memref_squeeze %dma_wait3A_13 : memref<1x640x128xf32, #tpu.memory_space<hbm>> -> memref<640x128xf32, #tpu.memory_space<hbm>>
      %dma_wait3A_15 = arith.constant 0 : i32
      %dma_wait3A_16 = tpu.memref_slice %arg6[%mul3A_2, %dma_wait3A_15] : memref<10240x128xf32, #tpu.memory_space<vmem_shared>> -> memref<640x128xf32, #tpu.memory_space<vmem_shared>>
      tpu.wait_dma2 semaphore(%run_scoped3A : memref<!tpu.dma_semaphore, #tpu.memory_space<semaphore_mem>>) src(%dma_wait3A_16 : memref<640x128xf32, #tpu.memory_space<vmem_shared>>) dst(%dma_wait3A_14 : memref<640x128xf32, #tpu.memory_space<hbm>>)
      tpu.yield
    }) : () -> ()
    return
  }
}

module attributes {stable_mosaic.version = 14 : i64} {
  func.func @_mm_body(%arg0: i32, %arg1: memref<1000x128xf32, #tpu.memory_space<vmem>>, %arg2: memref<128x128xf32, #tpu.memory_space<vmem>>, %arg3: memref<1000x128xf32, #tpu.memory_space<vmem>>) attributes {dimension_semantics = [#tpu.dimension_semantics<arbitrary>], iteration_bounds = array<i64: 10>, scalar_prefetch = 0 : i64, scratch_operands = 0 : i64, tpu.core_type = #tpu.core_type<tc>, window_params = [{transform_indices = @transform_0, window_bounds = array<i64: 1000, 128>}, {pipeline_mode = #tpu.pipeline_mode<synchronous>, transform_indices = @transform_1, window_bounds = array<i64: 128, 128>}, {transform_indices = @transform_2, window_bounds = array<i64: 1000, 128>}]} {
    %get3A = arith.constant 0 : index
    %get3A_0 = arith.constant 0 : index
    %get3A_1 = vector.load %arg1[%get3A, %get3A_0] : memref<1000x128xf32, #tpu.memory_space<vmem>>, vector<1000x128xf32>
    %get3A_2 = arith.constant 0 : index
    %get3A_3 = arith.constant 0 : index
    %get3A_4 = vector.load %arg2[%get3A_2, %get3A_3] : memref<128x128xf32, #tpu.memory_space<vmem>>, vector<128x128xf32>
    %dot_general3A = arith.constant dense<0.000000e+00> : vector<1000x128xf32>
    %dot_general3A_5 = tpu.matmul %get3A_1, %get3A_4, %dot_general3A {dimension_numbers = #tpu.dot_dimension_numbers<[1], [0], [0], [1], [0, 0, 1, 1], [], []>, transpose_lhs_hint = false} : vector<1000x128xf32>, vector<128x128xf32>, vector<1000x128xf32> -> vector<1000x128xf32>
    %swap3A = arith.constant 0 : index
    %swap3A_6 = arith.constant 0 : index
    %swap3A_7 = vector.load %arg3[%swap3A, %swap3A_6] : memref<1000x128xf32, #tpu.memory_space<vmem>>, vector<1000x128xf32>
    tpu.vector_store %arg3[%swap3A, %swap3A_6], %dot_general3A_5 {strides = array<i32>} : memref<1000x128xf32, #tpu.memory_space<vmem>>, vector<1000x128xf32>,
    return
  }
  func.func @transform_0(%arg0: i32) -> (i32, i32) {
    %c0_i32 = arith.constant 0 : i32
    %c0_i32_0 = arith.constant 0 : i32
    return %arg0, %c0_i32 : i32, i32
  }
  func.func @transform_1(%arg0: i32) -> (i32, i32) {
    %c0_i32 = arith.constant 0 : i32
    %c0_i32_0 = arith.constant 0 : i32
    %c0_i32_1 = arith.constant 0 : i32
    return %c0_i32, %c0_i32_0 : i32, i32
  }
  func.func @transform_2(%arg0: i32) -> (i32, i32) {
    %c0_i32 = arith.constant 0 : i32
    %c0_i32_0 = arith.constant 0 : i32
    return %arg0, %c0_i32 : i32, i32
  }
}

module attributes {stable_mosaic.version = 14 : i64} {
  func.func @_scale_body(%arg0: i32, %arg1: memref<1000x128xf32, #tpu.memory_space<vmem>>, %arg2: memref<2x2x1000x128xf32, #tpu.memory_space<vmem>>, %arg3: memref<1000x128xf32, #tpu.memory_space<vmem>>) attributes {dimension_semantics = [#tpu.dimension_semantics<arbitrary>], iteration_bounds = array<i64: 10>, scalar_prefetch = 0 : i64, scratch_operands = 0 : i64, tpu.core_type = #tpu.core_type<tc>, window_params = [{transform_indices = @transform_0, window_bounds = array<i64: 1000, 128>}, {transform_indices = @transform_1, window_bounds = array<i64: 2, 2, 1000, 128>}, {transform_indices = @transform_2, window_bounds = array<i64: 1000, 128>}]} {
    %get3A = arith.constant 0 : index
    %get3A_0 = arith.constant 0 : index
    %get3A_1 = arith.constant 0 : index
    %get3A_2 = arith.constant 0 : index
    %get3A_3 = vector.load %arg2[%get3A, %get3A_0, %get3A_1, %get3A_2] : memref<2x2x1000x128xf32, #tpu.memory_space<vmem>>, vector<2x2x1000x128xf32>
    %slice3A = vector.extract_strided_slice %get3A_3 {offsets = [0, 0, 0, 0], sizes = [1, 1, 1000, 128], strides = [1, 1, 1, 1]} : vector<2x2x1000x128xf32> to vector<1x1x1000x128xf32>
    %squeeze3A = vector.shape_cast %slice3A : vector<1x1x1000x128xf32> to vector<1000x128xf32>
    %slice3A_4 = vector.extract_strided_slice %get3A_3 {offsets = [1, 0, 0, 0], sizes = [1, 1, 1000, 128], strides = [1, 1, 1, 1]} : vector<2x2x1000x128xf32> to vector<1x1x1000x128xf32>
    %squeeze3A_5 = vector.shape_cast %slice3A_4 : vector<1x1x1000x128xf32> to vector<1000x128xf32>
    %add3A = arith.addf %squeeze3A, %squeeze3A_5 : vector<1000x128xf32>
    %add3A_6 = arith.constant 1.000000e+00 : f32
    %add3A_7 = vector.broadcast %add3A_6 : f32 to vector<1000x128xf32>
    %add3A_8 = arith.addf %add3A, %add3A_7 : vector<1000x128xf32>
    %rsqrt3A = math.rsqrt %add3A_8 : vector<1000x128xf32>
    %get3A_9 = arith.constant 0 : index
    %get3A_10 = arith.constant 0 : index
    %get3A_11 = vector.load %arg1[%get3A_9, %get3A_10] : memref<1000x128xf32, #tpu.memory_space<vmem>>, vector<1000x128xf32>
    %mul3A = arith.mulf %rsqrt3A, %get3A_11 : vector<1000x128xf32>
    %swap3A = arith.constant 0 : index
    %swap3A_12 = arith.constant 0 : index
    %swap3A_13 = vector.load %arg3[%swap3A, %swap3A_12] : memref<1000x128xf32, #tpu.memory_space<vmem>>, vector<1000x128xf32>
    tpu.vector_store %arg3[%swap3A, %swap3A_12], %mul3A {strides = array<i32>} : memref<1000x128xf32, #tpu.memory_space<vmem>>, vector<1000x128xf32>,
    return
  }
  func.func @transform_0(%arg0: i32) -> (i32, i32) {
    %c0_i32 = arith.constant 0 : i32
    %c0_i32_0 = arith.constant 0 : i32
    return %arg0, %c0_i32 : i32, i32
  }
  func.func @transform_1(%arg0: i32) -> (i32, i32, i32, i32) {
    %c0_i32 = arith.constant 0 : i32
    %c0_i32_0 = arith.constant 0 : i32
    %c0_i32_1 = arith.constant 0 : i32
    %c0_i32_2 = arith.constant 0 : i32
    return %c0_i32, %c0_i32_0, %arg0, %c0_i32_1 : i32, i32, i32, i32
  }
  func.func @transform_2(%arg0: i32) -> (i32, i32) {
    %c0_i32 = arith.constant 0 : i32
    %c0_i32_0 = arith.constant 0 : i32
    return %arg0, %c0_i32 : i32, i32
  }
}

module attributes {stable_mosaic.version = 14 : i64} {
  func.func @_mid_body(%arg0: i32, %arg1: memref<2x1000x128xf32, #tpu.memory_space<vmem>>, %arg2: memref<1000x128xf32, #tpu.memory_space<vmem>>, %arg3: memref<2x2x1000x128xf32, #tpu.memory_space<vmem>>, %arg4: memref<128x128xf32, #tpu.memory_space<vmem>>, %arg5: memref<1x128xf32, #tpu.memory_space<vmem>>, %arg6: memref<1000x128xf32, #tpu.memory_space<vmem>>) attributes {dimension_semantics = [#tpu.dimension_semantics<arbitrary>], iteration_bounds = array<i64: 10>, scalar_prefetch = 0 : i64, scratch_operands = 0 : i64, tpu.core_type = #tpu.core_type<tc>, window_params = [{transform_indices = @transform_0, window_bounds = array<i64: 2, 1000, 128>}, {transform_indices = @transform_1, window_bounds = array<i64: 1000, 128>}, {transform_indices = @transform_2, window_bounds = array<i64: 2, 2, 1000, 128>}, {pipeline_mode = #tpu.pipeline_mode<synchronous>, transform_indices = @transform_3, window_bounds = array<i64: 128, 128>}, {pipeline_mode = #tpu.pipeline_mode<synchronous>, transform_indices = @transform_4, window_bounds = array<i64: 1, 128>}, {transform_indices = @transform_5, window_bounds = array<i64: 1000, 128>}]} {
    %get3A = arith.constant 0 : index
    %get3A_0 = arith.constant 0 : index
    %get3A_1 = arith.constant 0 : index
    %get3A_2 = arith.constant 0 : index
    %get3A_3 = vector.load %arg3[%get3A, %get3A_0, %get3A_1, %get3A_2] : memref<2x2x1000x128xf32, #tpu.memory_space<vmem>>, vector<2x2x1000x128xf32>
    %get3A_4 = arith.constant 0 : index
    %get3A_5 = arith.constant 0 : index
    %get3A_6 = arith.constant 0 : index
    %get3A_7 = vector.load %arg1[%get3A_4, %get3A_5, %get3A_6] : memref<2x1000x128xf32, #tpu.memory_space<vmem>>, vector<1x1000x128xf32>
    %get3A_8 = vector.shape_cast %get3A_7 : vector<1x1000x128xf32> to vector<1000x128xf32>
    %get3A_9 = arith.constant 1 : index
    %get3A_10 = arith.constant 0 : index
    %get3A_11 = arith.constant 0 : index
    %get3A_12 = vector.load %arg1[%get3A_9, %get3A_10, %get3A_11] : memref<2x1000x128xf32, #tpu.memory_space<vmem>>, vector<1x1000x128xf32>
    %get3A_13 = vector.shape_cast %get3A_12 : vector<1x1000x128xf32> to vector<1000x128xf32>
    %add3A = arith.addf %get3A_8, %get3A_13 : vector<1000x128xf32>
    %get3A_14 = arith.constant 0 : index
    %get3A_15 = arith.constant 0 : index
    %get3A_16 = vector.load %arg2[%get3A_14, %get3A_15] : memref<1000x128xf32, #tpu.memory_space<vmem>>, vector<1000x128xf32>
    %sub3A = arith.subf %add3A, %get3A_16 : vector<1000x128xf32>
    %slice3A = vector.extract_strided_slice %get3A_3 {offsets = [0, 0, 0, 0], sizes = [1, 1, 1000, 128], strides = [1, 1, 1, 1]} : vector<2x2x1000x128xf32> to vector<1x1x1000x128xf32>
    %squeeze3A = vector.shape_cast %slice3A : vector<1x1x1000x128xf32> to vector<1000x128xf32>
    %slice3A_17 = vector.extract_strided_slice %get3A_3 {offsets = [1, 0, 0, 0], sizes = [1, 1, 1000, 128], strides = [1, 1, 1, 1]} : vector<2x2x1000x128xf32> to vector<1x1x1000x128xf32>
    %squeeze3A_18 = vector.shape_cast %slice3A_17 : vector<1x1x1000x128xf32> to vector<1000x128xf32>
    %add3A_19 = arith.addf %squeeze3A, %squeeze3A_18 : vector<1000x128xf32>
    %add3A_20 = arith.constant 1.000000e+00 : f32
    %add3A_21 = vector.broadcast %add3A_20 : f32 to vector<1000x128xf32>
    %add3A_22 = arith.addf %add3A_19, %add3A_21 : vector<1000x128xf32>
    %rsqrt3A = math.rsqrt %add3A_22 : vector<1000x128xf32>
    %mul3A = arith.mulf %rsqrt3A, %sub3A : vector<1000x128xf32>
    %get3A_23 = arith.constant 0 : index
    %get3A_24 = arith.constant 0 : index
    %get3A_25 = vector.load %arg5[%get3A_23, %get3A_24] : memref<1x128xf32, #tpu.memory_space<vmem>>, vector<1x128xf32>
    %add3A_26 = vector.broadcast %get3A_25 : vector<1x128xf32> to vector<1000x128xf32>
    %add3A_27 = arith.addf %mul3A, %add3A_26 : vector<1000x128xf32>
    %max3A = arith.constant 0.000000e+00 : f32
    %max3A_28 = vector.broadcast %max3A : f32 to vector<1000x128xf32>
    %max3A_29 = arith.maximumf %add3A_27, %max3A_28 : vector<1000x128xf32>
    %get3A_30 = arith.constant 0 : index
    %get3A_31 = arith.constant 0 : index
    %get3A_32 = vector.load %arg4[%get3A_30, %get3A_31] : memref<128x128xf32, #tpu.memory_space<vmem>>, vector<128x128xf32>
    %dot_general3A = arith.constant dense<0.000000e+00> : vector<1000x128xf32>
    %dot_general3A_33 = tpu.matmul %max3A_29, %get3A_32, %dot_general3A {dimension_numbers = #tpu.dot_dimension_numbers<[1], [0], [0], [1], [0, 0, 1, 1], [], []>, transpose_lhs_hint = false} : vector<1000x128xf32>, vector<128x128xf32>, vector<1000x128xf32> -> vector<1000x128xf32>
    %slice3A_34 = vector.extract_strided_slice %get3A_3 {offsets = [0, 1, 0, 0], sizes = [1, 1, 1000, 128], strides = [1, 1, 1, 1]} : vector<2x2x1000x128xf32> to vector<1x1x1000x128xf32>
    %squeeze3A_35 = vector.shape_cast %slice3A_34 : vector<1x1x1000x128xf32> to vector<1000x128xf32>
    %slice3A_36 = vector.extract_strided_slice %get3A_3 {offsets = [1, 1, 0, 0], sizes = [1, 1, 1000, 128], strides = [1, 1, 1, 1]} : vector<2x2x1000x128xf32> to vector<1x1x1000x128xf32>
    %squeeze3A_37 = vector.shape_cast %slice3A_36 : vector<1x1x1000x128xf32> to vector<1000x128xf32>
    %add3A_38 = arith.addf %squeeze3A_35, %squeeze3A_37 : vector<1000x128xf32>
    %add3A_39 = arith.constant 1.000000e+00 : f32
    %add3A_40 = vector.broadcast %add3A_39 : f32 to vector<1000x128xf32>
    %add3A_41 = arith.addf %add3A_38, %add3A_40 : vector<1000x128xf32>
    %rsqrt3A_42 = math.rsqrt %add3A_41 : vector<1000x128xf32>
    %mul3A_43 = arith.mulf %rsqrt3A_42, %dot_general3A_33 : vector<1000x128xf32>
    %swap3A = arith.constant 0 : index
    %swap3A_44 = arith.constant 0 : index
    %swap3A_45 = vector.load %arg6[%swap3A, %swap3A_44] : memref<1000x128xf32, #tpu.memory_space<vmem>>, vector<1000x128xf32>
    tpu.vector_store %arg6[%swap3A, %swap3A_44], %mul3A_43 {strides = array<i32>} : memref<1000x128xf32, #tpu.memory_space<vmem>>, vector<1000x128xf32>,
    return
  }
  func.func @transform_0(%arg0: i32) -> (i32, i32, i32) {
    %c0_i32 = arith.constant 0 : i32
    %c0_i32_0 = arith.constant 0 : i32
    %c0_i32_1 = arith.constant 0 : i32
    return %c0_i32, %arg0, %c0_i32_0 : i32, i32, i32
  }
  func.func @transform_1(%arg0: i32) -> (i32, i32) {
    %c0_i32 = arith.constant 0 : i32
    %c0_i32_0 = arith.constant 0 : i32
    return %arg0, %c0_i32 : i32, i32
  }
  func.func @transform_2(%arg0: i32) -> (i32, i32, i32, i32) {
    %c0_i32 = arith.constant 0 : i32
    %c0_i32_0 = arith.constant 0 : i32
    %c0_i32_1 = arith.constant 0 : i32
    %c0_i32_2 = arith.constant 0 : i32
    return %c0_i32, %c0_i32_0, %arg0, %c0_i32_1 : i32, i32, i32, i32
  }
  func.func @transform_3(%arg0: i32) -> (i32, i32) {
    %c0_i32 = arith.constant 0 : i32
    %c0_i32_0 = arith.constant 0 : i32
    %c0_i32_1 = arith.constant 0 : i32
    return %c0_i32, %c0_i32_0 : i32, i32
  }
  func.func @transform_4(%arg0: i32) -> (i32, i32) {
    %c0_i32 = arith.constant 0 : i32
    %c0_i32_0 = arith.constant 0 : i32
    %c0_i32_1 = arith.constant 0 : i32
    return %c0_i32, %c0_i32_0 : i32, i32
  }
  func.func @transform_5(%arg0: i32) -> (i32, i32) {
    %c0_i32 = arith.constant 0 : i32
    %c0_i32_0 = arith.constant 0 : i32
    return %arg0, %c0_i32 : i32, i32
  }
}

module attributes {stable_mosaic.version = 14 : i64} {
  func.func @_dec_body(%arg0: i32, %arg1: memref<2x1024x128xf32, #tpu.memory_space<vmem>>, %arg2: memref<1024x128xf32, #tpu.memory_space<vmem>>, %arg3: memref<2x2x1024x128xf32, #tpu.memory_space<vmem>>, %arg4: memref<1x128xf32, #tpu.memory_space<vmem>>, %arg5: memref<1024x128xf32, #tpu.memory_space<vmem>>, %arg6: memref<1024x1024xf32, #tpu.memory_space<vmem>>) attributes {dimension_semantics = [#tpu.dimension_semantics<arbitrary>], iteration_bounds = array<i64: 1>, scalar_prefetch = 0 : i64, scratch_operands = 0 : i64, tpu.core_type = #tpu.core_type<tc>, window_params = [{transform_indices = @transform_0, window_bounds = array<i64: 2, 1024, 128>}, {transform_indices = @transform_1, window_bounds = array<i64: 1024, 128>}, {transform_indices = @transform_2, window_bounds = array<i64: 2, 2, 1024, 128>}, {pipeline_mode = #tpu.pipeline_mode<synchronous>, transform_indices = @transform_3, window_bounds = array<i64: 1, 128>}, {pipeline_mode = #tpu.pipeline_mode<synchronous>, transform_indices = @transform_4, window_bounds = array<i64: 1024, 128>}, {pipeline_mode = #tpu.pipeline_mode<synchronous>, transform_indices = @transform_5, window_bounds = array<i64: 1024, 1024>}]} {
    %get3A = arith.constant 0 : index
    %get3A_0 = arith.constant 0 : index
    %get3A_1 = arith.constant 0 : index
    %get3A_2 = vector.load %arg1[%get3A, %get3A_0, %get3A_1] : memref<2x1024x128xf32, #tpu.memory_space<vmem>>, vector<1x1024x128xf32>
    %get3A_3 = vector.shape_cast %get3A_2 : vector<1x1024x128xf32> to vector<1024x128xf32>
    %get3A_4 = arith.constant 1 : index
    %get3A_5 = arith.constant 0 : index
    %get3A_6 = arith.constant 0 : index
    %get3A_7 = vector.load %arg1[%get3A_4, %get3A_5, %get3A_6] : memref<2x1024x128xf32, #tpu.memory_space<vmem>>, vector<1x1024x128xf32>
    %get3A_8 = vector.shape_cast %get3A_7 : vector<1x1024x128xf32> to vector<1024x128xf32>
    %add3A = arith.addf %get3A_3, %get3A_8 : vector<1024x128xf32>
    %get3A_9 = arith.constant 0 : index
    %get3A_10 = arith.constant 0 : index
    %get3A_11 = vector.load %arg2[%get3A_9, %get3A_10] : memref<1024x128xf32, #tpu.memory_space<vmem>>, vector<1024x128xf32>
    %sub3A = arith.subf %add3A, %get3A_11 : vector<1024x128xf32>
    %get3A_12 = arith.constant 0 : index
    %get3A_13 = arith.constant 0 : index
    %get3A_14 = arith.constant 0 : index
    %get3A_15 = arith.constant 0 : index
    %get3A_16 = vector.load %arg3[%get3A_12, %get3A_13, %get3A_14, %get3A_15] : memref<2x2x1024x128xf32, #tpu.memory_space<vmem>>, vector<2x2x1024x128xf32>
    %slice3A = vector.extract_strided_slice %get3A_16 {offsets = [0, 1, 0, 0], sizes = [1, 1, 1024, 128], strides = [1, 1, 1, 1]} : vector<2x2x1024x128xf32> to vector<1x1x1024x128xf32>
    %squeeze3A = vector.shape_cast %slice3A : vector<1x1x1024x128xf32> to vector<1024x128xf32>
    %slice3A_17 = vector.extract_strided_slice %get3A_16 {offsets = [1, 1, 0, 0], sizes = [1, 1, 1024, 128], strides = [1, 1, 1, 1]} : vector<2x2x1024x128xf32> to vector<1x1x1024x128xf32>
    %squeeze3A_18 = vector.shape_cast %slice3A_17 : vector<1x1x1024x128xf32> to vector<1024x128xf32>
    %add3A_19 = arith.addf %squeeze3A, %squeeze3A_18 : vector<1024x128xf32>
    %add3A_20 = arith.constant 1.000000e+00 : f32
    %add3A_21 = vector.broadcast %add3A_20 : f32 to vector<1024x128xf32>
    %add3A_22 = arith.addf %add3A_19, %add3A_21 : vector<1024x128xf32>
    %rsqrt3A = math.rsqrt %add3A_22 : vector<1024x128xf32>
    %mul3A = arith.mulf %rsqrt3A, %sub3A : vector<1024x128xf32>
    %get3A_23 = arith.constant 0 : index
    %get3A_24 = arith.constant 0 : index
    %get3A_25 = vector.load %arg4[%get3A_23, %get3A_24] : memref<1x128xf32, #tpu.memory_space<vmem>>, vector<1x128xf32>
    %add3A_26 = vector.broadcast %get3A_25 : vector<1x128xf32> to vector<1024x128xf32>
    %add3A_27 = arith.addf %mul3A, %add3A_26 : vector<1024x128xf32>
    %dot_general3A = arith.constant dense<0.000000e+00> : vector<1024x1024xf32>
    %dot_general3A_28 = tpu.matmul %add3A_27, %add3A_27, %dot_general3A {dimension_numbers = #tpu.dot_dimension_numbers<[1], [1], [0], [0], [0, 0, 1, 0], [], []>, transpose_lhs_hint = false} : vector<1024x128xf32>, vector<1024x128xf32>, vector<1024x1024xf32> -> vector<1024x1024xf32>
    %swap3A = arith.constant 0 : index
    %swap3A_29 = arith.constant 0 : index
    %swap3A_30 = vector.load %arg6[%swap3A, %swap3A_29] : memref<1024x1024xf32, #tpu.memory_space<vmem>>, vector<1024x1024xf32>
    tpu.vector_store %arg6[%swap3A, %swap3A_29], %dot_general3A_28 {strides = array<i32>} : memref<1024x1024xf32, #tpu.memory_space<vmem>>, vector<1024x1024xf32>,
    %reduce_max3A = arith.constant dense<0xFF800000> : vector<1024xf32>
    %reduce_max3A_31 = vector.multi_reduction <maximumf>, %add3A_27, %reduce_max3A [1] : vector<1024x128xf32> to vector<1024xf32>
    %broadcast_in_dim3A = vector.shape_cast %reduce_max3A_31 : vector<1024xf32> to vector<1024x1xf32>
    %sub3A_32 = vector.broadcast %broadcast_in_dim3A : vector<1024x1xf32> to vector<1024x128xf32>
    %sub3A_33 = arith.subf %add3A_27, %sub3A_32 : vector<1024x128xf32>
    %exp3A = math.exp %sub3A_33 : vector<1024x128xf32>
    %sub3A_34 = vector.broadcast %broadcast_in_dim3A : vector<1024x1xf32> to vector<1024x128xf32>
    %sub3A_35 = arith.subf %add3A_27, %sub3A_34 : vector<1024x128xf32>
    %reduce_sum3A = arith.constant dense<0.000000e+00> : vector<1024xf32>
    %reduce_sum3A_36 = vector.multi_reduction <add>, %exp3A, %reduce_sum3A [1] : vector<1024x128xf32> to vector<1024xf32>
    %broadcast_in_dim3A_37 = vector.shape_cast %reduce_sum3A_36 : vector<1024xf32> to vector<1024x1xf32>
    %log3A = math.log %broadcast_in_dim3A_37 : vector<1024x1xf32>
    %sub3A_38 = vector.broadcast %log3A : vector<1024x1xf32> to vector<1024x128xf32>
    %sub3A_39 = arith.subf %sub3A_35, %sub3A_38 : vector<1024x128xf32>
    %swap3A_40 = arith.constant 0 : index
    %swap3A_41 = arith.constant 0 : index
    %swap3A_42 = vector.load %arg5[%swap3A_40, %swap3A_41] : memref<1024x128xf32, #tpu.memory_space<vmem>>, vector<1024x128xf32>
    tpu.vector_store %arg5[%swap3A_40, %swap3A_41], %sub3A_39 {strides = array<i32>} : memref<1024x128xf32, #tpu.memory_space<vmem>>, vector<1024x128xf32>,
    return
  }
  func.func @transform_0(%arg0: i32) -> (i32, i32, i32) {
    %c0_i32 = arith.constant 0 : i32
    %c0_i32_0 = arith.constant 0 : i32
    %c0_i32_1 = arith.constant 0 : i32
    %c0_i32_2 = arith.constant 0 : i32
    return %c0_i32, %c0_i32_0, %c0_i32_1 : i32, i32, i32
  }
  func.func @transform_1(%arg0: i32) -> (i32, i32) {
    %c0_i32 = arith.constant 0 : i32
    %c0_i32_0 = arith.constant 0 : i32
    %c0_i32_1 = arith.constant 0 : i32
    return %c0_i32, %c0_i32_0 : i32, i32
  }
  func.func @transform_2(%arg0: i32) -> (i32, i32, i32, i32) {
    %c0_i32 = arith.constant 0 : i32
    %c0_i32_0 = arith.constant 0 : i32
    %c0_i32_1 = arith.constant 0 : i32
    %c0_i32_2 = arith.constant 0 : i32
    %c0_i32_3 = arith.constant 0 : i32
    return %c0_i32, %c0_i32_0, %c0_i32_1, %c0_i32_2 : i32, i32, i32, i32
  }
  func.func @transform_3(%arg0: i32) -> (i32, i32) {
    %c0_i32 = arith.constant 0 : i32
    %c0_i32_0 = arith.constant 0 : i32
    %c0_i32_1 = arith.constant 0 : i32
    return %c0_i32, %c0_i32_0 : i32, i32
  }
  func.func @transform_4(%arg0: i32) -> (i32, i32) {
    %c0_i32 = arith.constant 0 : i32
    %c0_i32_0 = arith.constant 0 : i32
    %c0_i32_1 = arith.constant 0 : i32
    return %c0_i32, %c0_i32_0 : i32, i32
  }
  func.func @transform_5(%arg0: i32) -> (i32, i32) {
    %c0_i32 = arith.constant 0 : i32
    %c0_i32_0 = arith.constant 0 : i32
    %c0_i32_1 = arith.constant 0 : i32
    return %c0_i32, %c0_i32_0 : i32, i32
  }
}

</mosaic_0001>

<sc_bundles>
// kernel: kernel.12.cloned.1.call-start
scs
__scs_entry_jumppad:
0x0: {  	(pc) =	sbr.rel $0x88, $3  }
0x1: {  	(tag) =	ssettag $0x0;
	lr =	simm.s32 $0x1  }
0x2: {  	[smem:$0x3F9A] =	sst lr;
	_ =	strace $0xD0000000  }
0x3: {  	_ = 	snop  }
0x4: {  	_ = 	snop  }
0x5: {  	_ = 	snop  }
0x6: {  	_ = 	snop  }
0x7: {  	_ = 	snop  }
__scs_overlays_trampoline_lowered:
0x8: {  	[smem:$0x3FA9] =	sst s0  }
0x9: {  	[smem:$0x3FAA] =	sst s1  }
0xa: {  	[smem:$0x3FAB] =	sst s2  }
0xb: {  	[smem:$0x3FAC] =	sst s3  }
0xc: {  	[smem:$0x3FAD] =	sst s4  }
0xd: {  	[smem:$0x3FAE] =	sst s5  }
0xe: {  	[smem:$0x3FAF] =	sst s6  }
0xf: {  	[smem:$0x3FB0] =	sst s7  }
0x10: {  	[smem:$0x3FB1] =	sst s8  }
0x11: {  	[smem:$0x3FB2] =	sst s9;
	s0 =	simm.s32 @!p0 $0x0  }
0x12: {  	s1 =	sld [smem:$0x3F98];
	s0 =	simm.s32 @p0 $0x1  }
0x13: {  	[smem:$0x3FB3] =	sst s0;
	s0 =	simm.s32 @!p1 $0x0  }
0x14: {  	s2 =	sld [smem:$0x3F97];
	s0 =	simm.s32 @p1 $0x1  }
0x15: {  	[smem:$0x3FB4] =	sst s0;
	s0 =	simm.s32 @!p2 $0x0  }
0x16: {  	s3 =	sld [smem:$0x3FDB];
	s0 =	simm.s32 @p2 $0x1  }
0x17: {  	s4 =	simm.s32 $0x1BF5;
	[smem:$0x3FB6] =	sst s0  }
0x18: {  	s0 =	sld [smem:$0x3F99];
	_ =	swait.ge [sflag:s4], $0x0  }
0x19: {  	s7 =	sld [smem:$0x3F9A]  }
0x1a: {  	s8 =	sadd.s32 $0xFFFFE003, lr  }
0x1b: {  	s9 =	sadd.s32 $0xFFFFFEF7, lr;
	s5 =	simm.s32 $0xFFFFFFFF;
	p2 =	slt.u32 s8, $0xFFFFF086  }
0x1c: {  	p1 =	slt.u32 s9, $0xF7A;
	s5 =	simm.s32 @!p2 $0x0  }
0x1d: {  	s5 =	simm.s32 @p1 $0x1;
	p0 =	seq.s32 s7, s2  }
0x1e: {  	s7 =	smul.u32 @!p0 $0xF7A, s2;
	p2 =	seq.s32 @!p0 s5, $0x0  }
0x1f: {  	s9 =	smul.u32 $0xF7A, s1;
	s8 =	simm.s32 @!p0 $0x1BF5;
	p2 =	por !p2, p0  }
0x20: {  	[sflag:s8] =	ssyncset.s32 @!p0 $0xFFFFF086;
	s6 =	sadd.s32 @!p0 s3, s7;
	s7 =	simm.s32 @!p0 $0x108  }
0x21: {  	s3 =	sadd.s32 s3, s9;
	s6 =	sadd.s32 @!p0 $0x88, s6;
	s7 =	simm.s32 @p2 $0x1082  }
0x22: {  	[simem:s7], [sflag:s8] =	dma.local @!p0 [hbm:s6], $0xF7A  }
0x23: {  	s9 =	sor.u32 $0xD0000000, s2;
	s6 =	simm.s32 $0x108;
	_ =	swait.ge @!p0 [sflag:s8], $0x0  }
0x24: {  	s3 =	sadd.s32 $0x88, s3;
	s6 =	simm.s32 @!p1 $0x1082;
	[sflag:s4] =	ssyncset.s32 $0xFFFFF086  }
0x25: {  	[simem:s6], [sflag:s4] =	dma.local [hbm:s3], $0xF7A  }
0x26: {  	[smem:$0x3F9A] =	sst s1;
	(tag) =	ssettag s2;
	_ =	strace s9  }
0x27: {  	s1 =	sld [smem:$0x3FAA]  }
0x28: {  	s2 =	sld [smem:$0x3FAB]  }
0x29: {  	s4 =	sld [smem:$0x3FAD]  }
0x2a: {  	p0 =	seq.s32 s5, $0x0;
	s5 =	sld [smem:$0x3FAE]  }
0x2b: {  	s6 =	sld [smem:$0x3FAF]  }
0x2c: {  	s7 =	sld [smem:$0x3FB0]  }
0x2d: {  	s3 =	simm.s32 $0x108;
	s8 =	sld [smem:$0x3FB1]  }
0x2e: {  	s3 =	simm.s32 @!p0 $0x1082;
	s9 =	sld [smem:$0x3FB2]  }
0x2f: {  	lr =	sadd.s32 s0, s3;
	s0 =	sld [smem:$0x3FA9]  }
0x30: {  	s3 =	sld [smem:$0x3FAC]  }
0x31: {  	[smem:$0x3FB5] =	sst s10  }
0x32: {  	s10 =	sld [smem:$0x3FB3];
	_ =	sdelay $0x3  }
0x33: {  	p0 =	seq.s32 s10, $0x1;
	s10 =	sld [smem:$0x3FB5];
	_ =	sdelay $0x3  }
0x34: {  	[smem:$0x3FB5] =	sst s10  }
0x35: {  	s10 =	sld [smem:$0x3FB4];
	_ =	sdelay $0x3  }
0x36: {  	p1 =	seq.s32 s10, $0x1;
	s10 =	sld [smem:$0x3FB5];
	_ =	sdelay $0x3  }
0x37: {  	[smem:$0x3FB5] =	sst s10  }
0x38: {  	s10 =	sld [smem:$0x3FB6]  }
0x39: {  	_ = 	snop;
	(pc) =	sbr.ind lr, $3  }
0x3a: {  	_ = 	snop  }
0x3b: {  	_ = 	snop  }
0x3c: {  	p2 =	seq.s32 s10, $0x1;
	s10 =	sld [smem:$0x3FB5]  }
0x3d: {  	_ =	shalt  }
0x3e: {  	_ =	shalt  }
0x3f: {  	_ =	shalt  }
0x40: {  	_ =	shalt  }
0x41: {  	_ =	shalt  }
0x42: {  	_ =	shalt  }
0x43: {  	_ =	shalt  }
0x44: {  	_ =	shalt  }
0x45: {  	_ =	shalt  }
0x46: {  	_ =	shalt  }
0x47: {  	_ =	shalt  }
0x48: {  	_ =	shalt  }
0x49: {  	_ =	shalt  }
0x4a: {  	_ =	shalt  }
0x4b: {  	_ =	shalt  }
0x4c: {  	_ =	shalt  }
0x4d: {  	_ =	shalt  }
0x4e: {  	_ =	shalt  }
0x4f: {  	_ =	shalt  }
0x50: {  	_ =	shalt  }
0x51: {  	_ =	shalt  }
0x52: {  	_ =	shalt  }
0x53: {  	_ =	shalt  }
0x54: {  	_ =	shalt  }
0x55: {  	_ =	shalt  }
0x56: {  	_ =	shalt  }
0x57: {  	_ =	shalt  }
0x58: {  	_ =	shalt  }
0x59: {  	_ =	shalt  }
0x5a: {  	_ =	shalt  }
0x5b: {  	_ =	shalt  }
0x5c: {  	_ =	shalt  }
0x5d: {  	_ =	shalt  }
0x5e: {  	_ =	shalt  }
0x5f: {  	_ =	shalt  }
0x60: {  	_ =	shalt  }
0x61: {  	_ =	shalt  }
0x62: {  	_ =	shalt  }
0x63: {  	_ =	shalt  }
0x64: {  	_ =	shalt  }
0x65: {  	_ =	shalt  }
0x66: {  	_ =	shalt  }
0x67: {  	_ =	shalt  }
0x68: {  	_ =	shalt  }
0x69: {  	_ =	shalt  }
0x6a: {  	_ =	shalt  }
0x6b: {  	_ =	shalt  }
0x6c: {  	_ =	shalt  }
0x6d: {  	_ =	shalt  }
0x6e: {  	_ =	shalt  }
0x6f: {  	_ =	shalt  }
0x70: {  	_ =	shalt  }
0x71: {  	_ =	shalt  }
0x72: {  	_ =	shalt  }
0x73: {  	_ =	shalt  }
0x74: {  	_ =	shalt  }
0x75: {  	_ =	shalt  }
0x76: {  	_ =	shalt  }
0x77: {  	_ =	shalt  }
0x78: {  	_ =	shalt  }
0x79: {  	_ =	shalt  }
0x7a: {  	_ =	shalt  }
0x7b: {  	_ =	shalt  }
0x7c: {  	_ =	shalt  }
0x7d: {  	_ =	shalt  }
0x7e: {  	_ =	shalt  }
0x7f: {  	_ =	shalt  }
0x80: {  	_ =	shalt  }
0x81: {  	_ =	shalt  }
0x82: {  	_ =	shalt  }
0x83: {  	_ =	shalt  }
0x84: {  	_ =	shalt  }
0x85: {  	_ =	shalt  }
0x86: {  	_ =	shalt  }
0x87: {  	_ =	shalt  }
.Lfunc_end0:
.L_simem_size_0:
called_computation.1_lowered:
.L_overlay_start_0:
0x88: {  	s2 =	sld [smem:$0x3FD9]  }
0x89: {  	s3 =	sld [smem:$0x3FFE];
	_ =	sdelay $0x1  }
0x8a: {  	s1 =	srdreg.scid  }
0x8b: {  	s0 =	sand.u32 $0x1, s1  }
0x8c: {  	s16 =	sshll.u32 s0, $0xA;
	s2 =	sadd.s32 s3, s2  }
0x8d: {  	s2 =	sadd.s32 s2, s16  }
0x8e: {  	[smem:$0x3FC1] =	sst s2  }
0x8f: {  	_ = 	snop  }
0x90: {  	(tm) =	ssettm $0x1  }
0x91: {  	s17 =	sld [smem:$0x3FFB];
	_ =	sdelay $0x3  }
0x92: {  	_ =	strace s17  }
0x93: {  	s2 =	sld [smem:$0x3FFC];
	_ =	sdelay $0x3  }
0x94: {  	_ =	strace s2  }
0x95: {  	s2 =	sld [smem:$0x3FFD];
	_ =	sdelay $0x3  }
0x96: {  	_ =	strace s2  }
0x97: {  	_ =	strace $0x8FFFFFFF  }
0x98: {  	s18 =	sld [smem:$0x3FDB];
	_ =	sdelay $0x1  }
0x99: {  	s19 =	simm.s32 $_scs_section_size  }
0x9a: {  	s4 =	simm.s32 $_size__tile_overlayer_lowered;
	s5 =	simm.s32 $_tile_overlayer_lowered  }
0x9b: {  	s22 =	simm.s32 $0x1BFF;
	s21 =	sshll.u32 s5, $0x1;
	s2 =	sadd.s32 s19, s18  }
0x9c: {  	s6 =	simm.s32 $0x0;
	s20 =	sshll.u32 s4, $0x1;
	s4 =	sadd.s32 s21, s2  }
0x9d: {  	[timem:s6], [sflag:s22] =	dma.local [hbm:s4], s20  }
0x9e: {  	_ =	swait.ge [sflag:s22], s20  }
0x9f: {  	s3 =	ssub.s32 $0x0, s20;
	[sflag:s22] =	ssyncset.done $0x0  }
0xa0: {  	[sflag:s22] =	ssyncadd.s32 s3;
	_ =	sdelay $0x1  }
0xa1: {  	s23 =	simm.s32 $0x1B8B  }
0xa2: {  	_ =	swait.ge [sflag:s23], $0x1  }
0xa3: {  	[sflag:s23] =	ssyncset.done $0x0  }
0xa4: {  	s25 =	simm.s32 $0x1B8E;
	s24 =	sld [smem:$0x3FFE];
	[sflag:s23] =	ssyncadd.s32 $0xFFFFFFFF  }
0xa5: {  	s26 =	simm.s32 $execute0_lowered;
	[smem:$0x3FD2] =	sst s25  }
0xa6: {  	s4 =	sshll.u32 s26, $0x1;
	_ =	strace $0x80000049;
	[dreg:$0x1] =	wrdreg $0xFFFFFFFF  }
0xa7: {  	s28 =	simm.s32 $_size_execute0_lowered;
	s2 =	sadd.s32 s2, s4;
	[dreg:$0x0] =	wrdreg $0x0  }
0xa8: {  	s4 =	sshll.u32 s28, $0x1;
	[dreg:$0x2] =	wrdreg s2  }
0xa9: {  	[dreg:$0x3] =	wrdreg s4  }
0xaa: {  	[dreg:$0x4] =	wrdreg $0xC0  }
0xab: {  	_ =	task [dreg:s6], $0x5FFFF  }
0xac: {  	[dreg:$0x1] =	wrdreg $0xFFFFFFFF  }
0xad: {  	[dreg:$0x0] =	wrdreg $0x60  }
0xae: {  	[dreg:$0x2] =	wrdreg s24  }
0xaf: {  	[dreg:$0x3] =	wrdreg $0x0  }
0xb0: {  	[dreg:$0x4] =	wrdreg $0x9  }
0xb1: {  	_ =	task.clear_ibuf [dreg:s6], $0x5FFFF;
	_ =	strace $0x90000049  }
0xb2: {  	s29 =	simm.s32 $0x9;
	_ =	strace $0x8000004B  }
0xb3: {  	_ =	swait.ge [sflag:s29], $0x1  }
0xb4: {  	[sflag:s29] =	ssyncadd.s32 $0xFFFFFFFF  }
0xb5: {  	_ =	strace $0x9000004B  }
0xb6: {  	_ =	sfence  }
0xb7: {  	s30 =	sld [smem:$0x0];
	_ =	sdelay $0x2  }
0xb8: {  	s31 =	sshll.u32 s1, $0xD;
	s1 =	sshrl.u32 s1, $0x2  }
0xb9: {  	s3 =	sand.u32 $0x4000, s31;
	s1 =	sadd.s32 s1, s30  }
0xba: {  	s0 =	sor.u32 s3, s0;
	s1 =	sshll.u32 s1, $0x11  }
0xbb: {  	s0 =	sor.u32 s1, s0  }
0xbc: {  	s0 =	sadd.s32 $0x8F2B, s0  }
0xbd: {  	[sflag:s0] =	ssyncadd.remote.s32 $0x1  }
0xbe: {  	_ =	sfence.sel $0xFFFF  }
0xbf: {  	[dreg:$0x0] =	wrdreg $0xFFFFFFFF;
	(pc) =	sbr.abs _section_cstart, $3  }
0xc0: {  	[dreg:$0x1] =	wrdreg $0xFFFFFFFF  }
0xc1: {  	_ =	task.clear_ibuf [dreg:s6], $0x2FFFF;
	_ =	strace $0x9FFFFFFF  }
0xc2: {  	(tm) =	ssettm $0x7FFFFFFF  }
0xc3: {  	_ =	shalt  }
tec
execute0_lowered:
.L_overlay_start_1:
0x0: {  	(tag) =	ssettag $0x1  }
0x1: {  	s0 =	rddreg [dreg:$0x0];
	s1 =	srdreg.scid  }
0x2: {  	s10 =	stileid.u32;
	s2 =	rddreg [dreg:$0x1];
	s3 =	simm.s32 $0x0  }
0x3: {  	s11 =	simm.s32 $0x3;
	s12 =	simm.s32 $0x14000;
	s13 =	simm.s32 $0x14400  }
0x4: {  	s14 =	simm.s32 $0x80;
	s15 =	simm.s32 $0x14800;
	s16 =	simm.s32 $0x14080  }
0x5: {  	s17 =	simm.s32 $0x18800;
	s18 =	simm.s32 $0x1;
	s19 =	simm.s32 $0x14100  }
0x6: {  	s20 =	simm.s32 $0x2;
	s21 =	simm.s32 $0x14480;
	s5 =	smul.u32 $0x14000, s10  }
0x7: {  	s22 =	simm.s32 $0x14180;
	s28 =	simm.s32 $0x14600;
	s8 =	smul.u32 $0x50000, s10  }
0x8: {  	s29 =	simm.s32 $0x14300;
	s1 =	sand.u32 $0x1, s1;
	s9 =	smul.u32 $0x500, s10  }
0x9: {  	s30 =	simm.s32 $0x14680;
	s31 =	simm.s32 $0x14380;
	s4 =	smul.u32 $0x140000, s1  }
0xa: {  	[smem:$0x7FF] =	sst s3;
	s6 =	smul.u32 $0x5000, s1;
	s1 =	ssub.s32 $0x2, s1  }
0xb: {  	s25 =	sshll.u32 s10, $0x6;
	_ =	strace $0x8000004A;
	s23 =	sshrl.u32 s1, $0x1  }
0xc: {  	s8 =	sshrl.u32 s8, $0x2;
	s7 =	sadd.s32 s5, s4;
	s4 =	sadd.s32 $0x20600, s0  }
0xd: {  	s6 =	sadd.s32 s6, s0;
	s1 =	ssub.s32 s1, s23;
	s24 =	sadd.s32 s8, s2  }
0xe: {  	s5 =	sshrl.u32 s5, $0x3;
	s8 =	sor.u32 $0x1C03, s25;
	s23 =	simm.s32 $0x14500  }
0xf: {  	s25 =	simm.s32 $0x14580;
	s7 =	sshrl.u32 s7, $0x3;
	s5 =	sadd.s32 s4, s5  }
0x10: {  	s6 =	sadd.s32 s9, s6;
	s1 =	smax.u32 s1, $0x1;
	[dreg:$0x5] =	wrdreg s8  }
0x11: {  	s0 =	sadd.s32 s7, s0;
	[dreg:$0x4] =	wrdreg s5;
	s26 =	sadd.s32 $0xC600, s6  }
0x12: {  	[dreg:$0x7] =	wrdreg s1;
	s9 =	sadd.s32 $0x2600, s6;
	s6 =	sshrl.u32 s24, $0x3  }
0x13: {  	s24 =	simm.s32 $0x14200;
	s1 =	simm.s32 $0x14700;
	[dreg:$0x3] =	wrdreg s26  }
0x14: {  	s7 =	simm.s32 $0x0;
	s0 =	sadd.s32 $0xE8600, s0;
	[dreg:$0x8] =	wrdreg s6  }
0x15: {  	s26 =	simm.s32 $0x14280;
	[dreg:$0x6] =	wrdreg s0;
	s0 =	simm.s32 $0x14780  }
.LBB2_1:
0x16: {  	[dreg:$0x9] =	wrdreg s7  }
0x17: {  	s5 =	rddreg [dreg:$0x4]  }
0x18: {  	[spmem:s6], [sflag:s8] =	dma.local [hbm:s5], $0x2800  }
0x19: {  	_ =	swait.ge [sflag:s11], $0x2800  }
0x1a: {  	[sflag:s11] =	ssyncset.done $0x0  }
0x1b: {  	[sflag:s11] =	ssyncadd.s32 $0xFFFFD800  }
0x1c: {  	s8 =	sadd.s32 $0x0, s9;
	[bflag:$0x0] =	sbarrier.arrive $0xFFFF  }
0x1d: {  	[tilespmem:s12], [sflag:$0x3] =	stream.linear.gather [hbm4b:s8+s3], $0x400, $0x38;
	[tilespmem:$0x1C800] =	vst v63  }
0x1e: {  	_ =	swait.ge [sflag:s11], $0x400  }
0x1f: {  	s10 =	rddreg [dreg:$0x3];
	[sflag:s11] =	ssyncset.done $0x0  }
0x20: {  	[sflag:s11] =	ssyncadd.s32 $0xFFFFFC00;
	s6 =	sadd.s32 $0x0, s10  }
0x21: {  	[tilespmem:s13], [sflag:$0x3] =	stream.linear.gather [hbm4b:s6+s3], $0x400, $0x38;
	[tilespmem:$0x1C800] =	vst v63  }
0x22: {  	_ =	swait.ge [sflag:s11], $0x400  }
0x23: {  	[sflag:s11] =	ssyncset.done $0x0  }
0x24: {  	[sflag:s11] =	ssyncadd.s32 $0xFFFFFC00  }
0x25: {  	[tilespmem:s15], [sflag:$0x1] =	stream.indirect.gather [hbm4b:s4+s14], $0x80, s12, s14, $0xb8;
	[tilespmem:$0x1C800] =	vst v63  }
0x26: {  	_ = 	snop  }
0x27: {  	[tilespmem:s17], [sflag:$0x2] =	stream.indirect.gather [hbm4b:s4+s14], $0x80, s16, s14, $0xb8;
	[tilespmem:$0x1C800] =	vst v63  }
0x28: {  	_ =	swait.ge [sflag:s18], $0x4000  }
0x29: {  	[sflag:s18] =	ssyncset.done $0x0  }
0x2a: {  	[sflag:s18] =	ssyncadd.s32 $0xFFFFC000  }
0x2b: {  	[spmem:s2] =	stream.indirect.scatter.add.f32 [tilespmem:s15], [sflag:$0x3], $0x80, s13, s14, $0xb8;
	[tilespmem:$0x1C800] =	vst v63  }
0x2c: {  	_ =	swait.ge [sflag:s11], $0x4000  }
0x2d: {  	[sflag:s11] =	ssyncset.done $0x0  }
0x2e: {  	[sflag:s11] =	ssyncadd.s32 $0xFFFFC000  }
0x2f: {  	[tilespmem:s15], [sflag:$0x1] =	stream.indirect.gather [hbm4b:s4+s14], $0x80, s19, s14, $0xb8;
	[tilespmem:$0x1C800] =	vst v63  }
0x30: {  	_ =	swait.ge [sflag:s20], $0x4000  }
0x31: {  	[sflag:s20] =	ssyncset.done $0x0  }
0x32: {  	[sflag:s20] =	ssyncadd.s32 $0xFFFFC000  }
0x33: {  	[spmem:s2] =	stream.indirect.scatter.add.f32 [tilespmem:s17], [sflag:$0x3], $0x80, s21, s14, $0xb8;
	[tilespmem:$0x1C800] =	vst v63  }
0x34: {  	_ =	swait.ge [sflag:s11], $0x4000  }
0x35: {  	[sflag:s11] =	ssyncset.done $0x0  }
0x36: {  	[sflag:s11] =	ssyncadd.s32 $0xFFFFC000  }
0x37: {  	[tilespmem:s17], [sflag:$0x2] =	stream.indirect.gather [hbm4b:s4+s14], $0x80, s22, s14, $0xb8;
	[tilespmem:$0x1C800] =	vst v63  }
0x38: {  	_ =	swait.ge [sflag:s18], $0x4000  }
0x39: {  	[sflag:s18] =	ssyncset.done $0x0  }
0x3a: {  	[sflag:s18] =	ssyncadd.s32 $0xFFFFC000  }
0x3b: {  	[spmem:s2] =	stream.indirect.scatter.add.f32 [tilespmem:s15], [sflag:$0x3], $0x80, s23, s14, $0xb8;
	[tilespmem:$0x1C800] =	vst v63  }
0x3c: {  	_ =	swait.ge [sflag:s11], $0x4000  }
0x3d: {  	[sflag:s11] =	ssyncset.done $0x0  }
0x3e: {  	[sflag:s11] =	ssyncadd.s32 $0xFFFFC000  }
0x3f: {  	[tilespmem:s15], [sflag:$0x1] =	stream.indirect.gather [hbm4b:s4+s14], $0x80, s24, s14, $0xb8;
	[tilespmem:$0x1C800] =	vst v63  }
0x40: {  	_ =	swait.ge [sflag:s20], $0x4000  }
0x41: {  	[sflag:s20] =	ssyncset.done $0x0  }
0x42: {  	[sflag:s20] =	ssyncadd.s32 $0xFFFFC000  }
0x43: {  	[spmem:s2] =	stream.indirect.scatter.add.f32 [tilespmem:s17], [sflag:$0x3], $0x80, s25, s14, $0xb8;
	[tilespmem:$0x1C800] =	vst v63  }
0x44: {  	_ =	swait.ge [sflag:s11], $0x4000  }
0x45: {  	[sflag:s11] =	ssyncset.done $0x0  }
0x46: {  	[sflag:s11] =	ssyncadd.s32 $0xFFFFC000  }
0x47: {  	[tilespmem:s17], [sflag:$0x2] =	stream.indirect.gather [hbm4b:s4+s14], $0x80, s26, s14, $0xb8;
	[tilespmem:$0x1C800] =	vst v63  }
0x48: {  	_ =	swait.ge [sflag:s18], $0x4000  }
0x49: {  	[sflag:s18] =	ssyncset.done $0x0  }
0x4a: {  	[sflag:s18] =	ssyncadd.s32 $0xFFFFC000  }
0x4b: {  	[spmem:s2] =	stream.indirect.scatter.add.f32 [tilespmem:s15], [sflag:$0x3], $0x80, s28, s14, $0xb8;
	[tilespmem:$0x1C800] =	vst v63  }
0x4c: {  	_ =	swait.ge [sflag:s11], $0x4000  }
0x4d: {  	[sflag:s11] =	ssyncset.done $0x0  }
0x4e: {  	[sflag:s11] =	ssyncadd.s32 $0xFFFFC000  }
0x4f: {  	[tilespmem:s15], [sflag:$0x1] =	stream.indirect.gather [hbm4b:s4+s14], $0x80, s29, s14, $0xb8;
	[tilespmem:$0x1C800] =	vst v63  }
0x50: {  	_ =	swait.ge [sflag:s20], $0x4000  }
0x51: {  	[sflag:s20] =	ssyncset.done $0x0  }
0x52: {  	[sflag:s20] =	ssyncadd.s32 $0xFFFFC000  }
0x53: {  	[spmem:s2] =	stream.indirect.scatter.add.f32 [tilespmem:s17], [sflag:$0x3], $0x80, s30, s14, $0xb8;
	[tilespmem:$0x1C800] =	vst v63  }
0x54: {  	_ =	swait.ge [sflag:s11], $0x4000  }
0x55: {  	[sflag:s11] =	ssyncset.done $0x0  }
0x56: {  	[sflag:s11] =	ssyncadd.s32 $0xFFFFC000  }
0x57: {  	[tilespmem:s17], [sflag:$0x2] =	stream.indirect.gather [hbm4b:s4+s14], $0x80, s31, s14, $0xb8;
	[tilespmem:$0x1C800] =	vst v63  }
0x58: {  	_ =	swait.ge [sflag:s18], $0x4000  }
0x59: {  	[sflag:s18] =	ssyncset.done $0x0  }
0x5a: {  	[sflag:s18] =	ssyncadd.s32 $0xFFFFC000  }
0x5b: {  	[spmem:s2] =	stream.indirect.scatter.add.f32 [tilespmem:s15], [sflag:$0x3], $0x80, s1, s14, $0xb8;
	[tilespmem:$0x1C800] =	vst v63  }
0x5c: {  	_ =	swait.ge [sflag:s11], $0x4000  }
0x5d: {  	[sflag:s11] =	ssyncset.done $0x0  }
0x5e: {  	[sflag:s11] =	ssyncadd.s32 $0xFFFFC000  }
0x5f: {  	_ =	swait.ge [sflag:s20], $0x4000  }
0x60: {  	[sflag:s20] =	ssyncset.done $0x0  }
0x61: {  	[sflag:s20] =	ssyncadd.s32 $0xFFFFC000  }
0x62: {  	[spmem:s2] =	stream.indirect.scatter.add.f32 [tilespmem:s17], [sflag:$0x3], $0x80, s0, s14, $0xb8;
	[tilespmem:$0x1C800] =	vst v63  }
0x63: {  	_ =	swait.ge [sflag:s11], $0x4000  }
0x64: {  	s7 =	simm.s32 $0x80;
	s8 =	simm.s32 $0x100;
	[sflag:s11] =	ssyncset.done $0x0  }
.LBB2_2:
0x65: {  	s10 =	sadd.s32 s7, s9;
	[sflag:s11] =	ssyncadd.s32 $0xFFFFC000  }
0x66: {  	[tilespmem:s12], [sflag:$0x3] =	stream.linear.gather [hbm4b:s10+s3], $0x400, $0x38;
	[tilespmem:$0x1C800] =	vst v63  }
0x67: {  	s5 =	smov.u32 s8;
	_ =	swait.ge [sflag:s11], $0x400  }
0x68: {  	s6 =	sadd.s32 $0x80, s8;
	s10 =	rddreg [dreg:$0x3];
	[sflag:s11] =	ssyncset.done $0x0  }
0x69: {  	p0 =	sne.s32 s8, $0x480;
	[sflag:s11] =	ssyncadd.s32 $0xFFFFFC00;
	s8 =	sadd.s32 s7, s10  }
0x6a: {  	[tilespmem:s13], [sflag:$0x3] =	stream.linear.gather [hbm4b:s8+s3], $0x400, $0x38;
	[tilespmem:$0x1C800] =	vst v63  }
0x6b: {  	_ =	swait.ge [sflag:s11], $0x400  }
0x6c: {  	[sflag:s11] =	ssyncset.done $0x0  }
0x6d: {  	[sflag:s11] =	ssyncadd.s32 $0xFFFFFC00  }
0x6e: {  	[tilespmem:s15], [sflag:$0x1] =	stream.indirect.gather [hbm4b:s4+s14], $0x80, s12, s14, $0xb8;
	[tilespmem:$0x1C800] =	vst v63  }
0x6f: {  	_ = 	snop  }
0x70: {  	[tilespmem:s17], [sflag:$0x2] =	stream.indirect.gather [hbm4b:s4+s14], $0x80, s16, s14, $0xb8;
	[tilespmem:$0x1C800] =	vst v63  }
0x71: {  	_ =	swait.ge [sflag:s18], $0x4000  }
0x72: {  	[sflag:s18] =	ssyncset.done $0x0  }
0x73: {  	[sflag:s18] =	ssyncadd.s32 $0xFFFFC000  }
0x74: {  	[spmem:s2] =	stream.indirect.scatter.add.f32 [tilespmem:s15], [sflag:$0x3], $0x80, s13, s14, $0xb8;
	[tilespmem:$0x1C800] =	vst v63  }
0x75: {  	_ =	swait.ge [sflag:s11], $0x4000  }
0x76: {  	[sflag:s11] =	ssyncset.done $0x0  }
0x77: {  	[sflag:s11] =	ssyncadd.s32 $0xFFFFC000  }
0x78: {  	[tilespmem:s15], [sflag:$0x1] =	stream.indirect.gather [hbm4b:s4+s14], $0x80, s19, s14, $0xb8;
	[tilespmem:$0x1C800] =	vst v63  }
0x79: {  	_ =	swait.ge [sflag:s20], $0x4000  }
0x7a: {  	[sflag:s20] =	ssyncset.done $0x0  }
0x7b: {  	[sflag:s20] =	ssyncadd.s32 $0xFFFFC000  }
0x7c: {  	[spmem:s2] =	stream.indirect.scatter.add.f32 [tilespmem:s17], [sflag:$0x3], $0x80, s21, s14, $0xb8;
	[tilespmem:$0x1C800] =	vst v63  }
0x7d: {  	_ =	swait.ge [sflag:s11], $0x4000  }
0x7e: {  	[sflag:s11] =	ssyncset.done $0x0  }
0x7f: {  	[sflag:s11] =	ssyncadd.s32 $0xFFFFC000  }
0x80: {  	[tilespmem:s17], [sflag:$0x2] =	stream.indirect.gather [hbm4b:s4+s14], $0x80, s22, s14, $0xb8;
	[tilespmem:$0x1C800] =	vst v63  }
0x81: {  	_ =	swait.ge [sflag:s18], $0x4000  }
0x82: {  	[sflag:s18] =	ssyncset.done $0x0  }
0x83: {  	[sflag:s18] =	ssyncadd.s32 $0xFFFFC000  }
0x84: {  	[spmem:s2] =	stream.indirect.scatter.add.f32 [tilespmem:s15], [sflag:$0x3], $0x80, s23, s14, $0xb8;
	[tilespmem:$0x1C800] =	vst v63  }
0x85: {  	_ =	swait.ge [sflag:s11], $0x4000  }
0x86: {  	[sflag:s11] =	ssyncset.done $0x0  }
0x87: {  	[sflag:s11] =	ssyncadd.s32 $0xFFFFC000  }
0x88: {  	[tilespmem:s15], [sflag:$0x1] =	stream.indirect.gather [hbm4b:s4+s14], $0x80, s24, s14, $0xb8;
	[tilespmem:$0x1C800] =	vst v63  }
0x89: {  	_ =	swait.ge [sflag:s20], $0x4000  }
0x8a: {  	[sflag:s20] =	ssyncset.done $0x0  }
0x8b: {  	[sflag:s20] =	ssyncadd.s32 $0xFFFFC000  }
0x8c: {  	[spmem:s2] =	stream.indirect.scatter.add.f32 [tilespmem:s17], [sflag:$0x3], $0x80, s25, s14, $0xb8;
	[tilespmem:$0x1C800] =	vst v63  }
0x8d: {  	_ =	swait.ge [sflag:s11], $0x4000  }
0x8e: {  	[sflag:s11] =	ssyncset.done $0x0  }
0x8f: {  	[sflag:s11] =	ssyncadd.s32 $0xFFFFC000  }
0x90: {  	[tilespmem:s17], [sflag:$0x2] =	stream.indirect.gather [hbm4b:s4+s14], $0x80, s26, s14, $0xb8;
	[tilespmem:$0x1C800] =	vst v63  }
0x91: {  	_ =	swait.ge [sflag:s18], $0x4000  }
0x92: {  	[sflag:s18] =	ssyncset.done $0x0  }
0x93: {  	[sflag:s18] =	ssyncadd.s32 $0xFFFFC000  }
0x94: {  	[spmem:s2] =	stream.indirect.scatter.add.f32 [tilespmem:s15], [sflag:$0x3], $0x80, s28, s14, $0xb8;
	[tilespmem:$0x1C800] =	vst v63  }
0x95: {  	_ =	swait.ge [sflag:s11], $0x4000  }
0x96: {  	[sflag:s11] =	ssyncset.done $0x0  }
0x97: {  	[sflag:s11] =	ssyncadd.s32 $0xFFFFC000  }
0x98: {  	[tilespmem:s15], [sflag:$0x1] =	stream.indirect.gather [hbm4b:s4+s14], $0x80, s29, s14, $0xb8;
	[tilespmem:$0x1C800] =	vst v63  }
0x99: {  	_ =	swait.ge [sflag:s20], $0x4000  }
0x9a: {  	[sflag:s20] =	ssyncset.done $0x0  }
0x9b: {  	[sflag:s20] =	ssyncadd.s32 $0xFFFFC000  }
0x9c: {  	[spmem:s2] =	stream.indirect.scatter.add.f32 [tilespmem:s17], [sflag:$0x3], $0x80, s30, s14, $0xb8;
	[tilespmem:$0x1C800] =	vst v63  }
0x9d: {  	_ =	swait.ge [sflag:s11], $0x4000  }
0x9e: {  	[sflag:s11] =	ssyncset.done $0x0  }
0x9f: {  	[sflag:s11] =	ssyncadd.s32 $0xFFFFC000  }
0xa0: {  	[tilespmem:s17], [sflag:$0x2] =	stream.indirect.gather [hbm4b:s4+s14], $0x80, s31, s14, $0xb8;
	[tilespmem:$0x1C800] =	vst v63  }
0xa1: {  	_ =	swait.ge [sflag:s18], $0x4000  }
0xa2: {  	[sflag:s18] =	ssyncset.done $0x0  }
0xa3: {  	[sflag:s18] =	ssyncadd.s32 $0xFFFFC000  }
0xa4: {  	[spmem:s2] =	stream.indirect.scatter.add.f32 [tilespmem:s15], [sflag:$0x3], $0x80, s1, s14, $0xb8;
	[tilespmem:$0x1C800] =	vst v63  }
0xa5: {  	_ =	swait.ge [sflag:s11], $0x4000  }
0xa6: {  	[sflag:s11] =	ssyncset.done $0x0  }
0xa7: {  	[sflag:s11] =	ssyncadd.s32 $0xFFFFC000  }
0xa8: {  	_ =	swait.ge [sflag:s20], $0x4000  }
.Ltmp0:
0xa9: {  	[sflag:s20] =	ssyncset.done $0x0;
	(pc) =	sbr.rel @p0 .LBB2_2-.Ltmp0, $4  }
0xaa: {  	[sflag:s20] =	ssyncadd.s32 $0xFFFFC000  }
0xab: {  	[spmem:s2] =	stream.indirect.scatter.add.f32 [tilespmem:s17], [sflag:$0x3], $0x80, s0, s14, $0xb8;
	[tilespmem:$0x1C800] =	vst v63  }
0xac: {  	_ =	swait.ge [sflag:s11], $0x4000  }
0xad: {  	s7 =	smov.u32 s5;
	s8 =	smov.u32 s6;
	[sflag:s11] =	ssyncset.done $0x0  }
0xae: {  	s5 =	sadd.s32 s7, s9;
	[sflag:s11] =	ssyncadd.s32 $0xFFFFC000  }
0xaf: {  	[tilespmem:s12], [sflag:$0x3] =	stream.linear.gather [hbm4b:s5+s3], $0x400, $0x38;
	[tilespmem:$0x1C800] =	vst v63  }
0xb0: {  	_ =	swait.ge [sflag:s11], $0x400  }
0xb1: {  	s8 =	rddreg [dreg:$0x3];
	[sflag:s11] =	ssyncset.done $0x0  }
0xb2: {  	s5 =	sadd.s32 s7, s8;
	[sflag:s11] =	ssyncadd.s32 $0xFFFFFC00  }
0xb3: {  	[tilespmem:s13], [sflag:$0x3] =	stream.linear.gather [hbm4b:s5+s3], $0x400, $0x38;
	[tilespmem:$0x1C800] =	vst v63  }
0xb4: {  	_ =	swait.ge [sflag:s11], $0x400  }
0xb5: {  	[sflag:s11] =	ssyncset.done $0x0  }
0xb6: {  	[sflag:s11] =	ssyncadd.s32 $0xFFFFFC00  }
0xb7: {  	[tilespmem:s15], [sflag:$0x1] =	stream.indirect.gather [hbm4b:s4+s14], $0x80, s12, s14, $0xb8;
	[tilespmem:$0x1C800] =	vst v63  }
0xb8: {  	_ = 	snop  }
0xb9: {  	[tilespmem:s17], [sflag:$0x2] =	stream.indirect.gather [hbm4b:s4+s14], $0x80, s16, s14, $0xb8;
	[tilespmem:$0x1C800] =	vst v63  }
0xba: {  	_ =	swait.ge [sflag:s18], $0x4000  }
0xbb: {  	[sflag:s18] =	ssyncset.done $0x0  }
0xbc: {  	[sflag:s18] =	ssyncadd.s32 $0xFFFFC000  }
0xbd: {  	[spmem:s2] =	stream.indirect.scatter.add.f32 [tilespmem:s15], [sflag:$0x3], $0x80, s13, s14, $0xb8;
	[tilespmem:$0x1C800] =	vst v63  }
0xbe: {  	_ =	swait.ge [sflag:s11], $0x4000  }
0xbf: {  	[sflag:s11] =	ssyncset.done $0x0  }
0xc0: {  	[sflag:s11] =	ssyncadd.s32 $0xFFFFC000  }
0xc1: {  	[tilespmem:s15], [sflag:$0x1] =	stream.indirect.gather [hbm4b:s4+s14], $0x80, s19, s14, $0xb8;
	[tilespmem:$0x1C800] =	vst v63  }
0xc2: {  	_ =	swait.ge [sflag:s20], $0x4000  }
0xc3: {  	[sflag:s20] =	ssyncset.done $0x0  }
0xc4: {  	[sflag:s20] =	ssyncadd.s32 $0xFFFFC000  }
0xc5: {  	[spmem:s2] =	stream.indirect.scatter.add.f32 [tilespmem:s17], [sflag:$0x3], $0x80, s21, s14, $0xb8;
	[tilespmem:$0x1C800] =	vst v63  }
0xc6: {  	_ =	swait.ge [sflag:s11], $0x4000  }
0xc7: {  	[sflag:s11] =	ssyncset.done $0x0  }
0xc8: {  	[sflag:s11] =	ssyncadd.s32 $0xFFFFC000  }
0xc9: {  	[tilespmem:s17], [sflag:$0x2] =	stream.indirect.gather [hbm4b:s4+s14], $0x80, s22, s14, $0xb8;
	[tilespmem:$0x1C800] =	vst v63  }
0xca: {  	_ =	swait.ge [sflag:s18], $0x4000  }
0xcb: {  	[sflag:s18] =	ssyncset.done $0x0  }
0xcc: {  	[sflag:s18] =	ssyncadd.s32 $0xFFFFC000  }
0xcd: {  	[spmem:s2] =	stream.indirect.scatter.add.f32 [tilespmem:s15], [sflag:$0x3], $0x80, s23, s14, $0xb8;
	[tilespmem:$0x1C800] =	vst v63  }
0xce: {  	_ =	swait.ge [sflag:s11], $0x4000  }
0xcf: {  	[sflag:s11] =	ssyncset.done $0x0  }
0xd0: {  	[sflag:s11] =	ssyncadd.s32 $0xFFFFC000  }
0xd1: {  	[tilespmem:s15], [sflag:$0x1] =	stream.indirect.gather [hbm4b:s4+s14], $0x80, s24, s14, $0xb8;
	[tilespmem:$0x1C800] =	vst v63  }
0xd2: {  	_ =	swait.ge [sflag:s20], $0x4000  }
0xd3: {  	[sflag:s20] =	ssyncset.done $0x0  }
0xd4: {  	[sflag:s20] =	ssyncadd.s32 $0xFFFFC000  }
0xd5: {  	[spmem:s2] =	stream.indirect.scatter.add.f32 [tilespmem:s17], [sflag:$0x3], $0x80, s25, s14, $0xb8;
	[tilespmem:$0x1C800] =	vst v63  }
0xd6: {  	_ =	swait.ge [sflag:s11], $0x4000  }
0xd7: {  	[sflag:s11] =	ssyncset.done $0x0  }
0xd8: {  	[sflag:s11] =	ssyncadd.s32 $0xFFFFC000  }
0xd9: {  	[tilespmem:s17], [sflag:$0x2] =	stream.indirect.gather [hbm4b:s4+s14], $0x80, s26, s14, $0xb8;
	[tilespmem:$0x1C800] =	vst v63  }
0xda: {  	_ =	swait.ge [sflag:s18], $0x4000  }
0xdb: {  	[sflag:s18] =	ssyncset.done $0x0  }
0xdc: {  	[sflag:s18] =	ssyncadd.s32 $0xFFFFC000  }
0xdd: {  	[spmem:s2] =	stream.indirect.scatter.add.f32 [tilespmem:s15], [sflag:$0x3], $0x80, s28, s14, $0xb8;
	[tilespmem:$0x1C800] =	vst v63  }
0xde: {  	_ =	swait.ge [sflag:s11], $0x4000  }
0xdf: {  	[sflag:s11] =	ssyncset.done $0x0  }
0xe0: {  	[sflag:s11] =	ssyncadd.s32 $0xFFFFC000  }
0xe1: {  	[tilespmem:s15], [sflag:$0x1] =	stream.indirect.gather [hbm4b:s4+s14], $0x80, s29, s14, $0xb8;
	[tilespmem:$0x1C800] =	vst v63  }
0xe2: {  	_ =	swait.ge [sflag:s20], $0x4000  }
0xe3: {  	[sflag:s20] =	ssyncset.done $0x0  }
0xe4: {  	[sflag:s20] =	ssyncadd.s32 $0xFFFFC000  }
0xe5: {  	[spmem:s2] =	stream.indirect.scatter.add.f32 [tilespmem:s17], [sflag:$0x3], $0x80, s30, s14, $0xb8;
	[tilespmem:$0x1C800] =	vst v63  }
0xe6: {  	_ =	swait.ge [sflag:s11], $0x4000  }
0xe7: {  	[sflag:s11] =	ssyncset.done $0x0  }
0xe8: {  	[sflag:s11] =	ssyncadd.s32 $0xFFFFC000  }
0xe9: {  	[tilespmem:s17], [sflag:$0x2] =	stream.indirect.gather [hbm4b:s4+s14], $0x80, s31, s14, $0xb8;
	[tilespmem:$0x1C800] =	vst v63  }
0xea: {  	_ =	swait.ge [sflag:s18], $0x4000  }
0xeb: {  	[sflag:s18] =	ssyncset.done $0x0  }
0xec: {  	[sflag:s18] =	ssyncadd.s32 $0xFFFFC000  }
0xed: {  	[spmem:s2] =	stream.indirect.scatter.add.f32 [tilespmem:s15], [sflag:$0x3], $0x80, s1, s14, $0xb8;
	[tilespmem:$0x1C800] =	vst v63  }
0xee: {  	_ =	swait.ge [sflag:s11], $0x4000  }
0xef: {  	[sflag:s11] =	ssyncset.done $0x0  }
0xf0: {  	[sflag:s11] =	ssyncadd.s32 $0xFFFFC000  }
0xf1: {  	_ =	swait.ge [sflag:s20], $0x4000  }
0xf2: {  	[sflag:s20] =	ssyncset.done $0x0  }
0xf3: {  	[sflag:s20] =	ssyncadd.s32 $0xFFFFC000  }
0xf4: {  	[spmem:s2] =	stream.indirect.scatter.add.f32 [tilespmem:s17], [sflag:$0x3], $0x80, s0, s14, $0xb8;
	[tilespmem:$0x1C800] =	vst v63  }
0xf5: {  	_ =	swait.ge [sflag:s11], $0x4000  }
0xf6: {  	[sflag:s11] =	ssyncset.done $0x0  }
0xf7: {  	[sflag:s11] =	ssyncadd.s32 $0xFFFFC000  }
0xf8: {  	[bflag:$0x0] =	sbarrier.arrive $0xFFFF  }
0xf9: {  	s8 =	rddreg [dreg:$0x5]  }
0xfa: {  	s10 =	rddreg [dreg:$0x6]  }
0xfb: {  	s6 =	rddreg [dreg:$0x8]  }
0xfc: {  	[hbm:s10], [sflag:s8] =	dma.local [spmem:s6], $0x2800  }
0xfd: {  	_ =	swait.ge [sflag:s11], $0x2800  }
0xfe: {  	s5 =	rddreg [dreg:$0x9]  }
0xff: {  	s10 =	rddreg [dreg:$0x7];
	s7 =	sadd.s32 $0x1, s5  }
0x100: {  	p0 =	sne.s32 s7, s10  }
.Ltmp1:
0x101: {  	_ = 	snop;
	(pc) =	sbr.rel @p0 .LBB2_1-.Ltmp1, $3  }
0x102: {  	_ =	sdelay $0x1  }
0x103: {  	[sflag:s11] =	ssyncset.done $0x0  }
0x104: {  	[sflag:s11] =	ssyncadd.s32 $0xFFFFD800  }
0x105: {  	_ =	sfence.sel $0x180000  }
0x106: {  	[bflag:$0x0] =	sbarrier.arrive $0xFFFF  }
0x107: {  	_ =	strace $0x9000004A  }
0x108: {  	s0 =	stileid.u32;
	[bflag:$0x2] =	sbarrier.arrive $0xFFFF  }
0x109: {  	p0 =	sne.s32 s0, $0x0;
	s0 =	rddreg [dreg:$0x2]  }
0x10a: {  	s0 =	sadd.s32 @!p0 $0x100000, s0  }
0x10b: {  	[sflag:s0] =	ssyncadd.tile.s32 @!p0 $0x1;
	_ =	shalt  }
.Lfunc_end2:
_tile_overlayer_lowered:
.L_overlay_start_2:
0x10c: {  	(tag) =	ssettag $0x2  }
0x10d: {  	s0 =	rddreg [dreg:$0x0];
	s2 =	stileid.u32  }
0x10e: {  	s1 =	rddreg [dreg:$0x1];
	p0 =	sne.s32 s2, $0x0  }
0x10f: {  	s3 =	rddreg [dreg:$0x2];
	[bflag:$0x3] =	sbarrier.arrive $0xFFFF;
	s2 =	simm.s32 @!p0 $0x1C03  }
0x110: {  	[timem:s3], [sflag:s2] =	dma.local @!p0 [hbm:s0], s1  }
0x111: {  	s0 =	simm.s32 @!p0 $0x3  }
0x112: {  	_ =	swait.ge @!p0 [sflag:s0], s1  }
0x113: {  	s1 =	ssub.s32 @!p0 $0x0, s1;
	[sflag:s0] =	ssyncset.done @!p0 $0x0  }
0x114: {  	[sflag:s0] =	ssyncadd.s32 @!p0 s1  }
0x115: {  	[bflag:$0x3] =	sbarrier.arrive $0xFFFF  }
0x116: {  	_ =	shalt  }

// kernel: kernel.15.cloned.1.call-start
scs
__scs_entry_jumppad:
0x0: {  	(pc) =	sbr.rel $0x88, $3  }
0x1: {  	(tag) =	ssettag $0x0;
	lr =	simm.s32 $0x1  }
0x2: {  	[smem:$0x3F9A] =	sst lr;
	_ =	strace $0xD0000000  }
0x3: {  	_ = 	snop  }
0x4: {  	_ = 	snop  }
0x5: {  	_ = 	snop  }
0x6: {  	_ = 	snop  }
0x7: {  	_ = 	snop  }
__scs_overlays_trampoline_lowered:
0x8: {  	[smem:$0x3FA9] =	sst s0  }
0x9: {  	[smem:$0x3FAA] =	sst s1  }
0xa: {  	[smem:$0x3FAB] =	sst s2  }
0xb: {  	[smem:$0x3FAC] =	sst s3  }
0xc: {  	[smem:$0x3FAD] =	sst s4  }
0xd: {  	[smem:$0x3FAE] =	sst s5  }
0xe: {  	[smem:$0x3FAF] =	sst s6  }
0xf: {  	[smem:$0x3FB0] =	sst s7  }
0x10: {  	[smem:$0x3FB1] =	sst s8  }
0x11: {  	[smem:$0x3FB2] =	sst s9;
	s0 =	simm.s32 @!p0 $0x0  }
0x12: {  	s1 =	sld [smem:$0x3F98];
	s0 =	simm.s32 @p0 $0x1  }
0x13: {  	[smem:$0x3FB3] =	sst s0;
	s0 =	simm.s32 @!p1 $0x0  }
0x14: {  	s2 =	sld [smem:$0x3F97];
	s0 =	simm.s32 @p1 $0x1  }
0x15: {  	[smem:$0x3FB4] =	sst s0;
	s0 =	simm.s32 @!p2 $0x0  }
0x16: {  	s3 =	sld [smem:$0x3FDB];
	s0 =	simm.s32 @p2 $0x1  }
0x17: {  	s4 =	simm.s32 $0x1BF5;
	[smem:$0x3FB6] =	sst s0  }
0x18: {  	s0 =	sld [smem:$0x3F99];
	_ =	swait.ge [sflag:s4], $0x0  }
0x19: {  	s7 =	sld [smem:$0x3F9A]  }
0x1a: {  	s8 =	sadd.s32 $0xFFFFE003, lr  }
0x1b: {  	s9 =	sadd.s32 $0xFFFFFEF7, lr;
	s5 =	simm.s32 $0xFFFFFFFF;
	p2 =	slt.u32 s8, $0xFFFFF086  }
0x1c: {  	p1 =	slt.u32 s9, $0xF7A;
	s5 =	simm.s32 @!p2 $0x0  }
0x1d: {  	s5 =	simm.s32 @p1 $0x1;
	p0 =	seq.s32 s7, s2  }
0x1e: {  	s7 =	smul.u32 @!p0 $0xF7A, s2;
	p2 =	seq.s32 @!p0 s5, $0x0  }
0x1f: {  	s9 =	smul.u32 $0xF7A, s1;
	s8 =	simm.s32 @!p0 $0x1BF5;
	p2 =	por !p2, p0  }
0x20: {  	[sflag:s8] =	ssyncset.s32 @!p0 $0xFFFFF086;
	s6 =	sadd.s32 @!p0 s3, s7;
	s7 =	simm.s32 @!p0 $0x108  }
0x21: {  	s3 =	sadd.s32 s3, s9;
	s6 =	sadd.s32 @!p0 $0x88, s6;
	s7 =	simm.s32 @p2 $0x1082  }
0x22: {  	[simem:s7], [sflag:s8] =	dma.local @!p0 [hbm:s6], $0xF7A  }
0x23: {  	s9 =	sor.u32 $0xD0000000, s2;
	s6 =	simm.s32 $0x108;
	_ =	swait.ge @!p0 [sflag:s8], $0x0  }
0x24: {  	s3 =	sadd.s32 $0x88, s3;
	s6 =	simm.s32 @!p1 $0x1082;
	[sflag:s4] =	ssyncset.s32 $0xFFFFF086  }
0x25: {  	[simem:s6], [sflag:s4] =	dma.local [hbm:s3], $0xF7A  }
0x26: {  	[smem:$0x3F9A] =	sst s1;
	(tag) =	ssettag s2;
	_ =	strace s9  }
0x27: {  	s1 =	sld [smem:$0x3FAA]  }
0x28: {  	s2 =	sld [smem:$0x3FAB]  }
0x29: {  	s4 =	sld [smem:$0x3FAD]  }
0x2a: {  	p0 =	seq.s32 s5, $0x0;
	s5 =	sld [smem:$0x3FAE]  }
0x2b: {  	s6 =	sld [smem:$0x3FAF]  }
0x2c: {  	s7 =	sld [smem:$0x3FB0]  }
0x2d: {  	s3 =	simm.s32 $0x108;
	s8 =	sld [smem:$0x3FB1]  }
0x2e: {  	s3 =	simm.s32 @!p0 $0x1082;
	s9 =	sld [smem:$0x3FB2]  }
0x2f: {  	lr =	sadd.s32 s0, s3;
	s0 =	sld [smem:$0x3FA9]  }
0x30: {  	s3 =	sld [smem:$0x3FAC]  }
0x31: {  	[smem:$0x3FB5] =	sst s10  }
0x32: {  	s10 =	sld [smem:$0x3FB3];
	_ =	sdelay $0x3  }
0x33: {  	p0 =	seq.s32 s10, $0x1;
	s10 =	sld [smem:$0x3FB5];
	_ =	sdelay $0x3  }
0x34: {  	[smem:$0x3FB5] =	sst s10  }
0x35: {  	s10 =	sld [smem:$0x3FB4];
	_ =	sdelay $0x3  }
0x36: {  	p1 =	seq.s32 s10, $0x1;
	s10 =	sld [smem:$0x3FB5];
	_ =	sdelay $0x3  }
0x37: {  	[smem:$0x3FB5] =	sst s10  }
0x38: {  	s10 =	sld [smem:$0x3FB6]  }
0x39: {  	_ = 	snop;
	(pc) =	sbr.ind lr, $3  }
0x3a: {  	_ = 	snop  }
0x3b: {  	_ = 	snop  }
0x3c: {  	p2 =	seq.s32 s10, $0x1;
	s10 =	sld [smem:$0x3FB5]  }
0x3d: {  	_ =	shalt  }
0x3e: {  	_ =	shalt  }
0x3f: {  	_ =	shalt  }
0x40: {  	_ =	shalt  }
0x41: {  	_ =	shalt  }
0x42: {  	_ =	shalt  }
0x43: {  	_ =	shalt  }
0x44: {  	_ =	shalt  }
0x45: {  	_ =	shalt  }
0x46: {  	_ =	shalt  }
0x47: {  	_ =	shalt  }
0x48: {  	_ =	shalt  }
0x49: {  	_ =	shalt  }
0x4a: {  	_ =	shalt  }
0x4b: {  	_ =	shalt  }
0x4c: {  	_ =	shalt  }
0x4d: {  	_ =	shalt  }
0x4e: {  	_ =	shalt  }
0x4f: {  	_ =	shalt  }
0x50: {  	_ =	shalt  }
0x51: {  	_ =	shalt  }
0x52: {  	_ =	shalt  }
0x53: {  	_ =	shalt  }
0x54: {  	_ =	shalt  }
0x55: {  	_ =	shalt  }
0x56: {  	_ =	shalt  }
0x57: {  	_ =	shalt  }
0x58: {  	_ =	shalt  }
0x59: {  	_ =	shalt  }
0x5a: {  	_ =	shalt  }
0x5b: {  	_ =	shalt  }
0x5c: {  	_ =	shalt  }
0x5d: {  	_ =	shalt  }
0x5e: {  	_ =	shalt  }
0x5f: {  	_ =	shalt  }
0x60: {  	_ =	shalt  }
0x61: {  	_ =	shalt  }
0x62: {  	_ =	shalt  }
0x63: {  	_ =	shalt  }
0x64: {  	_ =	shalt  }
0x65: {  	_ =	shalt  }
0x66: {  	_ =	shalt  }
0x67: {  	_ =	shalt  }
0x68: {  	_ =	shalt  }
0x69: {  	_ =	shalt  }
0x6a: {  	_ =	shalt  }
0x6b: {  	_ =	shalt  }
0x6c: {  	_ =	shalt  }
0x6d: {  	_ =	shalt  }
0x6e: {  	_ =	shalt  }
0x6f: {  	_ =	shalt  }
0x70: {  	_ =	shalt  }
0x71: {  	_ =	shalt  }
0x72: {  	_ =	shalt  }
0x73: {  	_ =	shalt  }
0x74: {  	_ =	shalt  }
0x75: {  	_ =	shalt  }
0x76: {  	_ =	shalt  }
0x77: {  	_ =	shalt  }
0x78: {  	_ =	shalt  }
0x79: {  	_ =	shalt  }
0x7a: {  	_ =	shalt  }
0x7b: {  	_ =	shalt  }
0x7c: {  	_ =	shalt  }
0x7d: {  	_ =	shalt  }
0x7e: {  	_ =	shalt  }
0x7f: {  	_ =	shalt  }
0x80: {  	_ =	shalt  }
0x81: {  	_ =	shalt  }
0x82: {  	_ =	shalt  }
0x83: {  	_ =	shalt  }
0x84: {  	_ =	shalt  }
0x85: {  	_ =	shalt  }
0x86: {  	_ =	shalt  }
0x87: {  	_ =	shalt  }
.Lfunc_end0:
.L_simem_size_0:
called_computation.2_lowered:
.L_overlay_start_0:
0x88: {  	s2 =	sld [smem:$0x3FD9]  }
0x89: {  	s3 =	sld [smem:$0x3FFE];
	_ =	sdelay $0x1  }
0x8a: {  	s1 =	srdreg.scid  }
0x8b: {  	s0 =	sand.u32 $0x1, s1  }
0x8c: {  	s14 =	sshll.u32 s0, $0xA;
	s2 =	sadd.s32 s3, s2  }
0x8d: {  	s2 =	sadd.s32 s2, s14  }
0x8e: {  	[smem:$0x3FC1] =	sst s2  }
0x8f: {  	_ = 	snop  }
0x90: {  	s2 =	sld [smem:$0x3FD0];
	_ =	sdelay $0x2  }
0x91: {  	s15 =	simm.s32 $0xA;
	s4 =	simm.s32 $0x10  }
0x92: {  	[smem:s4], [sflag:s15] =	dma.local [hbm:s2], $0x1  }
0x93: {  	_ =	swait.eq [sflag:s15], $0x1  }
0x94: {  	[sflag:s15] =	ssyncset.done $0x0  }
0x95: {  	[sflag:s15] =	ssyncadd.s32 $0xFFFFFFFF  }
0x96: {  	s16 =	sld [smem:$0x11];
	(tm) =	ssettm $0x1  }
0x97: {  	s17 =	sld [smem:$0x3FFB];
	_ =	sdelay $0x3  }
0x98: {  	_ =	strace s17  }
0x99: {  	s3 =	sld [smem:$0x3FFC];
	_ =	sdelay $0x3  }
0x9a: {  	_ =	strace s3  }
0x9b: {  	s3 =	sld [smem:$0x3FFD];
	_ =	sdelay $0x3  }
0x9c: {  	_ =	strace s3  }
0x9d: {  	_ =	strace $0x8FFFFFFF  }
0x9e: {  	s18 =	sld [smem:$0x3FDB];
	_ =	sdelay $0x1  }
0x9f: {  	s19 =	simm.s32 $_scs_section_size  }
0xa0: {  	s5 =	simm.s32 $_size__tile_overlayer_lowered;
	s6 =	simm.s32 $_tile_overlayer_lowered  }
0xa1: {  	s22 =	simm.s32 $0x1BFF;
	s21 =	sshll.u32 s6, $0x1;
	s3 =	sadd.s32 s19, s18  }
0xa2: {  	s7 =	simm.s32 $0x0;
	s20 =	sshll.u32 s5, $0x1;
	s5 =	sadd.s32 s21, s3  }
0xa3: {  	[timem:s7], [sflag:s22] =	dma.local [hbm:s5], s20  }
0xa4: {  	_ =	swait.ge [sflag:s22], s20  }
0xa5: {  	s4 =	ssub.s32 $0x0, s20;
	[sflag:s22] =	ssyncset.done $0x0  }
0xa6: {  	[sflag:s22] =	ssyncadd.s32 s4;
	_ =	sdelay $0x1  }
0xa7: {  	s23 =	simm.s32 $0x1B8B  }
0xa8: {  	_ =	swait.ge [sflag:s23], $0x1  }
0xa9: {  	[sflag:s23] =	ssyncset.done $0x0  }
0xaa: {  	s25 =	simm.s32 $0x1B8E;
	s24 =	sld [smem:$0x3FFE];
	[sflag:s23] =	ssyncadd.s32 $0xFFFFFFFF  }
0xab: {  	s26 =	simm.s32 $execute0_lowered;
	[smem:$0x3FD2] =	sst s25  }
0xac: {  	s5 =	sshll.u32 s26, $0x1;
	_ =	strace $0x8000004C;
	[dreg:$0x1] =	wrdreg $0xFFFFFFFF  }
0xad: {  	s28 =	simm.s32 $_size_execute0_lowered;
	s3 =	sadd.s32 s3, s5;
	[dreg:$0x0] =	wrdreg $0x0  }
0xae: {  	s5 =	sshll.u32 s28, $0x1;
	[dreg:$0x2] =	wrdreg s3  }
0xaf: {  	[dreg:$0x3] =	wrdreg s5  }
0xb0: {  	[dreg:$0x4] =	wrdreg $0xC0  }
0xb1: {  	_ =	task [dreg:s7], $0x5FFFF  }
0xb2: {  	[dreg:$0x1] =	wrdreg $0xFFFFFFFF  }
0xb3: {  	[dreg:$0x0] =	wrdreg $0x60  }
0xb4: {  	[dreg:$0x2] =	wrdreg s24  }
0xb5: {  	[dreg:$0x3] =	wrdreg s16  }
0xb6: {  	[dreg:$0x4] =	wrdreg $0x0  }
0xb7: {  	[dreg:$0x5] =	wrdreg $0x9  }
0xb8: {  	_ =	task.clear_ibuf [dreg:s7], $0x6FFFF;
	_ =	strace $0x9000004C  }
0xb9: {  	s29 =	simm.s32 $0x9;
	_ =	strace $0x8000004E  }
0xba: {  	_ =	swait.ge [sflag:s29], $0x1  }
0xbb: {  	[sflag:s29] =	ssyncadd.s32 $0xFFFFFFFF  }
0xbc: {  	_ =	strace $0x9000004E  }
0xbd: {  	_ =	sfence  }
0xbe: {  	s30 =	sld [smem:$0x0];
	_ =	sdelay $0x2  }
0xbf: {  	s31 =	sshll.u32 s1, $0xD;
	s1 =	sshrl.u32 s1, $0x2  }
0xc0: {  	s3 =	sand.u32 $0x4000, s31;
	s1 =	sadd.s32 s1, s30  }
0xc1: {  	s0 =	sor.u32 s3, s0;
	s1 =	sshll.u32 s1, $0x11  }
0xc2: {  	s0 =	sor.u32 s1, s0  }
0xc3: {  	s0 =	sadd.s32 $0x8F2B, s0  }
0xc4: {  	[sflag:s0] =	ssyncadd.remote.s32 $0x1  }
0xc5: {  	_ =	sfence.sel $0xFFFF  }
0xc6: {  	[dreg:$0x0] =	wrdreg $0xFFFFFFFF;
	(pc) =	sbr.abs _section_cstart, $3  }
0xc7: {  	[dreg:$0x1] =	wrdreg $0xFFFFFFFF  }
0xc8: {  	_ =	task.clear_ibuf [dreg:s7], $0x2FFFF;
	_ =	strace $0x9FFFFFFF  }
0xc9: {  	(tm) =	ssettm $0x7FFFFFFF  }
tec
execute0_lowered:
.L_overlay_start_1:
0x0: {  	(tag) =	ssettag $0x1  }
0x1: {  	s0 =	rddreg [dreg:$0x0]  }
0x2: {  	s1 =	rddreg [dreg:$0x1]  }
0x3: {  	s2 =	rddreg [dreg:$0x2]  }
0x4: {  	s4 =	srdreg.scid;
	s11 =	stileid.u32  }
0x5: {  	s3 =	simm.s32 $0x0;
	s12 =	simm.s32 $0x14000;
	s13 =	simm.s32 $0x14400  }
0x6: {  	s14 =	simm.s32 $0x80;
	s15 =	simm.s32 $0x14800;
	s16 =	simm.s32 $0x14080  }
0x7: {  	s17 =	simm.s32 $0x18800;
	s18 =	simm.s32 $0x1;
	s19 =	simm.s32 $0x14100  }
0x8: {  	s20 =	simm.s32 $0x2;
	s21 =	simm.s32 $0x14480;
	s28 =	simm.s32 $0x14600  }
0x9: {  	s29 =	simm.s32 $0x14300;
	s30 =	simm.s32 $0x14680;
	s6 =	smul.u32 $0x14000, s11  }
0xa: {  	s31 =	simm.s32 $0x14380;
	s5 =	sand.u32 $0x1, s4;
	s9 =	smul.u32 $0x50000, s11  }
0xb: {  	[smem:$0x7FF] =	sst s3;
	s4 =	sadd.s32 $0x20600, s0;
	s24 =	smul.u32 $0x500, s11  }
0xc: {  	s11 =	sshll.u32 s11, $0x6;
	s7 =	smul.u32 $0x140000, s5;
	_ =	strace $0x8000004D  }
0xd: {  	s8 =	smul.u32 $0x5000, s5;
	s5 =	ssub.s32 $0x2, s5;
	s11 =	sor.u32 $0x1C03, s11  }
0xe: {  	s22 =	sshrl.u32 s5, $0x1;
	s23 =	sshrl.u32 s9, $0x2;
	s7 =	sadd.s32 s6, s7  }
0xf: {  	s10 =	sadd.s32 s8, s0;
	s5 =	ssub.s32 s5, s22;
	s6 =	sshrl.u32 s6, $0x3  }
0x10: {  	s1 =	sadd.s32 s8, s1;
	s22 =	simm.s32 $0x14180;
	s8 =	simm.s32 $0x0  }
0x11: {  	s7 =	sshrl.u32 s7, $0x3;
	s6 =	sadd.s32 s4, s6;
	s25 =	sadd.s32 s24, s10  }
0x12: {  	s5 =	smax.u32 s5, $0x1;
	s9 =	sadd.s32 s24, s1;
	s24 =	simm.s32 $0x14200  }
0x13: {  	s1 =	simm.s32 $0x14780;
	s0 =	sadd.s32 s7, s0;
	[dreg:$0x5] =	wrdreg s6  }
0x14: {  	s7 =	sadd.s32 s23, s2;
	s26 =	sadd.s32 $0x16600, s25;
	[dreg:$0x8] =	wrdreg s5  }
0x15: {  	s6 =	smov.u32 s11;
	s11 =	simm.s32 $0x3;
	[dreg:$0x4] =	wrdreg s26  }
0x16: {  	s23 =	simm.s32 $0x14500;
	s0 =	sadd.s32 $0xE8600, s0;
	[dreg:$0x6] =	wrdreg s6  }
0x17: {  	s25 =	simm.s32 $0x14580;
	s7 =	sshrl.u32 s7, $0x3;
	[dreg:$0x7] =	wrdreg s0  }
0x18: {  	s26 =	simm.s32 $0x14280;
	s0 =	simm.s32 $0x14700;
	[dreg:$0x9] =	wrdreg s7  }
.LBB2_1:
0x19: {  	[dreg:$0xa] =	wrdreg s8  }
0x1a: {  	s5 =	rddreg [dreg:$0x5]  }
0x1b: {  	[spmem:s7], [sflag:s6] =	dma.local [hbm:s5], $0x2800  }
0x1c: {  	_ =	swait.ge [sflag:s11], $0x2800  }
0x1d: {  	[sflag:s11] =	ssyncset.done $0x0  }
0x1e: {  	[sflag:s11] =	ssyncadd.s32 $0xFFFFD800  }
0x1f: {  	s8 =	sadd.s32 $0x0, s9;
	[bflag:$0x0] =	sbarrier.arrive $0xFFFF  }
0x20: {  	[tilespmem:s12], [sflag:$0x3] =	stream.linear.gather [hbm4b:s8+s3], $0x400, $0x38;
	[tilespmem:$0x1C800] =	vst v63  }
0x21: {  	_ =	swait.ge [sflag:s11], $0x400  }
0x22: {  	s10 =	rddreg [dreg:$0x4];
	[sflag:s11] =	ssyncset.done $0x0  }
0x23: {  	[sflag:s11] =	ssyncadd.s32 $0xFFFFFC00;
	s6 =	sadd.s32 $0x0, s10  }
0x24: {  	[tilespmem:s13], [sflag:$0x3] =	stream.linear.gather [hbm4b:s6+s3], $0x400, $0x38;
	[tilespmem:$0x1C800] =	vst v63  }
0x25: {  	_ =	swait.ge [sflag:s11], $0x400  }
0x26: {  	[sflag:s11] =	ssyncset.done $0x0  }
0x27: {  	[sflag:s11] =	ssyncadd.s32 $0xFFFFFC00  }
0x28: {  	[tilespmem:s15], [sflag:$0x1] =	stream.indirect.gather [hbm4b:s4+s14], $0x80, s12, s14, $0xb8;
	[tilespmem:$0x1C800] =	vst v63  }
0x29: {  	_ = 	snop  }
0x2a: {  	[tilespmem:s17], [sflag:$0x2] =	stream.indirect.gather [hbm4b:s4+s14], $0x80, s16, s14, $0xb8;
	[tilespmem:$0x1C800] =	vst v63  }
0x2b: {  	_ =	swait.ge [sflag:s18], $0x4000  }
0x2c: {  	[sflag:s18] =	ssyncset.done $0x0  }
0x2d: {  	[sflag:s18] =	ssyncadd.s32 $0xFFFFC000  }
0x2e: {  	[spmem:s2] =	stream.indirect.scatter.add.f32 [tilespmem:s15], [sflag:$0x3], $0x80, s13, s14, $0xb8;
	[tilespmem:$0x1C800] =	vst v63  }
0x2f: {  	_ =	swait.ge [sflag:s11], $0x4000  }
0x30: {  	[sflag:s11] =	ssyncset.done $0x0  }
0x31: {  	[sflag:s11] =	ssyncadd.s32 $0xFFFFC000  }
0x32: {  	[tilespmem:s15], [sflag:$0x1] =	stream.indirect.gather [hbm4b:s4+s14], $0x80, s19, s14, $0xb8;
	[tilespmem:$0x1C800] =	vst v63  }
0x33: {  	_ =	swait.ge [sflag:s20], $0x4000  }
0x34: {  	[sflag:s20] =	ssyncset.done $0x0  }
0x35: {  	[sflag:s20] =	ssyncadd.s32 $0xFFFFC000  }
0x36: {  	[spmem:s2] =	stream.indirect.scatter.add.f32 [tilespmem:s17], [sflag:$0x3], $0x80, s21, s14, $0xb8;
	[tilespmem:$0x1C800] =	vst v63  }
0x37: {  	_ =	swait.ge [sflag:s11], $0x4000  }
0x38: {  	[sflag:s11] =	ssyncset.done $0x0  }
0x39: {  	[sflag:s11] =	ssyncadd.s32 $0xFFFFC000  }
0x3a: {  	[tilespmem:s17], [sflag:$0x2] =	stream.indirect.gather [hbm4b:s4+s14], $0x80, s22, s14, $0xb8;
	[tilespmem:$0x1C800] =	vst v63  }
0x3b: {  	_ =	swait.ge [sflag:s18], $0x4000  }
0x3c: {  	[sflag:s18] =	ssyncset.done $0x0  }
0x3d: {  	[sflag:s18] =	ssyncadd.s32 $0xFFFFC000  }
0x3e: {  	[spmem:s2] =	stream.indirect.scatter.add.f32 [tilespmem:s15], [sflag:$0x3], $0x80, s23, s14, $0xb8;
	[tilespmem:$0x1C800] =	vst v63  }
0x3f: {  	_ =	swait.ge [sflag:s11], $0x4000  }
0x40: {  	[sflag:s11] =	ssyncset.done $0x0  }
0x41: {  	[sflag:s11] =	ssyncadd.s32 $0xFFFFC000  }
0x42: {  	[tilespmem:s15], [sflag:$0x1] =	stream.indirect.gather [hbm4b:s4+s14], $0x80, s24, s14, $0xb8;
	[tilespmem:$0x1C800] =	vst v63  }
0x43: {  	_ =	swait.ge [sflag:s20], $0x4000  }
0x44: {  	[sflag:s20] =	ssyncset.done $0x0  }
0x45: {  	[sflag:s20] =	ssyncadd.s32 $0xFFFFC000  }
0x46: {  	[spmem:s2] =	stream.indirect.scatter.add.f32 [tilespmem:s17], [sflag:$0x3], $0x80, s25, s14, $0xb8;
	[tilespmem:$0x1C800] =	vst v63  }
0x47: {  	_ =	swait.ge [sflag:s11], $0x4000  }
0x48: {  	[sflag:s11] =	ssyncset.done $0x0  }
0x49: {  	[sflag:s11] =	ssyncadd.s32 $0xFFFFC000  }
0x4a: {  	[tilespmem:s17], [sflag:$0x2] =	stream.indirect.gather [hbm4b:s4+s14], $0x80, s26, s14, $0xb8;
	[tilespmem:$0x1C800] =	vst v63  }
0x4b: {  	_ =	swait.ge [sflag:s18], $0x4000  }
0x4c: {  	[sflag:s18] =	ssyncset.done $0x0  }
0x4d: {  	[sflag:s18] =	ssyncadd.s32 $0xFFFFC000  }
0x4e: {  	[spmem:s2] =	stream.indirect.scatter.add.f32 [tilespmem:s15], [sflag:$0x3], $0x80, s28, s14, $0xb8;
	[tilespmem:$0x1C800] =	vst v63  }
0x4f: {  	_ =	swait.ge [sflag:s11], $0x4000  }
0x50: {  	[sflag:s11] =	ssyncset.done $0x0  }
0x51: {  	[sflag:s11] =	ssyncadd.s32 $0xFFFFC000  }
0x52: {  	[tilespmem:s15], [sflag:$0x1] =	stream.indirect.gather [hbm4b:s4+s14], $0x80, s29, s14, $0xb8;
	[tilespmem:$0x1C800] =	vst v63  }
0x53: {  	_ =	swait.ge [sflag:s20], $0x4000  }
0x54: {  	[sflag:s20] =	ssyncset.done $0x0  }
0x55: {  	[sflag:s20] =	ssyncadd.s32 $0xFFFFC000  }
0x56: {  	[spmem:s2] =	stream.indirect.scatter.add.f32 [tilespmem:s17], [sflag:$0x3], $0x80, s30, s14, $0xb8;
	[tilespmem:$0x1C800] =	vst v63  }
0x57: {  	_ =	swait.ge [sflag:s11], $0x4000  }
0x58: {  	[sflag:s11] =	ssyncset.done $0x0  }
0x59: {  	[sflag:s11] =	ssyncadd.s32 $0xFFFFC000  }
0x5a: {  	[tilespmem:s17], [sflag:$0x2] =	stream.indirect.gather [hbm4b:s4+s14], $0x80, s31, s14, $0xb8;
	[tilespmem:$0x1C800] =	vst v63  }
0x5b: {  	_ =	swait.ge [sflag:s18], $0x4000  }
0x5c: {  	[sflag:s18] =	ssyncset.done $0x0  }
0x5d: {  	[sflag:s18] =	ssyncadd.s32 $0xFFFFC000  }
0x5e: {  	[spmem:s2] =	stream.indirect.scatter.add.f32 [tilespmem:s15], [sflag:$0x3], $0x80, s0, s14, $0xb8;
	[tilespmem:$0x1C800] =	vst v63  }
0x5f: {  	_ =	swait.ge [sflag:s11], $0x4000  }
0x60: {  	[sflag:s11] =	ssyncset.done $0x0  }
0x61: {  	[sflag:s11] =	ssyncadd.s32 $0xFFFFC000  }
0x62: {  	_ =	swait.ge [sflag:s20], $0x4000  }
0x63: {  	[sflag:s20] =	ssyncset.done $0x0  }
0x64: {  	[sflag:s20] =	ssyncadd.s32 $0xFFFFC000  }
0x65: {  	[spmem:s2] =	stream.indirect.scatter.add.f32 [tilespmem:s17], [sflag:$0x3], $0x80, s1, s14, $0xb8;
	[tilespmem:$0x1C800] =	vst v63  }
0x66: {  	_ =	swait.ge [sflag:s11], $0x4000  }
0x67: {  	s7 =	simm.s32 $0x80;
	s8 =	simm.s32 $0x100;
	[sflag:s11] =	ssyncset.done $0x0  }
.LBB2_2:
0x68: {  	s10 =	sadd.s32 s7, s9;
	[sflag:s11] =	ssyncadd.s32 $0xFFFFC000  }
0x69: {  	[tilespmem:s12], [sflag:$0x3] =	stream.linear.gather [hbm4b:s10+s3], $0x400, $0x38;
	[tilespmem:$0x1C800] =	vst v63  }
0x6a: {  	s5 =	smov.u32 s8;
	_ =	swait.ge [sflag:s11], $0x400  }
0x6b: {  	s6 =	sadd.s32 $0x80, s8;
	s10 =	rddreg [dreg:$0x4];
	[sflag:s11] =	ssyncset.done $0x0  }
0x6c: {  	p0 =	sne.s32 s8, $0x480;
	[sflag:s11] =	ssyncadd.s32 $0xFFFFFC00;
	s8 =	sadd.s32 s7, s10  }
0x6d: {  	[tilespmem:s13], [sflag:$0x3] =	stream.linear.gather [hbm4b:s8+s3], $0x400, $0x38;
	[tilespmem:$0x1C800] =	vst v63  }
0x6e: {  	_ =	swait.ge [sflag:s11], $0x400  }
0x6f: {  	[sflag:s11] =	ssyncset.done $0x0  }
0x70: {  	[sflag:s11] =	ssyncadd.s32 $0xFFFFFC00  }
0x71: {  	[tilespmem:s15], [sflag:$0x1] =	stream.indirect.gather [hbm4b:s4+s14], $0x80, s12, s14, $0xb8;
	[tilespmem:$0x1C800] =	vst v63  }
0x72: {  	_ = 	snop  }
0x73: {  	[tilespmem:s17], [sflag:$0x2] =	stream.indirect.gather [hbm4b:s4+s14], $0x80, s16, s14, $0xb8;
	[tilespmem:$0x1C800] =	vst v63  }
0x74: {  	_ =	swait.ge [sflag:s18], $0x4000  }
0x75: {  	[sflag:s18] =	ssyncset.done $0x0  }
0x76: {  	[sflag:s18] =	ssyncadd.s32 $0xFFFFC000  }
0x77: {  	[spmem:s2] =	stream.indirect.scatter.add.f32 [tilespmem:s15], [sflag:$0x3], $0x80, s13, s14, $0xb8;
	[tilespmem:$0x1C800] =	vst v63  }
0x78: {  	_ =	swait.ge [sflag:s11], $0x4000  }
0x79: {  	[sflag:s11] =	ssyncset.done $0x0  }
0x7a: {  	[sflag:s11] =	ssyncadd.s32 $0xFFFFC000  }
0x7b: {  	[tilespmem:s15], [sflag:$0x1] =	stream.indirect.gather [hbm4b:s4+s14], $0x80, s19, s14, $0xb8;
	[tilespmem:$0x1C800] =	vst v63  }
0x7c: {  	_ =	swait.ge [sflag:s20], $0x4000  }
0x7d: {  	[sflag:s20] =	ssyncset.done $0x0  }
0x7e: {  	[sflag:s20] =	ssyncadd.s32 $0xFFFFC000  }
0x7f: {  	[spmem:s2] =	stream.indirect.scatter.add.f32 [tilespmem:s17], [sflag:$0x3], $0x80, s21, s14, $0xb8;
	[tilespmem:$0x1C800] =	vst v63  }
0x80: {  	_ =	swait.ge [sflag:s11], $0x4000  }
0x81: {  	[sflag:s11] =	ssyncset.done $0x0  }
0x82: {  	[sflag:s11] =	ssyncadd.s32 $0xFFFFC000  }
0x83: {  	[tilespmem:s17], [sflag:$0x2] =	stream.indirect.gather [hbm4b:s4+s14], $0x80, s22, s14, $0xb8;
	[tilespmem:$0x1C800] =	vst v63  }
0x84: {  	_ =	swait.ge [sflag:s18], $0x4000  }
0x85: {  	[sflag:s18] =	ssyncset.done $0x0  }
0x86: {  	[sflag:s18] =	ssyncadd.s32 $0xFFFFC000  }
0x87: {  	[spmem:s2] =	stream.indirect.scatter.add.f32 [tilespmem:s15], [sflag:$0x3], $0x80, s23, s14, $0xb8;
	[tilespmem:$0x1C800] =	vst v63  }
0x88: {  	_ =	swait.ge [sflag:s11], $0x4000  }
0x89: {  	[sflag:s11] =	ssyncset.done $0x0  }
0x8a: {  	[sflag:s11] =	ssyncadd.s32 $0xFFFFC000  }
0x8b: {  	[tilespmem:s15], [sflag:$0x1] =	stream.indirect.gather [hbm4b:s4+s14], $0x80, s24, s14, $0xb8;
	[tilespmem:$0x1C800] =	vst v63  }
0x8c: {  	_ =	swait.ge [sflag:s20], $0x4000  }
0x8d: {  	[sflag:s20] =	ssyncset.done $0x0  }
0x8e: {  	[sflag:s20] =	ssyncadd.s32 $0xFFFFC000  }
0x8f: {  	[spmem:s2] =	stream.indirect.scatter.add.f32 [tilespmem:s17], [sflag:$0x3], $0x80, s25, s14, $0xb8;
	[tilespmem:$0x1C800] =	vst v63  }
0x90: {  	_ =	swait.ge [sflag:s11], $0x4000  }
0x91: {  	[sflag:s11] =	ssyncset.done $0x0  }
0x92: {  	[sflag:s11] =	ssyncadd.s32 $0xFFFFC000  }
0x93: {  	[tilespmem:s17], [sflag:$0x2] =	stream.indirect.gather [hbm4b:s4+s14], $0x80, s26, s14, $0xb8;
	[tilespmem:$0x1C800] =	vst v63  }
0x94: {  	_ =	swait.ge [sflag:s18], $0x4000  }
0x95: {  	[sflag:s18] =	ssyncset.done $0x0  }
0x96: {  	[sflag:s18] =	ssyncadd.s32 $0xFFFFC000  }
0x97: {  	[spmem:s2] =	stream.indirect.scatter.add.f32 [tilespmem:s15], [sflag:$0x3], $0x80, s28, s14, $0xb8;
	[tilespmem:$0x1C800] =	vst v63  }
0x98: {  	_ =	swait.ge [sflag:s11], $0x4000  }
0x99: {  	[sflag:s11] =	ssyncset.done $0x0  }
0x9a: {  	[sflag:s11] =	ssyncadd.s32 $0xFFFFC000  }
0x9b: {  	[tilespmem:s15], [sflag:$0x1] =	stream.indirect.gather [hbm4b:s4+s14], $0x80, s29, s14, $0xb8;
	[tilespmem:$0x1C800] =	vst v63  }
0x9c: {  	_ =	swait.ge [sflag:s20], $0x4000  }
0x9d: {  	[sflag:s20] =	ssyncset.done $0x0  }
0x9e: {  	[sflag:s20] =	ssyncadd.s32 $0xFFFFC000  }
0x9f: {  	[spmem:s2] =	stream.indirect.scatter.add.f32 [tilespmem:s17], [sflag:$0x3], $0x80, s30, s14, $0xb8;
	[tilespmem:$0x1C800] =	vst v63  }
0xa0: {  	_ =	swait.ge [sflag:s11], $0x4000  }
0xa1: {  	[sflag:s11] =	ssyncset.done $0x0  }
0xa2: {  	[sflag:s11] =	ssyncadd.s32 $0xFFFFC000  }
0xa3: {  	[tilespmem:s17], [sflag:$0x2] =	stream.indirect.gather [hbm4b:s4+s14], $0x80, s31, s14, $0xb8;
	[tilespmem:$0x1C800] =	vst v63  }
0xa4: {  	_ =	swait.ge [sflag:s18], $0x4000  }
0xa5: {  	[sflag:s18] =	ssyncset.done $0x0  }
0xa6: {  	[sflag:s18] =	ssyncadd.s32 $0xFFFFC000  }
0xa7: {  	[spmem:s2] =	stream.indirect.scatter.add.f32 [tilespmem:s15], [sflag:$0x3], $0x80, s0, s14, $0xb8;
	[tilespmem:$0x1C800] =	vst v63  }
0xa8: {  	_ =	swait.ge [sflag:s11], $0x4000  }
0xa9: {  	[sflag:s11] =	ssyncset.done $0x0  }
0xaa: {  	[sflag:s11] =	ssyncadd.s32 $0xFFFFC000  }
0xab: {  	_ =	swait.ge [sflag:s20], $0x4000  }
.Ltmp0:
0xac: {  	[sflag:s20] =	ssyncset.done $0x0;
	(pc) =	sbr.rel @p0 .LBB2_2-.Ltmp0, $4  }
0xad: {  	[sflag:s20] =	ssyncadd.s32 $0xFFFFC000  }
0xae: {  	[spmem:s2] =	stream.indirect.scatter.add.f32 [tilespmem:s17], [sflag:$0x3], $0x80, s1, s14, $0xb8;
	[tilespmem:$0x1C800] =	vst v63  }
0xaf: {  	_ =	swait.ge [sflag:s11], $0x4000  }
0xb0: {  	s7 =	smov.u32 s5;
	s8 =	smov.u32 s6;
	[sflag:s11] =	ssyncset.done $0x0  }
0xb1: {  	s5 =	sadd.s32 s7, s9;
	[sflag:s11] =	ssyncadd.s32 $0xFFFFC000  }
0xb2: {  	[tilespmem:s12], [sflag:$0x3] =	stream.linear.gather [hbm4b:s5+s3], $0x400, $0x38;
	[tilespmem:$0x1C800] =	vst v63  }
0xb3: {  	_ =	swait.ge [sflag:s11], $0x400  }
0xb4: {  	s6 =	rddreg [dreg:$0x4];
	[sflag:s11] =	ssyncset.done $0x0  }
0xb5: {  	s5 =	sadd.s32 s7, s6;
	[sflag:s11] =	ssyncadd.s32 $0xFFFFFC00  }
0xb6: {  	[tilespmem:s13], [sflag:$0x3] =	stream.linear.gather [hbm4b:s5+s3], $0x400, $0x38;
	[tilespmem:$0x1C800] =	vst v63  }
0xb7: {  	_ =	swait.ge [sflag:s11], $0x400  }
0xb8: {  	[sflag:s11] =	ssyncset.done $0x0  }
0xb9: {  	[sflag:s11] =	ssyncadd.s32 $0xFFFFFC00  }
0xba: {  	[tilespmem:s15], [sflag:$0x1] =	stream.indirect.gather [hbm4b:s4+s14], $0x80, s12, s14, $0xb8;
	[tilespmem:$0x1C800] =	vst v63  }
0xbb: {  	_ = 	snop  }
0xbc: {  	[tilespmem:s17], [sflag:$0x2] =	stream.indirect.gather [hbm4b:s4+s14], $0x80, s16, s14, $0xb8;
	[tilespmem:$0x1C800] =	vst v63  }
0xbd: {  	_ =	swait.ge [sflag:s18], $0x4000  }
0xbe: {  	[sflag:s18] =	ssyncset.done $0x0  }
0xbf: {  	[sflag:s18] =	ssyncadd.s32 $0xFFFFC000  }
0xc0: {  	[spmem:s2] =	stream.indirect.scatter.add.f32 [tilespmem:s15], [sflag:$0x3], $0x80, s13, s14, $0xb8;
	[tilespmem:$0x1C800] =	vst v63  }
0xc1: {  	_ =	swait.ge [sflag:s11], $0x4000  }
0xc2: {  	[sflag:s11] =	ssyncset.done $0x0  }
0xc3: {  	[sflag:s11] =	ssyncadd.s32 $0xFFFFC000  }
0xc4: {  	[tilespmem:s15], [sflag:$0x1] =	stream.indirect.gather [hbm4b:s4+s14], $0x80, s19, s14, $0xb8;
	[tilespmem:$0x1C800] =	vst v63  }
0xc5: {  	_ =	swait.ge [sflag:s20], $0x4000  }
0xc6: {  	[sflag:s20] =	ssyncset.done $0x0  }
0xc7: {  	[sflag:s20] =	ssyncadd.s32 $0xFFFFC000  }
0xc8: {  	[spmem:s2] =	stream.indirect.scatter.add.f32 [tilespmem:s17], [sflag:$0x3], $0x80, s21, s14, $0xb8;
	[tilespmem:$0x1C800] =	vst v63  }
0xc9: {  	_ =	swait.ge [sflag:s11], $0x4000  }
0xca: {  	[sflag:s11] =	ssyncset.done $0x0  }
0xcb: {  	[sflag:s11] =	ssyncadd.s32 $0xFFFFC000  }
0xcc: {  	[tilespmem:s17], [sflag:$0x2] =	stream.indirect.gather [hbm4b:s4+s14], $0x80, s22, s14, $0xb8;
	[tilespmem:$0x1C800] =	vst v63  }
0xcd: {  	_ =	swait.ge [sflag:s18], $0x4000  }
0xce: {  	[sflag:s18] =	ssyncset.done $0x0  }
0xcf: {  	[sflag:s18] =	ssyncadd.s32 $0xFFFFC000  }
0xd0: {  	[spmem:s2] =	stream.indirect.scatter.add.f32 [tilespmem:s15], [sflag:$0x3], $0x80, s23, s14, $0xb8;
	[tilespmem:$0x1C800] =	vst v63  }
0xd1: {  	_ =	swait.ge [sflag:s11], $0x4000  }
0xd2: {  	[sflag:s11] =	ssyncset.done $0x0  }
0xd3: {  	[sflag:s11] =	ssyncadd.s32 $0xFFFFC000  }
0xd4: {  	[tilespmem:s15], [sflag:$0x1] =	stream.indirect.gather [hbm4b:s4+s14], $0x80, s24, s14, $0xb8;
	[tilespmem:$0x1C800] =	vst v63  }
0xd5: {  	_ =	swait.ge [sflag:s20], $0x4000  }
0xd6: {  	[sflag:s20] =	ssyncset.done $0x0  }
0xd7: {  	[sflag:s20] =	ssyncadd.s32 $0xFFFFC000  }
0xd8: {  	[spmem:s2] =	stream.indirect.scatter.add.f32 [tilespmem:s17], [sflag:$0x3], $0x80, s25, s14, $0xb8;
	[tilespmem:$0x1C800] =	vst v63  }
0xd9: {  	_ =	swait.ge [sflag:s11], $0x4000  }
0xda: {  	[sflag:s11] =	ssyncset.done $0x0  }
0xdb: {  	[sflag:s11] =	ssyncadd.s32 $0xFFFFC000  }
0xdc: {  	[tilespmem:s17], [sflag:$0x2] =	stream.indirect.gather [hbm4b:s4+s14], $0x80, s26, s14, $0xb8;
	[tilespmem:$0x1C800] =	vst v63  }
0xdd: {  	_ =	swait.ge [sflag:s18], $0x4000  }
0xde: {  	[sflag:s18] =	ssyncset.done $0x0  }
0xdf: {  	[sflag:s18] =	ssyncadd.s32 $0xFFFFC000  }
0xe0: {  	[spmem:s2] =	stream.indirect.scatter.add.f32 [tilespmem:s15], [sflag:$0x3], $0x80, s28, s14, $0xb8;
	[tilespmem:$0x1C800] =	vst v63  }
0xe1: {  	_ =	swait.ge [sflag:s11], $0x4000  }
0xe2: {  	[sflag:s11] =	ssyncset.done $0x0  }
0xe3: {  	[sflag:s11] =	ssyncadd.s32 $0xFFFFC000  }
0xe4: {  	[tilespmem:s15], [sflag:$0x1] =	stream.indirect.gather [hbm4b:s4+s14], $0x80, s29, s14, $0xb8;
	[tilespmem:$0x1C800] =	vst v63  }
0xe5: {  	_ =	swait.ge [sflag:s20], $0x4000  }
0xe6: {  	[sflag:s20] =	ssyncset.done $0x0  }
0xe7: {  	[sflag:s20] =	ssyncadd.s32 $0xFFFFC000  }
0xe8: {  	[spmem:s2] =	stream.indirect.scatter.add.f32 [tilespmem:s17], [sflag:$0x3], $0x80, s30, s14, $0xb8;
	[tilespmem:$0x1C800] =	vst v63  }
0xe9: {  	_ =	swait.ge [sflag:s11], $0x4000  }
0xea: {  	[sflag:s11] =	ssyncset.done $0x0  }
0xeb: {  	[sflag:s11] =	ssyncadd.s32 $0xFFFFC000  }
0xec: {  	[tilespmem:s17], [sflag:$0x2] =	stream.indirect.gather [hbm4b:s4+s14], $0x80, s31, s14, $0xb8;
	[tilespmem:$0x1C800] =	vst v63  }
0xed: {  	_ =	swait.ge [sflag:s18], $0x4000  }
0xee: {  	[sflag:s18] =	ssyncset.done $0x0  }
0xef: {  	[sflag:s18] =	ssyncadd.s32 $0xFFFFC000  }
0xf0: {  	[spmem:s2] =	stream.indirect.scatter.add.f32 [tilespmem:s15], [sflag:$0x3], $0x80, s0, s14, $0xb8;
	[tilespmem:$0x1C800] =	vst v63  }
0xf1: {  	_ =	swait.ge [sflag:s11], $0x4000  }
0xf2: {  	[sflag:s11] =	ssyncset.done $0x0  }
0xf3: {  	[sflag:s11] =	ssyncadd.s32 $0xFFFFC000  }
0xf4: {  	_ =	swait.ge [sflag:s20], $0x4000  }
0xf5: {  	[sflag:s20] =	ssyncset.done $0x0  }
0xf6: {  	[sflag:s20] =	ssyncadd.s32 $0xFFFFC000  }
0xf7: {  	[spmem:s2] =	stream.indirect.scatter.add.f32 [tilespmem:s17], [sflag:$0x3], $0x80, s1, s14, $0xb8;
	[tilespmem:$0x1C800] =	vst v63  }
0xf8: {  	_ =	swait.ge [sflag:s11], $0x4000  }
0xf9: {  	[sflag:s11] =	ssyncset.done $0x0  }
0xfa: {  	[sflag:s11] =	ssyncadd.s32 $0xFFFFC000  }
0xfb: {  	[bflag:$0x0] =	sbarrier.arrive $0xFFFF  }
0xfc: {  	s6 =	rddreg [dreg:$0x6]  }
0xfd: {  	s8 =	rddreg [dreg:$0x7]  }
0xfe: {  	s7 =	rddreg [dreg:$0x9]  }
0xff: {  	[hbm:s8], [sflag:s6] =	dma.local [spmem:s7], $0x2800  }
0x100: {  	_ =	swait.ge [sflag:s11], $0x2800  }
0x101: {  	s8 =	rddreg [dreg:$0xa]  }
0x102: {  	s10 =	rddreg [dreg:$0x8];
	s8 =	sadd.s32 $0x1, s8  }
0x103: {  	p0 =	sne.s32 s8, s10  }
.Ltmp1:
0x104: {  	_ = 	snop;
	(pc) =	sbr.rel @p0 .LBB2_1-.Ltmp1, $3  }
0x105: {  	_ =	sdelay $0x1  }
0x106: {  	[sflag:s11] =	ssyncset.done $0x0  }
0x107: {  	[sflag:s11] =	ssyncadd.s32 $0xFFFFD800  }
0x108: {  	_ =	sfence.sel $0x180000  }
0x109: {  	[bflag:$0x0] =	sbarrier.arrive $0xFFFF  }
0x10a: {  	_ =	strace $0x9000004D  }
0x10b: {  	s0 =	stileid.u32;
	[bflag:$0x2] =	sbarrier.arrive $0xFFFF  }
0x10c: {  	p0 =	sne.s32 s0, $0x0;
	s0 =	rddreg [dreg:$0x3]  }
0x10d: {  	s0 =	sadd.s32 @!p0 $0x100000, s0  }
0x10e: {  	[sflag:s0] =	ssyncadd.tile.s32 @!p0 $0x1;
	_ =	shalt  }
.Lfunc_end2:
_tile_overlayer_lowered:
.L_overlay_start_2:
0x10f: {  	(tag) =	ssettag $0x2  }
0x110: {  	s0 =	rddreg [dreg:$0x0];
	s2 =	stileid.u32  }
0x111: {  	s1 =	rddreg [dreg:$0x1];
	p0 =	sne.s32 s2, $0x0  }
0x112: {  	s3 =	rddreg [dreg:$0x2];
	[bflag:$0x3] =	sbarrier.arrive $0xFFFF;
	s2 =	simm.s32 @!p0 $0x1C03  }
0x113: {  	[timem:s3], [sflag:s2] =	dma.local @!p0 [hbm:s0], s1  }
0x114: {  	s0 =	simm.s32 @!p0 $0x3  }
0x115: {  	_ =	swait.ge @!p0 [sflag:s0], s1  }
0x116: {  	s1 =	ssub.s32 @!p0 $0x0, s1;
	[sflag:s0] =	ssyncset.done @!p0 $0x0  }
0x117: {  	[sflag:s0] =	ssyncadd.s32 @!p0 s1  }
0x118: {  	[bflag:$0x3] =	sbarrier.arrive $0xFFFF  }
0x119: {  	_ =	shalt  }

// kernel: kernel.9.cloned.1.call-start
scs
__scs_entry_jumppad:
0x0: {  	(pc) =	sbr.rel $0x88, $3  }
0x1: {  	(tag) =	ssettag $0x0;
	lr =	simm.s32 $0x1  }
0x2: {  	[smem:$0x3F9A] =	sst lr;
	_ =	strace $0xD0000000  }
0x3: {  	_ = 	snop  }
0x4: {  	_ = 	snop  }
0x5: {  	_ = 	snop  }
0x6: {  	_ = 	snop  }
0x7: {  	_ = 	snop  }
__scs_overlays_trampoline_lowered:
0x8: {  	[smem:$0x3FA9] =	sst s0  }
0x9: {  	[smem:$0x3FAA] =	sst s1  }
0xa: {  	[smem:$0x3FAB] =	sst s2  }
0xb: {  	[smem:$0x3FAC] =	sst s3  }
0xc: {  	[smem:$0x3FAD] =	sst s4  }
0xd: {  	[smem:$0x3FAE] =	sst s5  }
0xe: {  	[smem:$0x3FAF] =	sst s6  }
0xf: {  	[smem:$0x3FB0] =	sst s7  }
0x10: {  	[smem:$0x3FB1] =	sst s8  }
0x11: {  	[smem:$0x3FB2] =	sst s9;
	s0 =	simm.s32 @!p0 $0x0  }
0x12: {  	s1 =	sld [smem:$0x3F98];
	s0 =	simm.s32 @p0 $0x1  }
0x13: {  	[smem:$0x3FB3] =	sst s0;
	s0 =	simm.s32 @!p1 $0x0  }
0x14: {  	s2 =	sld [smem:$0x3F97];
	s0 =	simm.s32 @p1 $0x1  }
0x15: {  	[smem:$0x3FB4] =	sst s0;
	s0 =	simm.s32 @!p2 $0x0  }
0x16: {  	s3 =	sld [smem:$0x3FDB];
	s0 =	simm.s32 @p2 $0x1  }
0x17: {  	s4 =	simm.s32 $0x1BF5;
	[smem:$0x3FB6] =	sst s0  }
0x18: {  	s0 =	sld [smem:$0x3F99];
	_ =	swait.ge [sflag:s4], $0x0  }
0x19: {  	s7 =	sld [smem:$0x3F9A]  }
0x1a: {  	s8 =	sadd.s32 $0xFFFFE003, lr  }
0x1b: {  	s9 =	sadd.s32 $0xFFFFFEF7, lr;
	s5 =	simm.s32 $0xFFFFFFFF;
	p2 =	slt.u32 s8, $0xFFFFF086  }
0x1c: {  	p1 =	slt.u32 s9, $0xF7A;
	s5 =	simm.s32 @!p2 $0x0  }
0x1d: {  	s5 =	simm.s32 @p1 $0x1;
	p0 =	seq.s32 s7, s2  }
0x1e: {  	s7 =	smul.u32 @!p0 $0xF7A, s2;
	p2 =	seq.s32 @!p0 s5, $0x0  }
0x1f: {  	s9 =	smul.u32 $0xF7A, s1;
	s8 =	simm.s32 @!p0 $0x1BF5;
	p2 =	por !p2, p0  }
0x20: {  	[sflag:s8] =	ssyncset.s32 @!p0 $0xFFFFF086;
	s6 =	sadd.s32 @!p0 s3, s7;
	s7 =	simm.s32 @!p0 $0x108  }
0x21: {  	s3 =	sadd.s32 s3, s9;
	s6 =	sadd.s32 @!p0 $0x88, s6;
	s7 =	simm.s32 @p2 $0x1082  }
0x22: {  	[simem:s7], [sflag:s8] =	dma.local @!p0 [hbm:s6], $0xF7A  }
0x23: {  	s9 =	sor.u32 $0xD0000000, s2;
	s6 =	simm.s32 $0x108;
	_ =	swait.ge @!p0 [sflag:s8], $0x0  }
0x24: {  	s3 =	sadd.s32 $0x88, s3;
	s6 =	simm.s32 @!p1 $0x1082;
	[sflag:s4] =	ssyncset.s32 $0xFFFFF086  }
0x25: {  	[simem:s6], [sflag:s4] =	dma.local [hbm:s3], $0xF7A  }
0x26: {  	[smem:$0x3F9A] =	sst s1;
	(tag) =	ssettag s2;
	_ =	strace s9  }
0x27: {  	s1 =	sld [smem:$0x3FAA]  }
0x28: {  	s2 =	sld [smem:$0x3FAB]  }
0x29: {  	s4 =	sld [smem:$0x3FAD]  }
0x2a: {  	p0 =	seq.s32 s5, $0x0;
	s5 =	sld [smem:$0x3FAE]  }
0x2b: {  	s6 =	sld [smem:$0x3FAF]  }
0x2c: {  	s7 =	sld [smem:$0x3FB0]  }
0x2d: {  	s3 =	simm.s32 $0x108;
	s8 =	sld [smem:$0x3FB1]  }
0x2e: {  	s3 =	simm.s32 @!p0 $0x1082;
	s9 =	sld [smem:$0x3FB2]  }
0x2f: {  	lr =	sadd.s32 s0, s3;
	s0 =	sld [smem:$0x3FA9]  }
0x30: {  	s3 =	sld [smem:$0x3FAC]  }
0x31: {  	[smem:$0x3FB5] =	sst s10  }
0x32: {  	s10 =	sld [smem:$0x3FB3];
	_ =	sdelay $0x3  }
0x33: {  	p0 =	seq.s32 s10, $0x1;
	s10 =	sld [smem:$0x3FB5];
	_ =	sdelay $0x3  }
0x34: {  	[smem:$0x3FB5] =	sst s10  }
0x35: {  	s10 =	sld [smem:$0x3FB4];
	_ =	sdelay $0x3  }
0x36: {  	p1 =	seq.s32 s10, $0x1;
	s10 =	sld [smem:$0x3FB5];
	_ =	sdelay $0x3  }
0x37: {  	[smem:$0x3FB5] =	sst s10  }
0x38: {  	s10 =	sld [smem:$0x3FB6]  }
0x39: {  	_ = 	snop;
	(pc) =	sbr.ind lr, $3  }
0x3a: {  	_ = 	snop  }
0x3b: {  	_ = 	snop  }
0x3c: {  	p2 =	seq.s32 s10, $0x1;
	s10 =	sld [smem:$0x3FB5]  }
0x3d: {  	_ =	shalt  }
0x3e: {  	_ =	shalt  }
0x3f: {  	_ =	shalt  }
0x40: {  	_ =	shalt  }
0x41: {  	_ =	shalt  }
0x42: {  	_ =	shalt  }
0x43: {  	_ =	shalt  }
0x44: {  	_ =	shalt  }
0x45: {  	_ =	shalt  }
0x46: {  	_ =	shalt  }
0x47: {  	_ =	shalt  }
0x48: {  	_ =	shalt  }
0x49: {  	_ =	shalt  }
0x4a: {  	_ =	shalt  }
0x4b: {  	_ =	shalt  }
0x4c: {  	_ =	shalt  }
0x4d: {  	_ =	shalt  }
0x4e: {  	_ =	shalt  }
0x4f: {  	_ =	shalt  }
0x50: {  	_ =	shalt  }
0x51: {  	_ =	shalt  }
0x52: {  	_ =	shalt  }
0x53: {  	_ =	shalt  }
0x54: {  	_ =	shalt  }
0x55: {  	_ =	shalt  }
0x56: {  	_ =	shalt  }
0x57: {  	_ =	shalt  }
0x58: {  	_ =	shalt  }
0x59: {  	_ =	shalt  }
0x5a: {  	_ =	shalt  }
0x5b: {  	_ =	shalt  }
0x5c: {  	_ =	shalt  }
0x5d: {  	_ =	shalt  }
0x5e: {  	_ =	shalt  }
0x5f: {  	_ =	shalt  }
0x60: {  	_ =	shalt  }
0x61: {  	_ =	shalt  }
0x62: {  	_ =	shalt  }
0x63: {  	_ =	shalt  }
0x64: {  	_ =	shalt  }
0x65: {  	_ =	shalt  }
0x66: {  	_ =	shalt  }
0x67: {  	_ =	shalt  }
0x68: {  	_ =	shalt  }
0x69: {  	_ =	shalt  }
0x6a: {  	_ =	shalt  }
0x6b: {  	_ =	shalt  }
0x6c: {  	_ =	shalt  }
0x6d: {  	_ =	shalt  }
0x6e: {  	_ =	shalt  }
0x6f: {  	_ =	shalt  }
0x70: {  	_ =	shalt  }
0x71: {  	_ =	shalt  }
0x72: {  	_ =	shalt  }
0x73: {  	_ =	shalt  }
0x74: {  	_ =	shalt  }
0x75: {  	_ =	shalt  }
0x76: {  	_ =	shalt  }
0x77: {  	_ =	shalt  }
0x78: {  	_ =	shalt  }
0x79: {  	_ =	shalt  }
0x7a: {  	_ =	shalt  }
0x7b: {  	_ =	shalt  }
0x7c: {  	_ =	shalt  }
0x7d: {  	_ =	shalt  }
0x7e: {  	_ =	shalt  }
0x7f: {  	_ =	shalt  }
0x80: {  	_ =	shalt  }
0x81: {  	_ =	shalt  }
0x82: {  	_ =	shalt  }
0x83: {  	_ =	shalt  }
0x84: {  	_ =	shalt  }
0x85: {  	_ =	shalt  }
0x86: {  	_ =	shalt  }
0x87: {  	_ =	shalt  }
.Lfunc_end0:
.L_simem_size_0:
called_computation_lowered:
.L_overlay_start_0:
0x88: {  	s2 =	sld [smem:$0x3FD9]  }
0x89: {  	s3 =	sld [smem:$0x3FFE];
	_ =	sdelay $0x1  }
0x8a: {  	s1 =	srdreg.scid  }
0x8b: {  	s0 =	sand.u32 $0x1, s1  }
0x8c: {  	s14 =	sshll.u32 s0, $0xA;
	s2 =	sadd.s32 s3, s2  }
0x8d: {  	s2 =	sadd.s32 s2, s14  }
0x8e: {  	[smem:$0x3FC1] =	sst s2  }
0x8f: {  	_ = 	snop  }
0x90: {  	s2 =	sld [smem:$0x3FD0];
	_ =	sdelay $0x2  }
0x91: {  	s15 =	simm.s32 $0xA;
	s4 =	simm.s32 $0x10  }
0x92: {  	[smem:s4], [sflag:s15] =	dma.local [hbm:s2], $0x1  }
0x93: {  	_ =	swait.eq [sflag:s15], $0x1  }
0x94: {  	[sflag:s15] =	ssyncset.done $0x0  }
0x95: {  	[sflag:s15] =	ssyncadd.s32 $0xFFFFFFFF  }
0x96: {  	s16 =	sld [smem:$0x10];
	(tm) =	ssettm $0x1  }
0x97: {  	s17 =	sld [smem:$0x3FFB];
	_ =	sdelay $0x3  }
0x98: {  	_ =	strace s17  }
0x99: {  	s3 =	sld [smem:$0x3FFC];
	_ =	sdelay $0x3  }
0x9a: {  	_ =	strace s3  }
0x9b: {  	s3 =	sld [smem:$0x3FFD];
	_ =	sdelay $0x3  }
0x9c: {  	_ =	strace s3  }
0x9d: {  	_ =	strace $0x8FFFFFFF  }
0x9e: {  	s18 =	sld [smem:$0x3FDB];
	_ =	sdelay $0x1  }
0x9f: {  	s19 =	simm.s32 $_scs_section_size  }
0xa0: {  	s5 =	simm.s32 $_size__tile_overlayer_lowered;
	s6 =	simm.s32 $_tile_overlayer_lowered  }
0xa1: {  	s22 =	simm.s32 $0x1BFF;
	s21 =	sshll.u32 s6, $0x1;
	s3 =	sadd.s32 s19, s18  }
0xa2: {  	s7 =	simm.s32 $0x0;
	s20 =	sshll.u32 s5, $0x1;
	s5 =	sadd.s32 s21, s3  }
0xa3: {  	[timem:s7], [sflag:s22] =	dma.local [hbm:s5], s20  }
0xa4: {  	_ =	swait.ge [sflag:s22], s20  }
0xa5: {  	s4 =	ssub.s32 $0x0, s20;
	[sflag:s22] =	ssyncset.done $0x0  }
0xa6: {  	[sflag:s22] =	ssyncadd.s32 s4;
	_ =	sdelay $0x1  }
0xa7: {  	s23 =	simm.s32 $0x1B8B  }
0xa8: {  	_ =	swait.ge [sflag:s23], $0x1  }
0xa9: {  	[sflag:s23] =	ssyncset.done $0x0  }
0xaa: {  	s25 =	simm.s32 $0x1B8E;
	s24 =	sld [smem:$0x3FFE];
	[sflag:s23] =	ssyncadd.s32 $0xFFFFFFFF  }
0xab: {  	s26 =	simm.s32 $execute0_lowered;
	[smem:$0x3FD2] =	sst s25  }
0xac: {  	s5 =	sshll.u32 s26, $0x1;
	_ =	strace $0x80000046;
	[dreg:$0x1] =	wrdreg $0xFFFFFFFF  }
0xad: {  	s28 =	simm.s32 $_size_execute0_lowered;
	s3 =	sadd.s32 s3, s5;
	[dreg:$0x0] =	wrdreg $0x0  }
0xae: {  	s5 =	sshll.u32 s28, $0x1;
	[dreg:$0x2] =	wrdreg s3  }
0xaf: {  	[dreg:$0x3] =	wrdreg s5  }
0xb0: {  	[dreg:$0x4] =	wrdreg $0xC0  }
0xb1: {  	_ =	task [dreg:s7], $0x5FFFF  }
0xb2: {  	[dreg:$0x1] =	wrdreg $0xFFFFFFFF  }
0xb3: {  	[dreg:$0x0] =	wrdreg $0x60  }
0xb4: {  	[dreg:$0x2] =	wrdreg s24  }
0xb5: {  	[dreg:$0x3] =	wrdreg s16  }
0xb6: {  	[dreg:$0x4] =	wrdreg $0x0  }
0xb7: {  	[dreg:$0x5] =	wrdreg $0x9  }
0xb8: {  	_ =	task.clear_ibuf [dreg:s7], $0x6FFFF;
	_ =	strace $0x90000046  }
0xb9: {  	s29 =	simm.s32 $0x9;
	_ =	strace $0x80000048  }
0xba: {  	_ =	swait.ge [sflag:s29], $0x1  }
0xbb: {  	[sflag:s29] =	ssyncadd.s32 $0xFFFFFFFF  }
0xbc: {  	_ =	strace $0x90000048  }
0xbd: {  	_ =	sfence  }
0xbe: {  	s30 =	sld [smem:$0x0];
	_ =	sdelay $0x2  }
0xbf: {  	s31 =	sshll.u32 s1, $0xD;
	s1 =	sshrl.u32 s1, $0x2  }
0xc0: {  	s3 =	sand.u32 $0x4000, s31;
	s1 =	sadd.s32 s1, s30  }
0xc1: {  	s0 =	sor.u32 s3, s0;
	s1 =	sshll.u32 s1, $0x11  }
0xc2: {  	s0 =	sor.u32 s1, s0  }
0xc3: {  	s0 =	sadd.s32 $0x8F2B, s0  }
0xc4: {  	[sflag:s0] =	ssyncadd.remote.s32 $0x1  }
0xc5: {  	_ =	sfence.sel $0xFFFF  }
0xc6: {  	[dreg:$0x0] =	wrdreg $0xFFFFFFFF;
	(pc) =	sbr.abs _section_cstart, $3  }
0xc7: {  	[dreg:$0x1] =	wrdreg $0xFFFFFFFF  }
0xc8: {  	_ =	task.clear_ibuf [dreg:s7], $0x2FFFF;
	_ =	strace $0x9FFFFFFF  }
0xc9: {  	(tm) =	ssettm $0x7FFFFFFF  }
tec
execute0_lowered:
.L_overlay_start_1:
0x0: {  	(tag) =	ssettag $0x1  }
0x1: {  	s5 =	rddreg [dreg:$0x0]  }
0x2: {  	s2 =	rddreg [dreg:$0x1]  }
0x3: {  	s3 =	rddreg [dreg:$0x2]  }
0x4: {  	s0 =	srdreg.scid;
	s1 =	rddreg [dreg:$0x3];
	s4 =	simm.s32 $0x0  }
0x5: {  	s15 =	simm.s32 $0x14000;
	s16 =	simm.s32 $0x80;
	s17 =	simm.s32 $0x14080  }
0x6: {  	s18 =	simm.s32 $0x14100;
	s19 =	simm.s32 $0x14180;
	s6 =	sand.u32 $0x1, s0  }
0x7: {  	s20 =	simm.s32 $0x14200;
	s0 =	stileid.u32;
	s7 =	smul.u32 $0x5000, s6  }
0x8: {  	s21 =	simm.s32 $0x14280;
	s22 =	simm.s32 $0x14300;
	s8 =	smul.u32 $0x14000, s0  }
0x9: {  	s23 =	simm.s32 $0x14380;
	[smem:$0x7FF] =	sst s4;
	s9 =	smul.u32 $0x280000, s6  }
0xa: {  	s24 =	simm.s32 $0x0;
	_ =	strace $0x80000047;
	s30 =	smul.u32 $0x50000, s0  }
0xb: {  	s31 =	ssub.s32 $0x2, s6;
	s11 =	smul.u32 $0x500, s0;
	s13 =	sshll.u32 s0, $0x6  }
0xc: {  	s6 =	sshrl.u32 s31, $0x1;
	s13 =	sor.u32 $0x1C01, s13;
	s10 =	sadd.s32 s7, s5  }
0xd: {  	s29 =	sadd.s32 s8, s9;
	s8 =	sshrl.u32 s8, $0x3;
	s9 =	sshrl.u32 s30, $0x2  }
0xe: {  	s12 =	ssub.s32 s31, s6;
	s7 =	sshrl.u32 s29, $0x3;
	s8 =	sadd.s32 s8, s5  }
0xf: {  	s14 =	sadd.s32 s9, s3;
	s10 =	sadd.s32 s11, s10;
	s11 =	simm.s32 $0x14400  }
0x10: {  	s7 =	sadd.s32 s7, s5;
	s5 =	sadd.s32 $0x20600, s8;
	s8 =	smax.u32 s12, $0x1  }
0x11: {  	s9 =	sadd.s32 $0xC600, s10;
	s10 =	sadd.s32 $0x16600, s10;
	s12 =	simm.s32 $0x1  }
0x12: {  	s14 =	sshrl.u32 s14, $0x3;
	s6 =	sadd.s32 $0x48600, s7;
	s7 =	sadd.s32 $0x70600, s7  }
.LBB2_1:
0x13: {  	[tilespmem:s11], [sflag:$0x1] =	stream.linear.gather [hbm4b:s2+s4], $0x4000, $0x38;
	[tilespmem:$0x18400] =	vst v63  }
0x14: {  	_ =	swait.ge [sflag:s12], $0x4000  }
0x15: {  	[sflag:s12] =	ssyncset.done $0x0  }
0x16: {  	[sflag:s12] =	ssyncadd.s32 $0xFFFFC000  }
0x17: {  	[spmem:s14], [sflag:s13] =	dma.local [hbm:s5], $0x2800  }
0x18: {  	_ =	swait.ge [sflag:s12], $0x2800  }
0x19: {  	[sflag:s12] =	ssyncset.done $0x0  }
0x1a: {  	[sflag:s12] =	ssyncadd.s32 $0xFFFFD800  }
0x1b: {  	s25 =	sadd.s32 $0x0, s9;
	[bflag:$0x0] =	sbarrier.arrive $0xFFFF  }
0x1c: {  	[tilespmem:s15], [sflag:$0x1] =	stream.linear.gather [hbm4b:s25+s4], $0x400, $0x38;
	[tilespmem:$0x18400] =	vst v63  }
0x1d: {  	_ =	swait.ge [sflag:s12], $0x400  }
0x1e: {  	[sflag:s12] =	ssyncset.done $0x0  }
0x1f: {  	[sflag:s12] =	ssyncadd.s32 $0xFFFFFC00  }
0x20: {  	[spmem:s3] =	stream.indirect.scatter.add.f32 [tilespmem:s11], [sflag:$0x1], $0x80, s15, s16, $0xb8;
	[tilespmem:$0x18400] =	vst v63  }
0x21: {  	_ =	swait.ge [sflag:s12], $0x4000  }
0x22: {  	[sflag:s12] =	ssyncset.done $0x0  }
0x23: {  	[sflag:s12] =	ssyncadd.s32 $0xFFFFC000  }
0x24: {  	[spmem:s3] =	stream.indirect.scatter.add.f32 [tilespmem:s11], [sflag:$0x1], $0x80, s17, s16, $0xb8;
	[tilespmem:$0x18400] =	vst v63  }
0x25: {  	_ =	swait.ge [sflag:s12], $0x4000  }
0x26: {  	[sflag:s12] =	ssyncset.done $0x0  }
0x27: {  	[sflag:s12] =	ssyncadd.s32 $0xFFFFC000  }
0x28: {  	[spmem:s3] =	stream.indirect.scatter.add.f32 [tilespmem:s11], [sflag:$0x1], $0x80, s18, s16, $0xb8;
	[tilespmem:$0x18400] =	vst v63  }
0x29: {  	_ =	swait.ge [sflag:s12], $0x4000  }
0x2a: {  	[sflag:s12] =	ssyncset.done $0x0  }
0x2b: {  	[sflag:s12] =	ssyncadd.s32 $0xFFFFC000  }
0x2c: {  	[spmem:s3] =	stream.indirect.scatter.add.f32 [tilespmem:s11], [sflag:$0x1], $0x80, s19, s16, $0xb8;
	[tilespmem:$0x18400] =	vst v63  }
0x2d: {  	_ =	swait.ge [sflag:s12], $0x4000  }
0x2e: {  	[sflag:s12] =	ssyncset.done $0x0  }
0x2f: {  	[sflag:s12] =	ssyncadd.s32 $0xFFFFC000  }
0x30: {  	[spmem:s3] =	stream.indirect.scatter.add.f32 [tilespmem:s11], [sflag:$0x1], $0x80, s20, s16, $0xb8;
	[tilespmem:$0x18400] =	vst v63  }
0x31: {  	_ =	swait.ge [sflag:s12], $0x4000  }
0x32: {  	[sflag:s12] =	ssyncset.done $0x0  }
0x33: {  	[sflag:s12] =	ssyncadd.s32 $0xFFFFC000  }
0x34: {  	[spmem:s3] =	stream.indirect.scatter.add.f32 [tilespmem:s11], [sflag:$0x1], $0x80, s21, s16, $0xb8;
	[tilespmem:$0x18400] =	vst v63  }
0x35: {  	_ =	swait.ge [sflag:s12], $0x4000  }
0x36: {  	[sflag:s12] =	ssyncset.done $0x0  }
0x37: {  	[sflag:s12] =	ssyncadd.s32 $0xFFFFC000  }
0x38: {  	[spmem:s3] =	stream.indirect.scatter.add.f32 [tilespmem:s11], [sflag:$0x1], $0x80, s22, s16, $0xb8;
	[tilespmem:$0x18400] =	vst v63  }
0x39: {  	_ =	swait.ge [sflag:s12], $0x4000  }
0x3a: {  	[sflag:s12] =	ssyncset.done $0x0  }
0x3b: {  	[sflag:s12] =	ssyncadd.s32 $0xFFFFC000  }
0x3c: {  	[spmem:s3] =	stream.indirect.scatter.add.f32 [tilespmem:s11], [sflag:$0x1], $0x80, s23, s16, $0xb8;
	[tilespmem:$0x18400] =	vst v63  }
0x3d: {  	_ =	swait.ge [sflag:s12], $0x4000  }
0x3e: {  	s28 =	simm.s32 $0x100;
	s25 =	simm.s32 $0x80;
	[sflag:s12] =	ssyncset.done $0x0  }
.LBB2_2:
0x3f: {  	s29 =	sadd.s32 s25, s9  }
0x40: {  	[sflag:s12] =	ssyncadd.s32 $0xFFFFC000;
	s25 =	smov.u32 s28;
	s26 =	sadd.s32 $0x80, s28  }
0x41: {  	[tilespmem:s15], [sflag:$0x1] =	stream.linear.gather [hbm4b:s29+s4], $0x400, $0x38;
	[tilespmem:$0x18400] =	vst v63  }
0x42: {  	p0 =	sne.s32 s28, $0x480;
	_ =	swait.ge [sflag:s12], $0x400  }
0x43: {  	[sflag:s12] =	ssyncset.done $0x0  }
0x44: {  	[sflag:s12] =	ssyncadd.s32 $0xFFFFFC00  }
0x45: {  	[spmem:s3] =	stream.indirect.scatter.add.f32 [tilespmem:s11], [sflag:$0x1], $0x80, s15, s16, $0xb8;
	[tilespmem:$0x18400] =	vst v63  }
0x46: {  	_ =	swait.ge [sflag:s12], $0x4000  }
0x47: {  	[sflag:s12] =	ssyncset.done $0x0  }
0x48: {  	[sflag:s12] =	ssyncadd.s32 $0xFFFFC000  }
0x49: {  	[spmem:s3] =	stream.indirect.scatter.add.f32 [tilespmem:s11], [sflag:$0x1], $0x80, s17, s16, $0xb8;
	[tilespmem:$0x18400] =	vst v63  }
0x4a: {  	_ =	swait.ge [sflag:s12], $0x4000  }
0x4b: {  	[sflag:s12] =	ssyncset.done $0x0  }
0x4c: {  	[sflag:s12] =	ssyncadd.s32 $0xFFFFC000  }
0x4d: {  	[spmem:s3] =	stream.indirect.scatter.add.f32 [tilespmem:s11], [sflag:$0x1], $0x80, s18, s16, $0xb8;
	[tilespmem:$0x18400] =	vst v63  }
0x4e: {  	_ =	swait.ge [sflag:s12], $0x4000  }
0x4f: {  	[sflag:s12] =	ssyncset.done $0x0  }
0x50: {  	[sflag:s12] =	ssyncadd.s32 $0xFFFFC000  }
0x51: {  	[spmem:s3] =	stream.indirect.scatter.add.f32 [tilespmem:s11], [sflag:$0x1], $0x80, s19, s16, $0xb8;
	[tilespmem:$0x18400] =	vst v63  }
0x52: {  	_ =	swait.ge [sflag:s12], $0x4000  }
0x53: {  	[sflag:s12] =	ssyncset.done $0x0  }
0x54: {  	[sflag:s12] =	ssyncadd.s32 $0xFFFFC000  }
0x55: {  	[spmem:s3] =	stream.indirect.scatter.add.f32 [tilespmem:s11], [sflag:$0x1], $0x80, s20, s16, $0xb8;
	[tilespmem:$0x18400] =	vst v63  }
0x56: {  	_ =	swait.ge [sflag:s12], $0x4000  }
0x57: {  	[sflag:s12] =	ssyncset.done $0x0  }
0x58: {  	[sflag:s12] =	ssyncadd.s32 $0xFFFFC000  }
0x59: {  	[spmem:s3] =	stream.indirect.scatter.add.f32 [tilespmem:s11], [sflag:$0x1], $0x80, s21, s16, $0xb8;
	[tilespmem:$0x18400] =	vst v63  }
0x5a: {  	_ =	swait.ge [sflag:s12], $0x4000  }
0x5b: {  	[sflag:s12] =	ssyncset.done $0x0  }
0x5c: {  	[sflag:s12] =	ssyncadd.s32 $0xFFFFC000  }
0x5d: {  	[spmem:s3] =	stream.indirect.scatter.add.f32 [tilespmem:s11], [sflag:$0x1], $0x80, s22, s16, $0xb8;
	[tilespmem:$0x18400] =	vst v63  }
0x5e: {  	_ =	swait.ge [sflag:s12], $0x4000  }
.Ltmp0:
0x5f: {  	[sflag:s12] =	ssyncset.done $0x0;
	(pc) =	sbr.rel @p0 .LBB2_2-.Ltmp0, $4  }
0x60: {  	[sflag:s12] =	ssyncadd.s32 $0xFFFFC000  }
0x61: {  	[spmem:s3] =	stream.indirect.scatter.add.f32 [tilespmem:s11], [sflag:$0x1], $0x80, s23, s16, $0xb8;
	[tilespmem:$0x18400] =	vst v63  }
0x62: {  	_ =	swait.ge [sflag:s12], $0x4000  }
0x63: {  	s28 =	smov.u32 s26;
	[sflag:s12] =	ssyncset.done $0x0  }
0x64: {  	s25 =	sadd.s32 s25, s9;
	[sflag:s12] =	ssyncadd.s32 $0xFFFFC000  }
0x65: {  	[tilespmem:s15], [sflag:$0x1] =	stream.linear.gather [hbm4b:s25+s4], $0x400, $0x38;
	[tilespmem:$0x18400] =	vst v63  }
0x66: {  	_ =	swait.ge [sflag:s12], $0x400  }
0x67: {  	[sflag:s12] =	ssyncset.done $0x0  }
0x68: {  	[sflag:s12] =	ssyncadd.s32 $0xFFFFFC00  }
0x69: {  	[spmem:s3] =	stream.indirect.scatter.add.f32 [tilespmem:s11], [sflag:$0x1], $0x80, s15, s16, $0xb8;
	[tilespmem:$0x18400] =	vst v63  }
0x6a: {  	_ =	swait.ge [sflag:s12], $0x4000  }
0x6b: {  	[sflag:s12] =	ssyncset.done $0x0  }
0x6c: {  	[sflag:s12] =	ssyncadd.s32 $0xFFFFC000  }
0x6d: {  	[spmem:s3] =	stream.indirect.scatter.add.f32 [tilespmem:s11], [sflag:$0x1], $0x80, s17, s16, $0xb8;
	[tilespmem:$0x18400] =	vst v63  }
0x6e: {  	_ =	swait.ge [sflag:s12], $0x4000  }
0x6f: {  	[sflag:s12] =	ssyncset.done $0x0  }
0x70: {  	[sflag:s12] =	ssyncadd.s32 $0xFFFFC000  }
0x71: {  	[spmem:s3] =	stream.indirect.scatter.add.f32 [tilespmem:s11], [sflag:$0x1], $0x80, s18, s16, $0xb8;
	[tilespmem:$0x18400] =	vst v63  }
0x72: {  	_ =	swait.ge [sflag:s12], $0x4000  }
0x73: {  	[sflag:s12] =	ssyncset.done $0x0  }
0x74: {  	[sflag:s12] =	ssyncadd.s32 $0xFFFFC000  }
0x75: {  	[spmem:s3] =	stream.indirect.scatter.add.f32 [tilespmem:s11], [sflag:$0x1], $0x80, s19, s16, $0xb8;
	[tilespmem:$0x18400] =	vst v63  }
0x76: {  	_ =	swait.ge [sflag:s12], $0x4000  }
0x77: {  	[sflag:s12] =	ssyncset.done $0x0  }
0x78: {  	[sflag:s12] =	ssyncadd.s32 $0xFFFFC000  }
0x79: {  	[spmem:s3] =	stream.indirect.scatter.add.f32 [tilespmem:s11], [sflag:$0x1], $0x80, s20, s16, $0xb8;
	[tilespmem:$0x18400] =	vst v63  }
0x7a: {  	_ =	swait.ge [sflag:s12], $0x4000  }
0x7b: {  	[sflag:s12] =	ssyncset.done $0x0  }
0x7c: {  	[sflag:s12] =	ssyncadd.s32 $0xFFFFC000  }
0x7d: {  	[spmem:s3] =	stream.indirect.scatter.add.f32 [tilespmem:s11], [sflag:$0x1], $0x80, s21, s16, $0xb8;
	[tilespmem:$0x18400] =	vst v63  }
0x7e: {  	_ =	swait.ge [sflag:s12], $0x4000  }
0x7f: {  	[sflag:s12] =	ssyncset.done $0x0  }
0x80: {  	[sflag:s12] =	ssyncadd.s32 $0xFFFFC000  }
0x81: {  	[spmem:s3] =	stream.indirect.scatter.add.f32 [tilespmem:s11], [sflag:$0x1], $0x80, s22, s16, $0xb8;
	[tilespmem:$0x18400] =	vst v63  }
0x82: {  	_ =	swait.ge [sflag:s12], $0x4000  }
0x83: {  	[sflag:s12] =	ssyncset.done $0x0  }
0x84: {  	[sflag:s12] =	ssyncadd.s32 $0xFFFFC000  }
0x85: {  	[spmem:s3] =	stream.indirect.scatter.add.f32 [tilespmem:s11], [sflag:$0x1], $0x80, s23, s16, $0xb8;
	[tilespmem:$0x18400] =	vst v63  }
0x86: {  	_ =	swait.ge [sflag:s12], $0x4000  }
0x87: {  	[sflag:s12] =	ssyncset.done $0x0  }
0x88: {  	[sflag:s12] =	ssyncadd.s32 $0xFFFFC000  }
0x89: {  	[bflag:$0x0] =	sbarrier.arrive $0xFFFF  }
0x8a: {  	[hbm:s6], [sflag:s13] =	dma.local [spmem:s14], $0x2800  }
0x8b: {  	_ =	swait.ge [sflag:s12], $0x2800  }
0x8c: {  	[sflag:s12] =	ssyncset.done $0x0  }
0x8d: {  	[sflag:s12] =	ssyncadd.s32 $0xFFFFD800  }
0x8e: {  	[bflag:$0x0] =	sbarrier.arrive $0xFFFF  }
0x8f: {  	[spmem:s14], [sflag:s13] =	dma.local [hbm:s5], $0x2800  }
0x90: {  	_ =	swait.ge [sflag:s12], $0x2800  }
0x91: {  	[sflag:s12] =	ssyncset.done $0x0  }
0x92: {  	[sflag:s12] =	ssyncadd.s32 $0xFFFFD800  }
0x93: {  	s31 =	sadd.s32 $0x0, s10;
	[bflag:$0x0] =	sbarrier.arrive $0xFFFF  }
0x94: {  	[tilespmem:s15], [sflag:$0x1] =	stream.linear.gather [hbm4b:s31+s4], $0x400, $0x38;
	[tilespmem:$0x18400] =	vst v63  }
0x95: {  	_ =	swait.ge [sflag:s12], $0x400  }
0x96: {  	[sflag:s12] =	ssyncset.done $0x0  }
0x97: {  	[sflag:s12] =	ssyncadd.s32 $0xFFFFFC00  }
0x98: {  	[spmem:s3] =	stream.indirect.scatter.add.f32 [tilespmem:s11], [sflag:$0x1], $0x80, s15, s16, $0xb8;
	[tilespmem:$0x18400] =	vst v63  }
0x99: {  	_ =	swait.ge [sflag:s12], $0x4000  }
0x9a: {  	[sflag:s12] =	ssyncset.done $0x0  }
0x9b: {  	[sflag:s12] =	ssyncadd.s32 $0xFFFFC000  }
0x9c: {  	[spmem:s3] =	stream.indirect.scatter.add.f32 [tilespmem:s11], [sflag:$0x1], $0x80, s17, s16, $0xb8;
	[tilespmem:$0x18400] =	vst v63  }
0x9d: {  	_ =	swait.ge [sflag:s12], $0x4000  }
0x9e: {  	[sflag:s12] =	ssyncset.done $0x0  }
0x9f: {  	[sflag:s12] =	ssyncadd.s32 $0xFFFFC000  }
0xa0: {  	[spmem:s3] =	stream.indirect.scatter.add.f32 [tilespmem:s11], [sflag:$0x1], $0x80, s18, s16, $0xb8;
	[tilespmem:$0x18400] =	vst v63  }
0xa1: {  	_ =	swait.ge [sflag:s12], $0x4000  }
0xa2: {  	[sflag:s12] =	ssyncset.done $0x0  }
0xa3: {  	[sflag:s12] =	ssyncadd.s32 $0xFFFFC000  }
0xa4: {  	[spmem:s3] =	stream.indirect.scatter.add.f32 [tilespmem:s11], [sflag:$0x1], $0x80, s19, s16, $0xb8;
	[tilespmem:$0x18400] =	vst v63  }
0xa5: {  	_ =	swait.ge [sflag:s12], $0x4000  }
0xa6: {  	[sflag:s12] =	ssyncset.done $0x0  }
0xa7: {  	[sflag:s12] =	ssyncadd.s32 $0xFFFFC000  }
0xa8: {  	[spmem:s3] =	stream.indirect.scatter.add.f32 [tilespmem:s11], [sflag:$0x1], $0x80, s20, s16, $0xb8;
	[tilespmem:$0x18400] =	vst v63  }
0xa9: {  	_ =	swait.ge [sflag:s12], $0x4000  }
0xaa: {  	[sflag:s12] =	ssyncset.done $0x0  }
0xab: {  	[sflag:s12] =	ssyncadd.s32 $0xFFFFC000  }
0xac: {  	[spmem:s3] =	stream.indirect.scatter.add.f32 [tilespmem:s11], [sflag:$0x1], $0x80, s21, s16, $0xb8;
	[tilespmem:$0x18400] =	vst v63  }
0xad: {  	_ =	swait.ge [sflag:s12], $0x4000  }
0xae: {  	[sflag:s12] =	ssyncset.done $0x0  }
0xaf: {  	[sflag:s12] =	ssyncadd.s32 $0xFFFFC000  }
0xb0: {  	[spmem:s3] =	stream.indirect.scatter.add.f32 [tilespmem:s11], [sflag:$0x1], $0x80, s22, s16, $0xb8;
	[tilespmem:$0x18400] =	vst v63  }
0xb1: {  	_ =	swait.ge [sflag:s12], $0x4000  }
0xb2: {  	[sflag:s12] =	ssyncset.done $0x0  }
0xb3: {  	[sflag:s12] =	ssyncadd.s32 $0xFFFFC000  }
0xb4: {  	[spmem:s3] =	stream.indirect.scatter.add.f32 [tilespmem:s11], [sflag:$0x1], $0x80, s23, s16, $0xb8;
	[tilespmem:$0x18400] =	vst v63  }
0xb5: {  	_ =	swait.ge [sflag:s12], $0x4000  }
0xb6: {  	s28 =	simm.s32 $0x100;
	s25 =	simm.s32 $0x80;
	[sflag:s12] =	ssyncset.done $0x0  }
.LBB2_4:
0xb7: {  	s29 =	sadd.s32 s25, s10  }
0xb8: {  	[sflag:s12] =	ssyncadd.s32 $0xFFFFC000;
	s25 =	smov.u32 s28;
	s26 =	sadd.s32 $0x80, s28  }
0xb9: {  	[tilespmem:s15], [sflag:$0x1] =	stream.linear.gather [hbm4b:s29+s4], $0x400, $0x38;
	[tilespmem:$0x18400] =	vst v63  }
0xba: {  	p0 =	sne.s32 s28, $0x480;
	_ =	swait.ge [sflag:s12], $0x400  }
0xbb: {  	[sflag:s12] =	ssyncset.done $0x0  }
0xbc: {  	[sflag:s12] =	ssyncadd.s32 $0xFFFFFC00  }
0xbd: {  	[spmem:s3] =	stream.indirect.scatter.add.f32 [tilespmem:s11], [sflag:$0x1], $0x80, s15, s16, $0xb8;
	[tilespmem:$0x18400] =	vst v63  }
0xbe: {  	_ =	swait.ge [sflag:s12], $0x4000  }
0xbf: {  	[sflag:s12] =	ssyncset.done $0x0  }
0xc0: {  	[sflag:s12] =	ssyncadd.s32 $0xFFFFC000  }
0xc1: {  	[spmem:s3] =	stream.indirect.scatter.add.f32 [tilespmem:s11], [sflag:$0x1], $0x80, s17, s16, $0xb8;
	[tilespmem:$0x18400] =	vst v63  }
0xc2: {  	_ =	swait.ge [sflag:s12], $0x4000  }
0xc3: {  	[sflag:s12] =	ssyncset.done $0x0  }
0xc4: {  	[sflag:s12] =	ssyncadd.s32 $0xFFFFC000  }
0xc5: {  	[spmem:s3] =	stream.indirect.scatter.add.f32 [tilespmem:s11], [sflag:$0x1], $0x80, s18, s16, $0xb8;
	[tilespmem:$0x18400] =	vst v63  }
0xc6: {  	_ =	swait.ge [sflag:s12], $0x4000  }
0xc7: {  	[sflag:s12] =	ssyncset.done $0x0  }
0xc8: {  	[sflag:s12] =	ssyncadd.s32 $0xFFFFC000  }
0xc9: {  	[spmem:s3] =	stream.indirect.scatter.add.f32 [tilespmem:s11], [sflag:$0x1], $0x80, s19, s16, $0xb8;
	[tilespmem:$0x18400] =	vst v63  }
0xca: {  	_ =	swait.ge [sflag:s12], $0x4000  }
0xcb: {  	[sflag:s12] =	ssyncset.done $0x0  }
0xcc: {  	[sflag:s12] =	ssyncadd.s32 $0xFFFFC000  }
0xcd: {  	[spmem:s3] =	stream.indirect.scatter.add.f32 [tilespmem:s11], [sflag:$0x1], $0x80, s20, s16, $0xb8;
	[tilespmem:$0x18400] =	vst v63  }
0xce: {  	_ =	swait.ge [sflag:s12], $0x4000  }
0xcf: {  	[sflag:s12] =	ssyncset.done $0x0  }
0xd0: {  	[sflag:s12] =	ssyncadd.s32 $0xFFFFC000  }
0xd1: {  	[spmem:s3] =	stream.indirect.scatter.add.f32 [tilespmem:s11], [sflag:$0x1], $0x80, s21, s16, $0xb8;
	[tilespmem:$0x18400] =	vst v63  }
0xd2: {  	_ =	swait.ge [sflag:s12], $0x4000  }
0xd3: {  	[sflag:s12] =	ssyncset.done $0x0  }
0xd4: {  	[sflag:s12] =	ssyncadd.s32 $0xFFFFC000  }
0xd5: {  	[spmem:s3] =	stream.indirect.scatter.add.f32 [tilespmem:s11], [sflag:$0x1], $0x80, s22, s16, $0xb8;
	[tilespmem:$0x18400] =	vst v63  }
0xd6: {  	_ =	swait.ge [sflag:s12], $0x4000  }
.Ltmp1:
0xd7: {  	[sflag:s12] =	ssyncset.done $0x0;
	(pc) =	sbr.rel @p0 .LBB2_4-.Ltmp1, $4  }
0xd8: {  	[sflag:s12] =	ssyncadd.s32 $0xFFFFC000  }
0xd9: {  	[spmem:s3] =	stream.indirect.scatter.add.f32 [tilespmem:s11], [sflag:$0x1], $0x80, s23, s16, $0xb8;
	[tilespmem:$0x18400] =	vst v63  }
0xda: {  	_ =	swait.ge [sflag:s12], $0x4000  }
0xdb: {  	s28 =	smov.u32 s26;
	[sflag:s12] =	ssyncset.done $0x0  }
0xdc: {  	s25 =	sadd.s32 s25, s10;
	[sflag:s12] =	ssyncadd.s32 $0xFFFFC000  }
0xdd: {  	[tilespmem:s15], [sflag:$0x1] =	stream.linear.gather [hbm4b:s25+s4], $0x400, $0x38;
	[tilespmem:$0x18400] =	vst v63  }
0xde: {  	_ =	swait.ge [sflag:s12], $0x400  }
0xdf: {  	[sflag:s12] =	ssyncset.done $0x0  }
0xe0: {  	[sflag:s12] =	ssyncadd.s32 $0xFFFFFC00  }
0xe1: {  	[spmem:s3] =	stream.indirect.scatter.add.f32 [tilespmem:s11], [sflag:$0x1], $0x80, s15, s16, $0xb8;
	[tilespmem:$0x18400] =	vst v63  }
0xe2: {  	_ =	swait.ge [sflag:s12], $0x4000  }
0xe3: {  	[sflag:s12] =	ssyncset.done $0x0  }
0xe4: {  	[sflag:s12] =	ssyncadd.s32 $0xFFFFC000  }
0xe5: {  	[spmem:s3] =	stream.indirect.scatter.add.f32 [tilespmem:s11], [sflag:$0x1], $0x80, s17, s16, $0xb8;
	[tilespmem:$0x18400] =	vst v63  }
0xe6: {  	_ =	swait.ge [sflag:s12], $0x4000  }
0xe7: {  	[sflag:s12] =	ssyncset.done $0x0  }
0xe8: {  	[sflag:s12] =	ssyncadd.s32 $0xFFFFC000  }
0xe9: {  	[spmem:s3] =	stream.indirect.scatter.add.f32 [tilespmem:s11], [sflag:$0x1], $0x80, s18, s16, $0xb8;
	[tilespmem:$0x18400] =	vst v63  }
0xea: {  	_ =	swait.ge [sflag:s12], $0x4000  }
0xeb: {  	[sflag:s12] =	ssyncset.done $0x0  }
0xec: {  	[sflag:s12] =	ssyncadd.s32 $0xFFFFC000  }
0xed: {  	[spmem:s3] =	stream.indirect.scatter.add.f32 [tilespmem:s11], [sflag:$0x1], $0x80, s19, s16, $0xb8;
	[tilespmem:$0x18400] =	vst v63  }
0xee: {  	_ =	swait.ge [sflag:s12], $0x4000  }
0xef: {  	[sflag:s12] =	ssyncset.done $0x0  }
0xf0: {  	[sflag:s12] =	ssyncadd.s32 $0xFFFFC000  }
0xf1: {  	[spmem:s3] =	stream.indirect.scatter.add.f32 [tilespmem:s11], [sflag:$0x1], $0x80, s20, s16, $0xb8;
	[tilespmem:$0x18400] =	vst v63  }
0xf2: {  	_ =	swait.ge [sflag:s12], $0x4000  }
0xf3: {  	[sflag:s12] =	ssyncset.done $0x0  }
0xf4: {  	[sflag:s12] =	ssyncadd.s32 $0xFFFFC000  }
0xf5: {  	[spmem:s3] =	stream.indirect.scatter.add.f32 [tilespmem:s11], [sflag:$0x1], $0x80, s21, s16, $0xb8;
	[tilespmem:$0x18400] =	vst v63  }
0xf6: {  	_ =	swait.ge [sflag:s12], $0x4000  }
0xf7: {  	[sflag:s12] =	ssyncset.done $0x0  }
0xf8: {  	[sflag:s12] =	ssyncadd.s32 $0xFFFFC000  }
0xf9: {  	[spmem:s3] =	stream.indirect.scatter.add.f32 [tilespmem:s11], [sflag:$0x1], $0x80, s22, s16, $0xb8;
	[tilespmem:$0x18400] =	vst v63  }
0xfa: {  	_ =	swait.ge [sflag:s12], $0x4000  }
0xfb: {  	[sflag:s12] =	ssyncset.done $0x0  }
0xfc: {  	[sflag:s12] =	ssyncadd.s32 $0xFFFFC000  }
0xfd: {  	[spmem:s3] =	stream.indirect.scatter.add.f32 [tilespmem:s11], [sflag:$0x1], $0x80, s23, s16, $0xb8;
	[tilespmem:$0x18400] =	vst v63  }
0xfe: {  	_ =	swait.ge [sflag:s12], $0x4000  }
0xff: {  	[sflag:s12] =	ssyncset.done $0x0  }
0x100: {  	s24 =	sadd.s32 $0x1, s24;
	[sflag:s12] =	ssyncadd.s32 $0xFFFFC000  }
0x101: {  	p0 =	sne.s32 s24, s8;
	[bflag:$0x0] =	sbarrier.arrive $0xFFFF  }
0x102: {  	[hbm:s7], [sflag:s13] =	dma.local [spmem:s14], $0x2800  }
.Ltmp2:
0x103: {  	_ =	swait.ge [sflag:s12], $0x2800;
	(pc) =	sbr.rel @p0 .LBB2_1-.Ltmp2, $3  }
0x104: {  	[sflag:s12] =	ssyncset.done $0x0  }
0x105: {  	[sflag:s12] =	ssyncadd.s32 $0xFFFFD800  }
0x106: {  	[bflag:$0x0] =	sbarrier.arrive $0xFFFF;
	_ =	sdelay $0x1  }
0x107: {  	_ =	sfence.sel $0x180000  }
0x108: {  	[bflag:$0x0] =	sbarrier.arrive $0xFFFF  }
0x109: {  	p0 =	sne.s32 s0, $0x0;
	_ =	strace $0x90000047  }
0x10a: {  	s0 =	sadd.s32 @!p0 $0x100000, s1;
	[bflag:$0x2] =	sbarrier.arrive $0xFFFF  }
0x10b: {  	[sflag:s0] =	ssyncadd.tile.s32 @!p0 $0x1;
	_ =	shalt  }
.Lfunc_end2:
_tile_overlayer_lowered:
.L_overlay_start_2:
0x10c: {  	(tag) =	ssettag $0x2  }
0x10d: {  	s0 =	rddreg [dreg:$0x0];
	s2 =	stileid.u32  }
0x10e: {  	s1 =	rddreg [dreg:$0x1];
	p0 =	sne.s32 s2, $0x0  }
0x10f: {  	s3 =	rddreg [dreg:$0x2];
	[bflag:$0x3] =	sbarrier.arrive $0xFFFF;
	s2 =	simm.s32 @!p0 $0x1C01  }
0x110: {  	[timem:s3], [sflag:s2] =	dma.local @!p0 [hbm:s0], s1  }
0x111: {  	s0 =	simm.s32 @!p0 $0x1  }
0x112: {  	_ =	swait.ge @!p0 [sflag:s0], s1  }
0x113: {  	s1 =	ssub.s32 @!p0 $0x0, s1;
	[sflag:s0] =	ssyncset.done @!p0 $0x0  }
0x114: {  	[sflag:s0] =	ssyncadd.s32 @!p0 s1  }
0x115: {  	[bflag:$0x3] =	sbarrier.arrive $0xFFFF  }
0x116: {  	_ =	shalt  }

</sc_bundles>
